<compile_context>
chip_gen: v7x
topology: tpu7x:2x2x1
jax: 0.10.2.dev20260603
libtpu: 0.0.44.dev20260713+nightly
codegen_flags: <defaults>
</compile_context>

<pallas_src>
import functools

import jax
import jax.numpy as jnp
from jax import lax
from jax.experimental import pallas as pl
from jax.experimental.pallas import tpu as pltpu
from jax.experimental.pallas import tpu_sc as plsc

B, L = 4096, 200
N = B * L
HD = 192
NC, NS = 2, 16
NW = NC * NS
TOK = N // NW
C = 64
NCH = TOK // C
BT = 1024

_BF = jnp.bfloat16

_WIDTHS = (64, 64, 64, 120, 120, 104)
_DSTBUF = (0, 0, 1, 2, 3, 4)
_DSTCOL = (0, 64, 0, 0, 0, 0)


def _sc_gather_body(idx_hbm, t_test, t_q, t_tag, t_tg, t_ser,
                    g1, g2, g3, g4, g5,
                    idx_v, r_test, r_q, r_tag, r_tg1, r_tg2, r_ser,
                    isem, gsem, osem):
    wid = lax.axis_index("s") * NC + lax.axis_index("c")
    base = wid * TOK

    tables = (t_test, t_q, t_tag, t_tg, t_tg, t_ser)
    rows = (r_test, r_q, r_tag, r_tg1, r_tg2, r_ser)
    outs = (g1, g2, g3, g4, g5)

    def in_copy(k, g, p):
        off = base + g * C
        return pltpu.make_async_copy(
            idx_hbm.at[pl.ds(k * N + off, C)], idx_v.at[p, k], isem.at[p])

    def gather_copy(k, p):
        return pltpu.make_async_copy(
            tables[k].at[idx_v.at[p, k]], rows[k].at[p], gsem.at[p])

    def out_copy(k, g, p):
        off = base + g * C
        dst = outs[_DSTBUF[k]].at[pl.ds(off, C),
                                  pl.ds(_DSTCOL[k], _WIDTHS[k])]
        return pltpu.make_async_copy(rows[k].at[p], dst, osem.at[p])

    for k in range(6):
        in_copy(k, 0, 0).start()

    def half(i, p):
        g = 2 * i + p
        q = 1 - p
        if p == 0:
            for k in range(6):
                in_copy(k, g + 1, q).start()
        else:
            @pl.when(i < NCH // 2 - 1)
            def _():
                for k in range(6):
                    in_copy(k, g + 1, q).start()
        @pl.when(i >= 1)
        def _():
            for k in range(6):
                out_copy(k, g - 2, p).wait()
        for k in range(6):
            in_copy(k, g, p).wait()
        for k in range(6):
            gather_copy(k, p).start()
        for k in range(6):
            gather_copy(k, p).wait()
        for k in range(6):
            out_copy(k, g, p).start()

    def body(i, carry):
        half(i, 0)
        half(i, 1)
        return carry

    lax.fori_loop(0, NCH // 2, body, 0)
    for k in range(6):
        out_copy(k, NCH - 2, 0).wait()
    for k in range(6):
        out_copy(k, NCH - 1, 1).wait()


_sc_gather = functools.partial(
    pl.kernel,
    out_type=[jax.ShapeDtypeStruct((N, 128), jnp.float32)] * 5,
    mesh=plsc.VectorSubcoreMesh(core_axis_name="c", subcore_axis_name="s"),
    compiler_params=pltpu.CompilerParams(use_tc_tiling_on_sc=False),
    scratch_types=[
        pltpu.VMEM((2, 6, C), jnp.int32),
        pltpu.VMEM((2, C, 64), jnp.float32),
        pltpu.VMEM((2, C, 64), jnp.float32),
        pltpu.VMEM((2, C, 64), jnp.float32),
        pltpu.VMEM((2, C, 120), jnp.float32),
        pltpu.VMEM((2, C, 120), jnp.float32),
        pltpu.VMEM((2, C, 104), jnp.float32),
        pltpu.SemaphoreType.DMA((2,)),
        pltpu.SemaphoreType.DMA((2,)),
        pltpu.SemaphoreType.DMA((2,)),
    ],
)(_sc_gather_body)


def _tc_body(ii_ref, s_ref, g1_ref, g2_ref, g3_ref, g4_ref, g5_ref,
             ei_ref, wtq_ref, wg_ref, w1_ref, w2_ref, ws_ref,
             wi_ref, wsc_ref, o_ref):
    f32 = jnp.float32
    acc = jnp.dot(g1_ref[...].astype(_BF), wtq_ref[...],
                  preferred_element_type=f32)
    acc += jnp.dot(g2_ref[:, :64].astype(_BF), wg_ref[...],
                   preferred_element_type=f32)
    acc += jnp.dot(g3_ref[:, :120].astype(_BF), w1_ref[...],
                   preferred_element_type=f32)
    acc += jnp.dot(g4_ref[:, :120].astype(_BF), w2_ref[...],
                   preferred_element_type=f32)
    acc += jnp.dot(g5_ref[:, :104].astype(_BF), ws_ref[...],
                   preferred_element_type=f32)
    ii = ii_ref[0, 0, :]
    oh = (ii[:, None] == lax.broadcasted_iota(jnp.int32, (BT, 8), 1)).astype(_BF)
    e_int = jnp.dot(oh, ei_ref[...], preferred_element_type=f32)
    acc += jnp.dot(e_int.astype(_BF), wi_ref[...], preferred_element_type=f32)
    acc += lax.dot_general(s_ref[...], wsc_ref[...], (((0,), (0,)), ((), ())),
                           preferred_element_type=f32)
    o_ref[...] = acc


def _tc_project(ii3, s_feat, g1, g2, g3, g4, g5, ei_pad,
                w_tq, w_tag, w_tg1a, w_tg1b, w_ser, w_int, w_scal):
    rep = lambda shp: pl.BlockSpec(shp, lambda i: (0, 0))
    return pl.pallas_call(
        _tc_body,
        grid=(N // BT,),
        in_specs=[
            pl.BlockSpec((1, 1, BT), lambda i: (i, 0, 0)),
            pl.BlockSpec((8, BT), lambda i: (0, i)),
            pl.BlockSpec((BT, 128), lambda i: (i, 0)),
            pl.BlockSpec((BT, 128), lambda i: (i, 0)),
            pl.BlockSpec((BT, 128), lambda i: (i, 0)),
            pl.BlockSpec((BT, 128), lambda i: (i, 0)),
            pl.BlockSpec((BT, 128), lambda i: (i, 0)),
            rep((8, 64)),
            rep((128, HD)),
            rep((64, HD)),
            rep((120, HD)),
            rep((120, HD)),
            rep((104, HD)),
            rep((64, HD)),
            rep((8, HD)),
        ],
        out_specs=pl.BlockSpec((BT, HD), lambda i: (i, 0)),
        out_shape=jax.ShapeDtypeStruct((N, HD), jnp.float32),
    )(ii3, s_feat, g1, g2, g3, g4, g5, ei_pad,
      w_tq, w_tag, w_tg1a, w_tg1b, w_ser, w_int, w_scal)


def kernel(test, question, tag, correct, mask, interaction, duration,
           test_group_one, test_group_two, serial, solved_count,
           correct_before, wrong_before, same_tag_solved_count,
           same_tag_correct_before, same_tag_wrong_before,
           emb_interaction, emb_test, emb_question, emb_tag,
           emb_tg1, emb_serial, W, b):
    f32 = jnp.float32
    idx = jnp.concatenate([
        test.reshape(N), question.reshape(N), tag.reshape(N),
        test_group_one.reshape(N), test_group_two.reshape(N),
        serial.reshape(N),
    ], axis=0)

    t_tg = jnp.pad(emb_tg1, ((0, 0), (0, 5)))
    t_ser = jnp.pad(emb_serial, ((0, 0), (0, 4)))
    g1, g2, g3, g4, g5 = _sc_gather(
        idx, emb_test, emb_question, emb_tag, t_tg, t_ser)

    w_int = W[0:64].astype(_BF)
    w_tq = W[64:192].astype(_BF)
    w_tag = W[192:256].astype(_BF)
    w_tg1a = jnp.pad(W[257:372], ((0, 5), (0, 0))).astype(_BF)
    w_tg1b = jnp.pad(W[372:487], ((0, 5), (0, 0))).astype(_BF)
    w_ser = jnp.pad(W[487:587], ((0, 4), (0, 0))).astype(_BF)
    w_scal = jnp.concatenate([W[256:257], W[587:593], b[None, :]], axis=0)
    s_feat = jnp.stack([
        duration.reshape(N),
        solved_count.reshape(N).astype(f32),
        correct_before.reshape(N).astype(f32),
        wrong_before.reshape(N).astype(f32),
        same_tag_solved_count.reshape(N).astype(f32),
        same_tag_correct_before.reshape(N).astype(f32),
        same_tag_wrong_before.reshape(N).astype(f32),
        jnp.ones((N,), f32),
    ], axis=0)
    ei_pad = jnp.pad(emb_interaction, ((0, 5), (0, 0))).astype(_BF)
    ii3 = interaction.reshape(N // BT, 1, BT)

    X = _tc_project(ii3, s_feat, g1, g2, g3, g4, g5, ei_pad,
                    w_tq, w_tag, w_tg1a, w_tg1b, w_ser, w_int, w_scal)
    return X.reshape(B, L, HD), interaction.shape[0]

# --- scband reference (transcript-rebuilt; emitter-appended) ---
"""Pipeline reference for scband-model-base-30709016166771 (READ-ONLY COPY).

The authoritative reference and input builder live on the scoring server;
editing this copy changes nothing except your own understanding.
"""

import jax, jax.numpy as jnp
import numpy as np

B, L = 4096, 200
HD = 192
INTD = HD // 3  # 64
TG_DIM = 115
SER_DIM = 100
N_TESTS, N_QUESTIONS, N_TAGS = 100000, 1000000, 100000
FEAT = INTD * 4 + TG_DIM * 2 + SER_DIM + 7  # 593


def setup_inputs(seed: int = 0) -> dict:
    key = jax.random.key(seed)
    ks = jax.random.split(key, 32)
    ri = lambda k, hi: jax.random.randint(k, (B, L), 0, hi, dtype=jnp.int32)
    inp = {}
    inp["test"] = ri(ks[0], N_TESTS + 1)
    inp["question"] = ri(ks[1], N_QUESTIONS + 1)
    inp["tag"] = ri(ks[2], N_TAGS + 1)
    inp["correct"] = ri(ks[3], 2)
    inp["mask"] = ri(ks[4], 2)
    inp["interaction"] = ri(ks[5], 3)
    inp["duration"] = jax.random.uniform(ks[6], (B, L), dtype=jnp.float32)
    inp["test_group_one"] = ri(ks[7], 1001)
    inp["test_group_two"] = ri(ks[8], 1001)
    inp["serial"] = ri(ks[9], 1001)
    inp["solved_count"] = ri(ks[10], 1000)
    inp["correct_before"] = ri(ks[11], 500)
    inp["wrong_before"] = ri(ks[12], 500)
    inp["same_tag_solved_count"] = ri(ks[13], 300)
    inp["same_tag_correct_before"] = ri(ks[14], 200)
    inp["same_tag_wrong_before"] = ri(ks[15], 200)
    # learned parameters
    inp["emb_interaction"] = jax.random.normal(ks[16], (3, INTD), dtype=jnp.float32) * 0.02
    inp["emb_test"] = jax.random.normal(ks[17], (N_TESTS + 1, INTD), dtype=jnp.float32) * 0.02
    inp["emb_question"] = jax.random.normal(ks[18], (N_QUESTIONS + 1, INTD), dtype=jnp.float32) * 0.02
    inp["emb_tag"] = jax.random.normal(ks[19], (N_TAGS + 1, INTD), dtype=jnp.float32) * 0.02
    inp["emb_tg1"] = jax.random.normal(ks[20], (1001, TG_DIM), dtype=jnp.float32) * 0.02
    inp["emb_serial"] = jax.random.normal(ks[21], (1001, SER_DIM), dtype=jnp.float32) * 0.02
    inp["W"] = jax.random.normal(ks[22], (FEAT, HD), dtype=jnp.float32) * 0.02
    inp["b"] = jnp.zeros((HD,), dtype=jnp.float32)
    return inp


def reference(test, question, tag, correct, mask, interaction, duration,
              test_group_one, test_group_two, serial, solved_count,
              correct_before, wrong_before, same_tag_solved_count,
              same_tag_correct_before, same_tag_wrong_before,
              emb_interaction, emb_test, emb_question, emb_tag,
              emb_tg1, emb_serial, W, b):
    batch_size = interaction.shape[0]
    e_int = jnp.take(emb_interaction, interaction, axis=0)
    e_test = jnp.take(emb_test, test, axis=0)
    e_q = jnp.take(emb_question, question, axis=0)
    e_tag = jnp.take(emb_tag, tag, axis=0)
    # NOTE: original torch code uses embedding_test_group_one for BOTH groups (kept faithful)
    e_tg1 = jnp.take(emb_tg1, test_group_one, axis=0)
    e_tg2 = jnp.take(emb_tg1, test_group_two, axis=0)
    e_ser = jnp.take(emb_serial, serial, axis=0)
    f32 = lambda a: a.astype(jnp.float32)[..., None]
    embed = jnp.concatenate([
        e_int, e_test, e_q, e_tag,
        f32(duration), e_tg1, e_tg2, e_ser,
        f32(solved_count), f32(correct_before), f32(wrong_before),
        f32(same_tag_solved_count), f32(same_tag_correct_before), f32(same_tag_wrong_before),
    ], axis=2)
    X = embed @ W + b
    return (X, batch_size)

if __name__ == "__main__":
    import jax
    _d = setup_inputs()
    print(jax.jit(kernel)(*tuple(_d.values())))

</pallas_src>

<mosaic_0001>
#map = affine_map<(d0, d1) -> (0)>
#map1 = affine_map<(d0, d1) -> (0, 0)>
module attributes {stable_mosaic.version = 14 : i64} {
  func.func @_sc_gather_body(%arg0: i32, %arg1: i32, %arg2: memref<4915200xi32, #tpu.memory_space<hbm>>, %arg3: memref<100001x64xf32, #tpu.memory_space<hbm>>, %arg4: memref<1000001x64xf32, #tpu.memory_space<hbm>>, %arg5: memref<100001x64xf32, #tpu.memory_space<hbm>>, %arg6: memref<1001x120xf32, #tpu.memory_space<hbm>>, %arg7: memref<1001x104xf32, #tpu.memory_space<hbm>>, %arg8: memref<819200x128xf32, #tpu.memory_space<hbm>>, %arg9: memref<819200x128xf32, #tpu.memory_space<hbm>>, %arg10: memref<819200x128xf32, #tpu.memory_space<hbm>>, %arg11: memref<819200x128xf32, #tpu.memory_space<hbm>>, %arg12: memref<819200x128xf32, #tpu.memory_space<hbm>>, %arg13: memref<2x6x64xi32, #tpu.memory_space<vmem>>, %arg14: memref<2x64x64xf32, #tpu.memory_space<vmem>>, %arg15: memref<2x64x64xf32, #tpu.memory_space<vmem>>, %arg16: memref<2x64x64xf32, #tpu.memory_space<vmem>>, %arg17: memref<2x64x120xf32, #tpu.memory_space<vmem>>, %arg18: memref<2x64x120xf32, #tpu.memory_space<vmem>>, %arg19: memref<2x64x104xf32, #tpu.memory_space<vmem>>, %arg20: memref<2x!tpu.dma_semaphore, #tpu.memory_space<semaphore_mem>>, %arg21: memref<2x!tpu.dma_semaphore, #tpu.memory_space<semaphore_mem>>, %arg22: memref<2x!tpu.dma_semaphore, #tpu.memory_space<semaphore_mem>>) attributes {dimension_semantics = [#tpu.dimension_semantics<core_parallel>, #tpu.dimension_semantics<subcore_parallel>], iteration_bounds = array<i64: 2, 16>, scalar_prefetch = 0 : i64, scratch_operands = 10 : i64, tpu.core_type = #tpu.core_type<sc_vector_subcore>, window_params = [{transform_indices = #map}, {transform_indices = #map1}, {transform_indices = #map1}, {transform_indices = #map1}, {transform_indices = #map1}, {transform_indices = #map1}, {transform_indices = #map1}, {transform_indices = #map1}, {transform_indices = #map1}, {transform_indices = #map1}, {transform_indices = #map1}]} {
    %mul3A = arith.constant 2 : i32
    %mul3A_0 = arith.muli %arg1, %mul3A : i32
    %add3A = arith.addi %mul3A_0, %arg0 : i32
    %mul3A_1 = arith.constant 25600 : i32
    %mul3A_2 = arith.muli %add3A, %mul3A_1 : i32
    %add3A_3 = arith.constant 0 : i32
    %add3A_4 = arith.addi %mul3A_2, %add3A_3 : i32
    %add3A_5 = arith.constant 0 : i32
    %add3A_6 = arith.addi %add3A_5, %add3A_4 : i32
    %dma_start3A = arith.constant 0 : i32
    %dma_start3A_7 = arith.constant 0 : i32
    %dma_start3A_8 = arith.constant 0 : i32
    %dma_start3A_9 = arith.constant 0 : i32
    %dma_start3A_10 = tpu.memref_slice %arg13[%dma_start3A, %dma_start3A_7, %dma_start3A_9] : memref<2x6x64xi32, #tpu.memory_space<vmem>> -> memref<1x1x64xi32, #tpu.memory_space<vmem>>
    %dma_start3A_11 = tpu.memref_squeeze %dma_start3A_10 : memref<1x1x64xi32, #tpu.memory_space<vmem>> -> memref<64xi32, #tpu.memory_space<vmem>>
    %dma_start3A_12 = tpu.memref_slice %arg2[%add3A_6] : memref<4915200xi32, #tpu.memory_space<hbm>> -> memref<64xi32, #tpu.memory_space<hbm>>
    %dma_start3A_13 = tpu.memref_slice %arg20[%dma_start3A_8] : memref<2x!tpu.dma_semaphore, #tpu.memory_space<semaphore_mem>> -> memref<1x!tpu.dma_semaphore, #tpu.memory_space<semaphore_mem>>
    %dma_start3A_14 = tpu.memref_squeeze %dma_start3A_13 : memref<1x!tpu.dma_semaphore, #tpu.memory_space<semaphore_mem>> -> memref<!tpu.dma_semaphore, #tpu.memory_space<semaphore_mem>>
    %dma_start3A_15 = arith.constant 0 : i32
    %dma_start3A_16 = tpu.memref_slice %arg13[%dma_start3A, %dma_start3A_7, %dma_start3A_15] : memref<2x6x64xi32, #tpu.memory_space<vmem>> -> memref<1x1x64xi32, #tpu.memory_space<vmem>>
    %dma_start3A_17 = tpu.memref_squeeze %dma_start3A_16 : memref<1x1x64xi32, #tpu.memory_space<vmem>> -> memref<64xi32, #tpu.memory_space<vmem>>
    %dma_start3A_18 = tpu.memref_slice %arg2[%add3A_6] : memref<4915200xi32, #tpu.memory_space<hbm>> -> memref<64xi32, #tpu.memory_space<hbm>>
    tpu.enqueue_dma source(%dma_start3A_18 : memref<64xi32, #tpu.memory_space<hbm>>) target(%dma_start3A_17 : memref<64xi32, #tpu.memory_space<vmem>>) target_semaphore(%dma_start3A_14 : memref<!tpu.dma_semaphore, #tpu.memory_space<semaphore_mem>>)
    %add3A_19 = arith.constant 0 : i32
    %add3A_20 = arith.addi %mul3A_2, %add3A_19 : i32
    %add3A_21 = arith.constant 819200 : i32
    %add3A_22 = arith.addi %add3A_21, %add3A_20 : i32
    %dma_start3A_23 = arith.constant 0 : i32
    %dma_start3A_24 = arith.constant 1 : i32
    %dma_start3A_25 = arith.constant 0 : i32
    %dma_start3A_26 = arith.constant 0 : i32
    %dma_start3A_27 = tpu.memref_slice %arg13[%dma_start3A_23, %dma_start3A_24, %dma_start3A_26] : memref<2x6x64xi32, #tpu.memory_space<vmem>> -> memref<1x1x64xi32, #tpu.memory_space<vmem>>
    %dma_start3A_28 = tpu.memref_squeeze %dma_start3A_27 : memref<1x1x64xi32, #tpu.memory_space<vmem>> -> memref<64xi32, #tpu.memory_space<vmem>>
    %dma_start3A_29 = tpu.memref_slice %arg2[%add3A_22] : memref<4915200xi32, #tpu.memory_space<hbm>> -> memref<64xi32, #tpu.memory_space<hbm>>
    %dma_start3A_30 = tpu.memref_slice %arg20[%dma_start3A_25] : memref<2x!tpu.dma_semaphore, #tpu.memory_space<semaphore_mem>> -> memref<1x!tpu.dma_semaphore, #tpu.memory_space<semaphore_mem>>
    %dma_start3A_31 = tpu.memref_squeeze %dma_start3A_30 : memref<1x!tpu.dma_semaphore, #tpu.memory_space<semaphore_mem>> -> memref<!tpu.dma_semaphore, #tpu.memory_space<semaphore_mem>>
    %dma_start3A_32 = arith.constant 0 : i32
    %dma_start3A_33 = tpu.memref_slice %arg13[%dma_start3A_23, %dma_start3A_24, %dma_start3A_32] : memref<2x6x64xi32, #tpu.memory_space<vmem>> -> memref<1x1x64xi32, #tpu.memory_space<vmem>>
    %dma_start3A_34 = tpu.memref_squeeze %dma_start3A_33 : memref<1x1x64xi32, #tpu.memory_space<vmem>> -> memref<64xi32, #tpu.memory_space<vmem>>
    %dma_start3A_35 = tpu.memref_slice %arg2[%add3A_22] : memref<4915200xi32, #tpu.memory_space<hbm>> -> memref<64xi32, #tpu.memory_space<hbm>>
    tpu.enqueue_dma source(%dma_start3A_35 : memref<64xi32, #tpu.memory_space<hbm>>) target(%dma_start3A_34 : memref<64xi32, #tpu.memory_space<vmem>>) target_semaphore(%dma_start3A_31 : memref<!tpu.dma_semaphore, #tpu.memory_space<semaphore_mem>>)
    %add3A_36 = arith.constant 0 : i32
    %add3A_37 = arith.addi %mul3A_2, %add3A_36 : i32
    %add3A_38 = arith.constant 1638400 : i32
    %add3A_39 = arith.addi %add3A_38, %add3A_37 : i32
    %dma_start3A_40 = arith.constant 0 : i32
    %dma_start3A_41 = arith.constant 2 : i32
    %dma_start3A_42 = arith.constant 0 : i32
    %dma_start3A_43 = arith.constant 0 : i32
    %dma_start3A_44 = tpu.memref_slice %arg13[%dma_start3A_40, %dma_start3A_41, %dma_start3A_43] : memref<2x6x64xi32, #tpu.memory_space<vmem>> -> memref<1x1x64xi32, #tpu.memory_space<vmem>>
    %dma_start3A_45 = tpu.memref_squeeze %dma_start3A_44 : memref<1x1x64xi32, #tpu.memory_space<vmem>> -> memref<64xi32, #tpu.memory_space<vmem>>
    %dma_start3A_46 = tpu.memref_slice %arg2[%add3A_39] : memref<4915200xi32, #tpu.memory_space<hbm>> -> memref<64xi32, #tpu.memory_space<hbm>>
    %dma_start3A_47 = tpu.memref_slice %arg20[%dma_start3A_42] : memref<2x!tpu.dma_semaphore, #tpu.memory_space<semaphore_mem>> -> memref<1x!tpu.dma_semaphore, #tpu.memory_space<semaphore_mem>>
    %dma_start3A_48 = tpu.memref_squeeze %dma_start3A_47 : memref<1x!tpu.dma_semaphore, #tpu.memory_space<semaphore_mem>> -> memref<!tpu.dma_semaphore, #tpu.memory_space<semaphore_mem>>
    %dma_start3A_49 = arith.constant 0 : i32
    %dma_start3A_50 = tpu.memref_slice %arg13[%dma_start3A_40, %dma_start3A_41, %dma_start3A_49] : memref<2x6x64xi32, #tpu.memory_space<vmem>> -> memref<1x1x64xi32, #tpu.memory_space<vmem>>
    %dma_start3A_51 = tpu.memref_squeeze %dma_start3A_50 : memref<1x1x64xi32, #tpu.memory_space<vmem>> -> memref<64xi32, #tpu.memory_space<vmem>>
    %dma_start3A_52 = tpu.memref_slice %arg2[%add3A_39] : memref<4915200xi32, #tpu.memory_space<hbm>> -> memref<64xi32, #tpu.memory_space<hbm>>
    tpu.enqueue_dma source(%dma_start3A_52 : memref<64xi32, #tpu.memory_space<hbm>>) target(%dma_start3A_51 : memref<64xi32, #tpu.memory_space<vmem>>) target_semaphore(%dma_start3A_48 : memref<!tpu.dma_semaphore, #tpu.memory_space<semaphore_mem>>)
    %add3A_53 = arith.constant 0 : i32
    %add3A_54 = arith.addi %mul3A_2, %add3A_53 : i32
    %add3A_55 = arith.constant 2457600 : i32
    %add3A_56 = arith.addi %add3A_55, %add3A_54 : i32
    %dma_start3A_57 = arith.constant 0 : i32
    %dma_start3A_58 = arith.constant 3 : i32
    %dma_start3A_59 = arith.constant 0 : i32
    %dma_start3A_60 = arith.constant 0 : i32
    %dma_start3A_61 = tpu.memref_slice %arg13[%dma_start3A_57, %dma_start3A_58, %dma_start3A_60] : memref<2x6x64xi32, #tpu.memory_space<vmem>> -> memref<1x1x64xi32, #tpu.memory_space<vmem>>
    %dma_start3A_62 = tpu.memref_squeeze %dma_start3A_61 : memref<1x1x64xi32, #tpu.memory_space<vmem>> -> memref<64xi32, #tpu.memory_space<vmem>>
    %dma_start3A_63 = tpu.memref_slice %arg2[%add3A_56] : memref<4915200xi32, #tpu.memory_space<hbm>> -> memref<64xi32, #tpu.memory_space<hbm>>
    %dma_start3A_64 = tpu.memref_slice %arg20[%dma_start3A_59] : memref<2x!tpu.dma_semaphore, #tpu.memory_space<semaphore_mem>> -> memref<1x!tpu.dma_semaphore, #tpu.memory_space<semaphore_mem>>
    %dma_start3A_65 = tpu.memref_squeeze %dma_start3A_64 : memref<1x!tpu.dma_semaphore, #tpu.memory_space<semaphore_mem>> -> memref<!tpu.dma_semaphore, #tpu.memory_space<semaphore_mem>>
    %dma_start3A_66 = arith.constant 0 : i32
    %dma_start3A_67 = tpu.memref_slice %arg13[%dma_start3A_57, %dma_start3A_58, %dma_start3A_66] : memref<2x6x64xi32, #tpu.memory_space<vmem>> -> memref<1x1x64xi32, #tpu.memory_space<vmem>>
    %dma_start3A_68 = tpu.memref_squeeze %dma_start3A_67 : memref<1x1x64xi32, #tpu.memory_space<vmem>> -> memref<64xi32, #tpu.memory_space<vmem>>
    %dma_start3A_69 = tpu.memref_slice %arg2[%add3A_56] : memref<4915200xi32, #tpu.memory_space<hbm>> -> memref<64xi32, #tpu.memory_space<hbm>>
    tpu.enqueue_dma source(%dma_start3A_69 : memref<64xi32, #tpu.memory_space<hbm>>) target(%dma_start3A_68 : memref<64xi32, #tpu.memory_space<vmem>>) target_semaphore(%dma_start3A_65 : memref<!tpu.dma_semaphore, #tpu.memory_space<semaphore_mem>>)
    %add3A_70 = arith.constant 0 : i32
    %add3A_71 = arith.addi %mul3A_2, %add3A_70 : i32
    %add3A_72 = arith.constant 3276800 : i32
    %add3A_73 = arith.addi %add3A_72, %add3A_71 : i32
    %dma_start3A_74 = arith.constant 0 : i32
    %dma_start3A_75 = arith.constant 4 : i32
    %dma_start3A_76 = arith.constant 0 : i32
    %dma_start3A_77 = arith.constant 0 : i32
    %dma_start3A_78 = tpu.memref_slice %arg13[%dma_start3A_74, %dma_start3A_75, %dma_start3A_77] : memref<2x6x64xi32, #tpu.memory_space<vmem>> -> memref<1x1x64xi32, #tpu.memory_space<vmem>>
    %dma_start3A_79 = tpu.memref_squeeze %dma_start3A_78 : memref<1x1x64xi32, #tpu.memory_space<vmem>> -> memref<64xi32, #tpu.memory_space<vmem>>
    %dma_start3A_80 = tpu.memref_slice %arg2[%add3A_73] : memref<4915200xi32, #tpu.memory_space<hbm>> -> memref<64xi32, #tpu.memory_space<hbm>>
    %dma_start3A_81 = tpu.memref_slice %arg20[%dma_start3A_76] : memref<2x!tpu.dma_semaphore, #tpu.memory_space<semaphore_mem>> -> memref<1x!tpu.dma_semaphore, #tpu.memory_space<semaphore_mem>>
    %dma_start3A_82 = tpu.memref_squeeze %dma_start3A_81 : memref<1x!tpu.dma_semaphore, #tpu.memory_space<semaphore_mem>> -> memref<!tpu.dma_semaphore, #tpu.memory_space<semaphore_mem>>
    %dma_start3A_83 = arith.constant 0 : i32
    %dma_start3A_84 = tpu.memref_slice %arg13[%dma_start3A_74, %dma_start3A_75, %dma_start3A_83] : memref<2x6x64xi32, #tpu.memory_space<vmem>> -> memref<1x1x64xi32, #tpu.memory_space<vmem>>
    %dma_start3A_85 = tpu.memref_squeeze %dma_start3A_84 : memref<1x1x64xi32, #tpu.memory_space<vmem>> -> memref<64xi32, #tpu.memory_space<vmem>>
    %dma_start3A_86 = tpu.memref_slice %arg2[%add3A_73] : memref<4915200xi32, #tpu.memory_space<hbm>> -> memref<64xi32, #tpu.memory_space<hbm>>
    tpu.enqueue_dma source(%dma_start3A_86 : memref<64xi32, #tpu.memory_space<hbm>>) target(%dma_start3A_85 : memref<64xi32, #tpu.memory_space<vmem>>) target_semaphore(%dma_start3A_82 : memref<!tpu.dma_semaphore, #tpu.memory_space<semaphore_mem>>)
    %add3A_87 = arith.constant 0 : i32
    %add3A_88 = arith.addi %mul3A_2, %add3A_87 : i32
    %add3A_89 = arith.constant 4096000 : i32
    %add3A_90 = arith.addi %add3A_89, %add3A_88 : i32
    %dma_start3A_91 = arith.constant 0 : i32
    %dma_start3A_92 = arith.constant 5 : i32
    %dma_start3A_93 = arith.constant 0 : i32
    %dma_start3A_94 = arith.constant 0 : i32
    %dma_start3A_95 = tpu.memref_slice %arg13[%dma_start3A_91, %dma_start3A_92, %dma_start3A_94] : memref<2x6x64xi32, #tpu.memory_space<vmem>> -> memref<1x1x64xi32, #tpu.memory_space<vmem>>
    %dma_start3A_96 = tpu.memref_squeeze %dma_start3A_95 : memref<1x1x64xi32, #tpu.memory_space<vmem>> -> memref<64xi32, #tpu.memory_space<vmem>>
    %dma_start3A_97 = tpu.memref_slice %arg2[%add3A_90] : memref<4915200xi32, #tpu.memory_space<hbm>> -> memref<64xi32, #tpu.memory_space<hbm>>
    %dma_start3A_98 = tpu.memref_slice %arg20[%dma_start3A_93] : memref<2x!tpu.dma_semaphore, #tpu.memory_space<semaphore_mem>> -> memref<1x!tpu.dma_semaphore, #tpu.memory_space<semaphore_mem>>
    %dma_start3A_99 = tpu.memref_squeeze %dma_start3A_98 : memref<1x!tpu.dma_semaphore, #tpu.memory_space<semaphore_mem>> -> memref<!tpu.dma_semaphore, #tpu.memory_space<semaphore_mem>>
    %dma_start3A_100 = arith.constant 0 : i32
    %dma_start3A_101 = tpu.memref_slice %arg13[%dma_start3A_91, %dma_start3A_92, %dma_start3A_100] : memref<2x6x64xi32, #tpu.memory_space<vmem>> -> memref<1x1x64xi32, #tpu.memory_space<vmem>>
    %dma_start3A_102 = tpu.memref_squeeze %dma_start3A_101 : memref<1x1x64xi32, #tpu.memory_space<vmem>> -> memref<64xi32, #tpu.memory_space<vmem>>
    %dma_start3A_103 = tpu.memref_slice %arg2[%add3A_90] : memref<4915200xi32, #tpu.memory_space<hbm>> -> memref<64xi32, #tpu.memory_space<hbm>>
    tpu.enqueue_dma source(%dma_start3A_103 : memref<64xi32, #tpu.memory_space<hbm>>) target(%dma_start3A_102 : memref<64xi32, #tpu.memory_space<vmem>>) target_semaphore(%dma_start3A_99 : memref<!tpu.dma_semaphore, #tpu.memory_space<semaphore_mem>>)
    %scan3A = arith.constant 0 : i32
    %scan3A_104 = arith.constant 0 : i32
    %scan3A_105 = arith.constant 200 : i32
    %scan3A_106 = arith.addi %scan3A_104, %scan3A_105 : i32
    %scan3A_107 = arith.constant 1 : i32
    scf.for %scan3A_324 = %scan3A_104 to %scan3A_106 step %scan3A_107  : i32 {
      %mul3A_325 = arith.constant 2 : i32
      %mul3A_326 = arith.muli %mul3A_325, %scan3A_324 : i32
      %add3A_327 = arith.constant 0 : i32
      %add3A_328 = arith.addi %mul3A_326, %add3A_327 : i32
      %add3A_329 = arith.constant 1 : i32
      %add3A_330 = arith.addi %add3A_328, %add3A_329 : i32
      %mul3A_331 = arith.constant 64 : i32
      %mul3A_332 = arith.muli %add3A_330, %mul3A_331 : i32
      %add3A_333 = arith.addi %mul3A_2, %mul3A_332 : i32
      %add3A_334 = arith.constant 0 : i32
      %add3A_335 = arith.addi %add3A_334, %add3A_333 : i32
      %dma_start3A_336 = arith.constant 1 : i32
      %dma_start3A_337 = arith.constant 0 : i32
      %dma_start3A_338 = arith.constant 1 : i32
      %dma_start3A_339 = arith.constant 0 : i32
      %dma_start3A_340 = tpu.memref_slice %arg13[%dma_start3A_336, %dma_start3A_337, %dma_start3A_339] : memref<2x6x64xi32, #tpu.memory_space<vmem>> -> memref<1x1x64xi32, #tpu.memory_space<vmem>>
      %dma_start3A_341 = tpu.memref_squeeze %dma_start3A_340 : memref<1x1x64xi32, #tpu.memory_space<vmem>> -> memref<64xi32, #tpu.memory_space<vmem>>
      %dma_start3A_342 = tpu.memref_slice %arg2[%add3A_335] : memref<4915200xi32, #tpu.memory_space<hbm>> -> memref<64xi32, #tpu.memory_space<hbm>>
      %dma_start3A_343 = tpu.memref_slice %arg20[%dma_start3A_338] : memref<2x!tpu.dma_semaphore, #tpu.memory_space<semaphore_mem>> -> memref<1x!tpu.dma_semaphore, #tpu.memory_space<semaphore_mem>>
      %dma_start3A_344 = tpu.memref_squeeze %dma_start3A_343 : memref<1x!tpu.dma_semaphore, #tpu.memory_space<semaphore_mem>> -> memref<!tpu.dma_semaphore, #tpu.memory_space<semaphore_mem>>
      %dma_start3A_345 = arith.constant 0 : i32
      %dma_start3A_346 = tpu.memref_slice %arg13[%dma_start3A_336, %dma_start3A_337, %dma_start3A_345] : memref<2x6x64xi32, #tpu.memory_space<vmem>> -> memref<1x1x64xi32, #tpu.memory_space<vmem>>
      %dma_start3A_347 = tpu.memref_squeeze %dma_start3A_346 : memref<1x1x64xi32, #tpu.memory_space<vmem>> -> memref<64xi32, #tpu.memory_space<vmem>>
      %dma_start3A_348 = tpu.memref_slice %arg2[%add3A_335] : memref<4915200xi32, #tpu.memory_space<hbm>> -> memref<64xi32, #tpu.memory_space<hbm>>
      tpu.enqueue_dma source(%dma_start3A_348 : memref<64xi32, #tpu.memory_space<hbm>>) target(%dma_start3A_347 : memref<64xi32, #tpu.memory_space<vmem>>) target_semaphore(%dma_start3A_344 : memref<!tpu.dma_semaphore, #tpu.memory_space<semaphore_mem>>)
      %add3A_349 = arith.constant 1 : i32
      %add3A_350 = arith.addi %add3A_328, %add3A_349 : i32
      %mul3A_351 = arith.constant 64 : i32
      %mul3A_352 = arith.muli %add3A_350, %mul3A_351 : i32
      %add3A_353 = arith.addi %mul3A_2, %mul3A_352 : i32
      %add3A_354 = arith.constant 819200 : i32
      %add3A_355 = arith.addi %add3A_354, %add3A_353 : i32
      %dma_start3A_356 = arith.constant 1 : i32
      %dma_start3A_357 = arith.constant 1 : i32
      %dma_start3A_358 = arith.constant 1 : i32
      %dma_start3A_359 = arith.constant 0 : i32
      %dma_start3A_360 = tpu.memref_slice %arg13[%dma_start3A_356, %dma_start3A_357, %dma_start3A_359] : memref<2x6x64xi32, #tpu.memory_space<vmem>> -> memref<1x1x64xi32, #tpu.memory_space<vmem>>
      %dma_start3A_361 = tpu.memref_squeeze %dma_start3A_360 : memref<1x1x64xi32, #tpu.memory_space<vmem>> -> memref<64xi32, #tpu.memory_space<vmem>>
      %dma_start3A_362 = tpu.memref_slice %arg2[%add3A_355] : memref<4915200xi32, #tpu.memory_space<hbm>> -> memref<64xi32, #tpu.memory_space<hbm>>
      %dma_start3A_363 = tpu.memref_slice %arg20[%dma_start3A_358] : memref<2x!tpu.dma_semaphore, #tpu.memory_space<semaphore_mem>> -> memref<1x!tpu.dma_semaphore, #tpu.memory_space<semaphore_mem>>
      %dma_start3A_364 = tpu.memref_squeeze %dma_start3A_363 : memref<1x!tpu.dma_semaphore, #tpu.memory_space<semaphore_mem>> -> memref<!tpu.dma_semaphore, #tpu.memory_space<semaphore_mem>>
      %dma_start3A_365 = arith.constant 0 : i32
      %dma_start3A_366 = tpu.memref_slice %arg13[%dma_start3A_356, %dma_start3A_357, %dma_start3A_365] : memref<2x6x64xi32, #tpu.memory_space<vmem>> -> memref<1x1x64xi32, #tpu.memory_space<vmem>>
      %dma_start3A_367 = tpu.memref_squeeze %dma_start3A_366 : memref<1x1x64xi32, #tpu.memory_space<vmem>> -> memref<64xi32, #tpu.memory_space<vmem>>
      %dma_start3A_368 = tpu.memref_slice %arg2[%add3A_355] : memref<4915200xi32, #tpu.memory_space<hbm>> -> memref<64xi32, #tpu.memory_space<hbm>>
      tpu.enqueue_dma source(%dma_start3A_368 : memref<64xi32, #tpu.memory_space<hbm>>) target(%dma_start3A_367 : memref<64xi32, #tpu.memory_space<vmem>>) target_semaphore(%dma_start3A_364 : memref<!tpu.dma_semaphore, #tpu.memory_space<semaphore_mem>>)
      %add3A_369 = arith.constant 1 : i32
      %add3A_370 = arith.addi %add3A_328, %add3A_369 : i32
      %mul3A_371 = arith.constant 64 : i32
      %mul3A_372 = arith.muli %add3A_370, %mul3A_371 : i32
      %add3A_373 = arith.addi %mul3A_2, %mul3A_372 : i32
      %add3A_374 = arith.constant 1638400 : i32
      %add3A_375 = arith.addi %add3A_374, %add3A_373 : i32
      %dma_start3A_376 = arith.constant 1 : i32
      %dma_start3A_377 = arith.constant 2 : i32
      %dma_start3A_378 = arith.constant 1 : i32
      %dma_start3A_379 = arith.constant 0 : i32
      %dma_start3A_380 = tpu.memref_slice %arg13[%dma_start3A_376, %dma_start3A_377, %dma_start3A_379] : memref<2x6x64xi32, #tpu.memory_space<vmem>> -> memref<1x1x64xi32, #tpu.memory_space<vmem>>
      %dma_start3A_381 = tpu.memref_squeeze %dma_start3A_380 : memref<1x1x64xi32, #tpu.memory_space<vmem>> -> memref<64xi32, #tpu.memory_space<vmem>>
      %dma_start3A_382 = tpu.memref_slice %arg2[%add3A_375] : memref<4915200xi32, #tpu.memory_space<hbm>> -> memref<64xi32, #tpu.memory_space<hbm>>
      %dma_start3A_383 = tpu.memref_slice %arg20[%dma_start3A_378] : memref<2x!tpu.dma_semaphore, #tpu.memory_space<semaphore_mem>> -> memref<1x!tpu.dma_semaphore, #tpu.memory_space<semaphore_mem>>
      %dma_start3A_384 = tpu.memref_squeeze %dma_start3A_383 : memref<1x!tpu.dma_semaphore, #tpu.memory_space<semaphore_mem>> -> memref<!tpu.dma_semaphore, #tpu.memory_space<semaphore_mem>>
      %dma_start3A_385 = arith.constant 0 : i32
      %dma_start3A_386 = tpu.memref_slice %arg13[%dma_start3A_376, %dma_start3A_377, %dma_start3A_385] : memref<2x6x64xi32, #tpu.memory_space<vmem>> -> memref<1x1x64xi32, #tpu.memory_space<vmem>>
      %dma_start3A_387 = tpu.memref_squeeze %dma_start3A_386 : memref<1x1x64xi32, #tpu.memory_space<vmem>> -> memref<64xi32, #tpu.memory_space<vmem>>
      %dma_start3A_388 = tpu.memref_slice %arg2[%add3A_375] : memref<4915200xi32, #tpu.memory_space<hbm>> -> memref<64xi32, #tpu.memory_space<hbm>>
      tpu.enqueue_dma source(%dma_start3A_388 : memref<64xi32, #tpu.memory_space<hbm>>) target(%dma_start3A_387 : memref<64xi32, #tpu.memory_space<vmem>>) target_semaphore(%dma_start3A_384 : memref<!tpu.dma_semaphore, #tpu.memory_space<semaphore_mem>>)
      %add3A_389 = arith.constant 1 : i32
      %add3A_390 = arith.addi %add3A_328, %add3A_389 : i32
      %mul3A_391 = arith.constant 64 : i32
      %mul3A_392 = arith.muli %add3A_390, %mul3A_391 : i32
      %add3A_393 = arith.addi %mul3A_2, %mul3A_392 : i32
      %add3A_394 = arith.constant 2457600 : i32
      %add3A_395 = arith.addi %add3A_394, %add3A_393 : i32
      %dma_start3A_396 = arith.constant 1 : i32
      %dma_start3A_397 = arith.constant 3 : i32
      %dma_start3A_398 = arith.constant 1 : i32
      %dma_start3A_399 = arith.constant 0 : i32
      %dma_start3A_400 = tpu.memref_slice %arg13[%dma_start3A_396, %dma_start3A_397, %dma_start3A_399] : memref<2x6x64xi32, #tpu.memory_space<vmem>> -> memref<1x1x64xi32, #tpu.memory_space<vmem>>
      %dma_start3A_401 = tpu.memref_squeeze %dma_start3A_400 : memref<1x1x64xi32, #tpu.memory_space<vmem>> -> memref<64xi32, #tpu.memory_space<vmem>>
      %dma_start3A_402 = tpu.memref_slice %arg2[%add3A_395] : memref<4915200xi32, #tpu.memory_space<hbm>> -> memref<64xi32, #tpu.memory_space<hbm>>
      %dma_start3A_403 = tpu.memref_slice %arg20[%dma_start3A_398] : memref<2x!tpu.dma_semaphore, #tpu.memory_space<semaphore_mem>> -> memref<1x!tpu.dma_semaphore, #tpu.memory_space<semaphore_mem>>
      %dma_start3A_404 = tpu.memref_squeeze %dma_start3A_403 : memref<1x!tpu.dma_semaphore, #tpu.memory_space<semaphore_mem>> -> memref<!tpu.dma_semaphore, #tpu.memory_space<semaphore_mem>>
      %dma_start3A_405 = arith.constant 0 : i32
      %dma_start3A_406 = tpu.memref_slice %arg13[%dma_start3A_396, %dma_start3A_397, %dma_start3A_405] : memref<2x6x64xi32, #tpu.memory_space<vmem>> -> memref<1x1x64xi32, #tpu.memory_space<vmem>>
      %dma_start3A_407 = tpu.memref_squeeze %dma_start3A_406 : memref<1x1x64xi32, #tpu.memory_space<vmem>> -> memref<64xi32, #tpu.memory_space<vmem>>
      %dma_start3A_408 = tpu.memref_slice %arg2[%add3A_395] : memref<4915200xi32, #tpu.memory_space<hbm>> -> memref<64xi32, #tpu.memory_space<hbm>>
      tpu.enqueue_dma source(%dma_start3A_408 : memref<64xi32, #tpu.memory_space<hbm>>) target(%dma_start3A_407 : memref<64xi32, #tpu.memory_space<vmem>>) target_semaphore(%dma_start3A_404 : memref<!tpu.dma_semaphore, #tpu.memory_space<semaphore_mem>>)
      %add3A_409 = arith.constant 1 : i32
      %add3A_410 = arith.addi %add3A_328, %add3A_409 : i32
      %mul3A_411 = arith.constant 64 : i32
      %mul3A_412 = arith.muli %add3A_410, %mul3A_411 : i32
      %add3A_413 = arith.addi %mul3A_2, %mul3A_412 : i32
      %add3A_414 = arith.constant 3276800 : i32
      %add3A_415 = arith.addi %add3A_414, %add3A_413 : i32
      %dma_start3A_416 = arith.constant 1 : i32
      %dma_start3A_417 = arith.constant 4 : i32
      %dma_start3A_418 = arith.constant 1 : i32
      %dma_start3A_419 = arith.constant 0 : i32
      %dma_start3A_420 = tpu.memref_slice %arg13[%dma_start3A_416, %dma_start3A_417, %dma_start3A_419] : memref<2x6x64xi32, #tpu.memory_space<vmem>> -> memref<1x1x64xi32, #tpu.memory_space<vmem>>
      %dma_start3A_421 = tpu.memref_squeeze %dma_start3A_420 : memref<1x1x64xi32, #tpu.memory_space<vmem>> -> memref<64xi32, #tpu.memory_space<vmem>>
      %dma_start3A_422 = tpu.memref_slice %arg2[%add3A_415] : memref<4915200xi32, #tpu.memory_space<hbm>> -> memref<64xi32, #tpu.memory_space<hbm>>
      %dma_start3A_423 = tpu.memref_slice %arg20[%dma_start3A_418] : memref<2x!tpu.dma_semaphore, #tpu.memory_space<semaphore_mem>> -> memref<1x!tpu.dma_semaphore, #tpu.memory_space<semaphore_mem>>
      %dma_start3A_424 = tpu.memref_squeeze %dma_start3A_423 : memref<1x!tpu.dma_semaphore, #tpu.memory_space<semaphore_mem>> -> memref<!tpu.dma_semaphore, #tpu.memory_space<semaphore_mem>>
      %dma_start3A_425 = arith.constant 0 : i32
      %dma_start3A_426 = tpu.memref_slice %arg13[%dma_start3A_416, %dma_start3A_417, %dma_start3A_425] : memref<2x6x64xi32, #tpu.memory_space<vmem>> -> memref<1x1x64xi32, #tpu.memory_space<vmem>>
      %dma_start3A_427 = tpu.memref_squeeze %dma_start3A_426 : memref<1x1x64xi32, #tpu.memory_space<vmem>> -> memref<64xi32, #tpu.memory_space<vmem>>
      %dma_start3A_428 = tpu.memref_slice %arg2[%add3A_415] : memref<4915200xi32, #tpu.memory_space<hbm>> -> memref<64xi32, #tpu.memory_space<hbm>>
      tpu.enqueue_dma source(%dma_start3A_428 : memref<64xi32, #tpu.memory_space<hbm>>) target(%dma_start3A_427 : memref<64xi32, #tpu.memory_space<vmem>>) target_semaphore(%dma_start3A_424 : memref<!tpu.dma_semaphore, #tpu.memory_space<semaphore_mem>>)
      %add3A_429 = arith.constant 1 : i32
      %add3A_430 = arith.addi %add3A_328, %add3A_429 : i32
      %mul3A_431 = arith.constant 64 : i32
      %mul3A_432 = arith.muli %add3A_430, %mul3A_431 : i32
      %add3A_433 = arith.addi %mul3A_2, %mul3A_432 : i32
      %add3A_434 = arith.constant 4096000 : i32
      %add3A_435 = arith.addi %add3A_434, %add3A_433 : i32
      %dma_start3A_436 = arith.constant 1 : i32
      %dma_start3A_437 = arith.constant 5 : i32
      %dma_start3A_438 = arith.constant 1 : i32
      %dma_start3A_439 = arith.constant 0 : i32
      %dma_start3A_440 = tpu.memref_slice %arg13[%dma_start3A_436, %dma_start3A_437, %dma_start3A_439] : memref<2x6x64xi32, #tpu.memory_space<vmem>> -> memref<1x1x64xi32, #tpu.memory_space<vmem>>
      %dma_start3A_441 = tpu.memref_squeeze %dma_start3A_440 : memref<1x1x64xi32, #tpu.memory_space<vmem>> -> memref<64xi32, #tpu.memory_space<vmem>>
      %dma_start3A_442 = tpu.memref_slice %arg2[%add3A_435] : memref<4915200xi32, #tpu.memory_space<hbm>> -> memref<64xi32, #tpu.memory_space<hbm>>
      %dma_start3A_443 = tpu.memref_slice %arg20[%dma_start3A_438] : memref<2x!tpu.dma_semaphore, #tpu.memory_space<semaphore_mem>> -> memref<1x!tpu.dma_semaphore, #tpu.memory_space<semaphore_mem>>
      %dma_start3A_444 = tpu.memref_squeeze %dma_start3A_443 : memref<1x!tpu.dma_semaphore, #tpu.memory_space<semaphore_mem>> -> memref<!tpu.dma_semaphore, #tpu.memory_space<semaphore_mem>>
      %dma_start3A_445 = arith.constant 0 : i32
      %dma_start3A_446 = tpu.memref_slice %arg13[%dma_start3A_436, %dma_start3A_437, %dma_start3A_445] : memref<2x6x64xi32, #tpu.memory_space<vmem>> -> memref<1x1x64xi32, #tpu.memory_space<vmem>>
      %dma_start3A_447 = tpu.memref_squeeze %dma_start3A_446 : memref<1x1x64xi32, #tpu.memory_space<vmem>> -> memref<64xi32, #tpu.memory_space<vmem>>
      %dma_start3A_448 = tpu.memref_slice %arg2[%add3A_435] : memref<4915200xi32, #tpu.memory_space<hbm>> -> memref<64xi32, #tpu.memory_space<hbm>>
      tpu.enqueue_dma source(%dma_start3A_448 : memref<64xi32, #tpu.memory_space<hbm>>) target(%dma_start3A_447 : memref<64xi32, #tpu.memory_space<vmem>>) target_semaphore(%dma_start3A_444 : memref<!tpu.dma_semaphore, #tpu.memory_space<semaphore_mem>>)
      %ge3A = arith.constant 1 : i32
      %ge3A_449 = arith.cmpi sge, %scan3A_324, %ge3A : i32
      %convert_element_type3A = arith.extui %ge3A_449 : i1 to i32
      %cond3A = arith.constant 0 : i32
      %cond3A_450 = arith.cmpi ne, %convert_element_type3A, %cond3A : i32
      scf.if %cond3A_450 {
        %sub3A = arith.constant 2 : i32
        %sub3A_1292 = arith.subi %add3A_328, %sub3A : i32
        %mul3A_1293 = arith.constant 64 : i32
        %mul3A_1294 = arith.muli %sub3A_1292, %mul3A_1293 : i32
        %add3A_1295 = arith.addi %mul3A_2, %mul3A_1294 : i32
        %dma_wait3A_1296 = arith.constant 0 : i32
        %dma_wait3A_1297 = arith.constant 0 : i32
        %dma_wait3A_1298 = arith.constant 0 : i32
        %dma_wait3A_1299 = arith.constant 0 : i32
        %dma_wait3A_1300 = tpu.memref_slice %arg14[%dma_wait3A_1296, %dma_wait3A_1298, %dma_wait3A_1299] : memref<2x64x64xf32, #tpu.memory_space<vmem>> -> memref<1x64x64xf32, #tpu.memory_space<vmem>>
        %dma_wait3A_1301 = tpu.memref_squeeze %dma_wait3A_1300 : memref<1x64x64xf32, #tpu.memory_space<vmem>> -> memref<64x64xf32, #tpu.memory_space<vmem>>
        %dma_wait3A_1302 = arith.constant 0 : i32
        %dma_wait3A_1303 = tpu.memref_slice %arg8[%add3A_1295, %dma_wait3A_1302] : memref<819200x128xf32, #tpu.memory_space<hbm>> -> memref<64x64xf32, #tpu.memory_space<hbm>>
        %dma_wait3A_1304 = tpu.memref_slice %arg22[%dma_wait3A_1297] : memref<2x!tpu.dma_semaphore, #tpu.memory_space<semaphore_mem>> -> memref<1x!tpu.dma_semaphore, #tpu.memory_space<semaphore_mem>>
        %dma_wait3A_1305 = tpu.memref_squeeze %dma_wait3A_1304 : memref<1x!tpu.dma_semaphore, #tpu.memory_space<semaphore_mem>> -> memref<!tpu.dma_semaphore, #tpu.memory_space<semaphore_mem>>
        %dma_wait3A_1306 = arith.constant 0 : i32
        %dma_wait3A_1307 = tpu.memref_slice %arg8[%add3A_1295, %dma_wait3A_1306] : memref<819200x128xf32, #tpu.memory_space<hbm>> -> memref<64x64xf32, #tpu.memory_space<hbm>>
        %dma_wait3A_1308 = arith.constant 0 : i32
        %dma_wait3A_1309 = arith.constant 0 : i32
        %dma_wait3A_1310 = tpu.memref_slice %arg14[%dma_wait3A_1296, %dma_wait3A_1308, %dma_wait3A_1309] : memref<2x64x64xf32, #tpu.memory_space<vmem>> -> memref<1x64x64xf32, #tpu.memory_space<vmem>>
        %dma_wait3A_1311 = tpu.memref_squeeze %dma_wait3A_1310 : memref<1x64x64xf32, #tpu.memory_space<vmem>> -> memref<64x64xf32, #tpu.memory_space<vmem>>
        tpu.wait_dma2 semaphore(%dma_wait3A_1305 : memref<!tpu.dma_semaphore, #tpu.memory_space<semaphore_mem>>) src(%dma_wait3A_1311 : memref<64x64xf32, #tpu.memory_space<vmem>>) dst(%dma_wait3A_1307 : memref<64x64xf32, #tpu.memory_space<hbm>>)
        %sub3A_1312 = arith.constant 2 : i32
        %sub3A_1313 = arith.subi %add3A_328, %sub3A_1312 : i32
        %mul3A_1314 = arith.constant 64 : i32
        %mul3A_1315 = arith.muli %sub3A_1313, %mul3A_1314 : i32
        %add3A_1316 = arith.addi %mul3A_2, %mul3A_1315 : i32
        %dma_wait3A_1317 = arith.constant 0 : i32
        %dma_wait3A_1318 = arith.constant 0 : i32
        %dma_wait3A_1319 = arith.constant 0 : i32
        %dma_wait3A_1320 = arith.constant 0 : i32
        %dma_wait3A_1321 = tpu.memref_slice %arg15[%dma_wait3A_1317, %dma_wait3A_1319, %dma_wait3A_1320] : memref<2x64x64xf32, #tpu.memory_space<vmem>> -> memref<1x64x64xf32, #tpu.memory_space<vmem>>
        %dma_wait3A_1322 = tpu.memref_squeeze %dma_wait3A_1321 : memref<1x64x64xf32, #tpu.memory_space<vmem>> -> memref<64x64xf32, #tpu.memory_space<vmem>>
        %dma_wait3A_1323 = arith.constant 64 : i32
        %dma_wait3A_1324 = tpu.memref_slice %arg8[%add3A_1316, %dma_wait3A_1323] : memref<819200x128xf32, #tpu.memory_space<hbm>> -> memref<64x64xf32, #tpu.memory_space<hbm>>
        %dma_wait3A_1325 = tpu.memref_slice %arg22[%dma_wait3A_1318] : memref<2x!tpu.dma_semaphore, #tpu.memory_space<semaphore_mem>> -> memref<1x!tpu.dma_semaphore, #tpu.memory_space<semaphore_mem>>
        %dma_wait3A_1326 = tpu.memref_squeeze %dma_wait3A_1325 : memref<1x!tpu.dma_semaphore, #tpu.memory_space<semaphore_mem>> -> memref<!tpu.dma_semaphore, #tpu.memory_space<semaphore_mem>>
        %dma_wait3A_1327 = arith.constant 64 : i32
        %dma_wait3A_1328 = tpu.memref_slice %arg8[%add3A_1316, %dma_wait3A_1327] : memref<819200x128xf32, #tpu.memory_space<hbm>> -> memref<64x64xf32, #tpu.memory_space<hbm>>
        %dma_wait3A_1329 = arith.constant 0 : i32
        %dma_wait3A_1330 = arith.constant 0 : i32
        %dma_wait3A_1331 = tpu.memref_slice %arg15[%dma_wait3A_1317, %dma_wait3A_1329, %dma_wait3A_1330] : memref<2x64x64xf32, #tpu.memory_space<vmem>> -> memref<1x64x64xf32, #tpu.memory_space<vmem>>
        %dma_wait3A_1332 = tpu.memref_squeeze %dma_wait3A_1331 : memref<1x64x64xf32, #tpu.memory_space<vmem>> -> memref<64x64xf32, #tpu.memory_space<vmem>>
        tpu.wait_dma2 semaphore(%dma_wait3A_1326 : memref<!tpu.dma_semaphore, #tpu.memory_space<semaphore_mem>>) src(%dma_wait3A_1332 : memref<64x64xf32, #tpu.memory_space<vmem>>) dst(%dma_wait3A_1328 : memref<64x64xf32, #tpu.memory_space<hbm>>)
        %sub3A_1333 = arith.constant 2 : i32
        %sub3A_1334 = arith.subi %add3A_328, %sub3A_1333 : i32
        %mul3A_1335 = arith.constant 64 : i32
        %mul3A_1336 = arith.muli %sub3A_1334, %mul3A_1335 : i32
        %add3A_1337 = arith.addi %mul3A_2, %mul3A_1336 : i32
        %dma_wait3A_1338 = arith.constant 0 : i32
        %dma_wait3A_1339 = arith.constant 0 : i32
        %dma_wait3A_1340 = arith.constant 0 : i32
        %dma_wait3A_1341 = arith.constant 0 : i32
        %dma_wait3A_1342 = tpu.memref_slice %arg16[%dma_wait3A_1338, %dma_wait3A_1340, %dma_wait3A_1341] : memref<2x64x64xf32, #tpu.memory_space<vmem>> -> memref<1x64x64xf32, #tpu.memory_space<vmem>>
        %dma_wait3A_1343 = tpu.memref_squeeze %dma_wait3A_1342 : memref<1x64x64xf32, #tpu.memory_space<vmem>> -> memref<64x64xf32, #tpu.memory_space<vmem>>
        %dma_wait3A_1344 = arith.constant 0 : i32
        %dma_wait3A_1345 = tpu.memref_slice %arg9[%add3A_1337, %dma_wait3A_1344] : memref<819200x128xf32, #tpu.memory_space<hbm>> -> memref<64x64xf32, #tpu.memory_space<hbm>>
        %dma_wait3A_1346 = tpu.memref_slice %arg22[%dma_wait3A_1339] : memref<2x!tpu.dma_semaphore, #tpu.memory_space<semaphore_mem>> -> memref<1x!tpu.dma_semaphore, #tpu.memory_space<semaphore_mem>>
        %dma_wait3A_1347 = tpu.memref_squeeze %dma_wait3A_1346 : memref<1x!tpu.dma_semaphore, #tpu.memory_space<semaphore_mem>> -> memref<!tpu.dma_semaphore, #tpu.memory_space<semaphore_mem>>
        %dma_wait3A_1348 = arith.constant 0 : i32
        %dma_wait3A_1349 = tpu.memref_slice %arg9[%add3A_1337, %dma_wait3A_1348] : memref<819200x128xf32, #tpu.memory_space<hbm>> -> memref<64x64xf32, #tpu.memory_space<hbm>>
        %dma_wait3A_1350 = arith.constant 0 : i32
        %dma_wait3A_1351 = arith.constant 0 : i32
        %dma_wait3A_1352 = tpu.memref_slice %arg16[%dma_wait3A_1338, %dma_wait3A_1350, %dma_wait3A_1351] : memref<2x64x64xf32, #tpu.memory_space<vmem>> -> memref<1x64x64xf32, #tpu.memory_space<vmem>>
        %dma_wait3A_1353 = tpu.memref_squeeze %dma_wait3A_1352 : memref<1x64x64xf32, #tpu.memory_space<vmem>> -> memref<64x64xf32, #tpu.memory_space<vmem>>
        tpu.wait_dma2 semaphore(%dma_wait3A_1347 : memref<!tpu.dma_semaphore, #tpu.memory_space<semaphore_mem>>) src(%dma_wait3A_1353 : memref<64x64xf32, #tpu.memory_space<vmem>>) dst(%dma_wait3A_1349 : memref<64x64xf32, #tpu.memory_space<hbm>>)
        %sub3A_1354 = arith.constant 2 : i32
        %sub3A_1355 = arith.subi %add3A_328, %sub3A_1354 : i32
        %mul3A_1356 = arith.constant 64 : i32
        %mul3A_1357 = arith.muli %sub3A_1355, %mul3A_1356 : i32
        %add3A_1358 = arith.addi %mul3A_2, %mul3A_1357 : i32
        %dma_wait3A_1359 = arith.constant 0 : i32
        %dma_wait3A_1360 = arith.constant 0 : i32
        %dma_wait3A_1361 = arith.constant 0 : i32
        %dma_wait3A_1362 = arith.constant 0 : i32
        %dma_wait3A_1363 = tpu.memref_slice %arg17[%dma_wait3A_1359, %dma_wait3A_1361, %dma_wait3A_1362] : memref<2x64x120xf32, #tpu.memory_space<vmem>> -> memref<1x64x120xf32, #tpu.memory_space<vmem>>
        %dma_wait3A_1364 = tpu.memref_squeeze %dma_wait3A_1363 : memref<1x64x120xf32, #tpu.memory_space<vmem>> -> memref<64x120xf32, #tpu.memory_space<vmem>>
        %dma_wait3A_1365 = arith.constant 0 : i32
        %dma_wait3A_1366 = tpu.memref_slice %arg10[%add3A_1358, %dma_wait3A_1365] : memref<819200x128xf32, #tpu.memory_space<hbm>> -> memref<64x120xf32, #tpu.memory_space<hbm>>
        %dma_wait3A_1367 = tpu.memref_slice %arg22[%dma_wait3A_1360] : memref<2x!tpu.dma_semaphore, #tpu.memory_space<semaphore_mem>> -> memref<1x!tpu.dma_semaphore, #tpu.memory_space<semaphore_mem>>
        %dma_wait3A_1368 = tpu.memref_squeeze %dma_wait3A_1367 : memref<1x!tpu.dma_semaphore, #tpu.memory_space<semaphore_mem>> -> memref<!tpu.dma_semaphore, #tpu.memory_space<semaphore_mem>>
        %dma_wait3A_1369 = arith.constant 0 : i32
        %dma_wait3A_1370 = tpu.memref_slice %arg10[%add3A_1358, %dma_wait3A_1369] : memref<819200x128xf32, #tpu.memory_space<hbm>> -> memref<64x120xf32, #tpu.memory_space<hbm>>
        %dma_wait3A_1371 = arith.constant 0 : i32
        %dma_wait3A_1372 = arith.constant 0 : i32
        %dma_wait3A_1373 = tpu.memref_slice %arg17[%dma_wait3A_1359, %dma_wait3A_1371, %dma_wait3A_1372] : memref<2x64x120xf32, #tpu.memory_space<vmem>> -> memref<1x64x120xf32, #tpu.memory_space<vmem>>
        %dma_wait3A_1374 = tpu.memref_squeeze %dma_wait3A_1373 : memref<1x64x120xf32, #tpu.memory_space<vmem>> -> memref<64x120xf32, #tpu.memory_space<vmem>>
        tpu.wait_dma2 semaphore(%dma_wait3A_1368 : memref<!tpu.dma_semaphore, #tpu.memory_space<semaphore_mem>>) src(%dma_wait3A_1374 : memref<64x120xf32, #tpu.memory_space<vmem>>) dst(%dma_wait3A_1370 : memref<64x120xf32, #tpu.memory_space<hbm>>)
        %sub3A_1375 = arith.constant 2 : i32
        %sub3A_1376 = arith.subi %add3A_328, %sub3A_1375 : i32
        %mul3A_1377 = arith.constant 64 : i32
        %mul3A_1378 = arith.muli %sub3A_1376, %mul3A_1377 : i32
        %add3A_1379 = arith.addi %mul3A_2, %mul3A_1378 : i32
        %dma_wait3A_1380 = arith.constant 0 : i32
        %dma_wait3A_1381 = arith.constant 0 : i32
        %dma_wait3A_1382 = arith.constant 0 : i32
        %dma_wait3A_1383 = arith.constant 0 : i32
        %dma_wait3A_1384 = tpu.memref_slice %arg18[%dma_wait3A_1380, %dma_wait3A_1382, %dma_wait3A_1383] : memref<2x64x120xf32, #tpu.memory_space<vmem>> -> memref<1x64x120xf32, #tpu.memory_space<vmem>>
        %dma_wait3A_1385 = tpu.memref_squeeze %dma_wait3A_1384 : memref<1x64x120xf32, #tpu.memory_space<vmem>> -> memref<64x120xf32, #tpu.memory_space<vmem>>
        %dma_wait3A_1386 = arith.constant 0 : i32
        %dma_wait3A_1387 = tpu.memref_slice %arg11[%add3A_1379, %dma_wait3A_1386] : memref<819200x128xf32, #tpu.memory_space<hbm>> -> memref<64x120xf32, #tpu.memory_space<hbm>>
        %dma_wait3A_1388 = tpu.memref_slice %arg22[%dma_wait3A_1381] : memref<2x!tpu.dma_semaphore, #tpu.memory_space<semaphore_mem>> -> memref<1x!tpu.dma_semaphore, #tpu.memory_space<semaphore_mem>>
        %dma_wait3A_1389 = tpu.memref_squeeze %dma_wait3A_1388 : memref<1x!tpu.dma_semaphore, #tpu.memory_space<semaphore_mem>> -> memref<!tpu.dma_semaphore, #tpu.memory_space<semaphore_mem>>
        %dma_wait3A_1390 = arith.constant 0 : i32
        %dma_wait3A_1391 = tpu.memref_slice %arg11[%add3A_1379, %dma_wait3A_1390] : memref<819200x128xf32, #tpu.memory_space<hbm>> -> memref<64x120xf32, #tpu.memory_space<hbm>>
        %dma_wait3A_1392 = arith.constant 0 : i32
        %dma_wait3A_1393 = arith.constant 0 : i32
        %dma_wait3A_1394 = tpu.memref_slice %arg18[%dma_wait3A_1380, %dma_wait3A_1392, %dma_wait3A_1393] : memref<2x64x120xf32, #tpu.memory_space<vmem>> -> memref<1x64x120xf32, #tpu.memory_space<vmem>>
        %dma_wait3A_1395 = tpu.memref_squeeze %dma_wait3A_1394 : memref<1x64x120xf32, #tpu.memory_space<vmem>> -> memref<64x120xf32, #tpu.memory_space<vmem>>
        tpu.wait_dma2 semaphore(%dma_wait3A_1389 : memref<!tpu.dma_semaphore, #tpu.memory_space<semaphore_mem>>) src(%dma_wait3A_1395 : memref<64x120xf32, #tpu.memory_space<vmem>>) dst(%dma_wait3A_1391 : memref<64x120xf32, #tpu.memory_space<hbm>>)
        %sub3A_1396 = arith.constant 2 : i32
        %sub3A_1397 = arith.subi %add3A_328, %sub3A_1396 : i32
        %mul3A_1398 = arith.constant 64 : i32
        %mul3A_1399 = arith.muli %sub3A_1397, %mul3A_1398 : i32
        %add3A_1400 = arith.addi %mul3A_2, %mul3A_1399 : i32
        %dma_wait3A_1401 = arith.constant 0 : i32
        %dma_wait3A_1402 = arith.constant 0 : i32
        %dma_wait3A_1403 = arith.constant 0 : i32
        %dma_wait3A_1404 = arith.constant 0 : i32
        %dma_wait3A_1405 = tpu.memref_slice %arg19[%dma_wait3A_1401, %dma_wait3A_1403, %dma_wait3A_1404] : memref<2x64x104xf32, #tpu.memory_space<vmem>> -> memref<1x64x104xf32, #tpu.memory_space<vmem>>
        %dma_wait3A_1406 = tpu.memref_squeeze %dma_wait3A_1405 : memref<1x64x104xf32, #tpu.memory_space<vmem>> -> memref<64x104xf32, #tpu.memory_space<vmem>>
        %dma_wait3A_1407 = arith.constant 0 : i32
        %dma_wait3A_1408 = tpu.memref_slice %arg12[%add3A_1400, %dma_wait3A_1407] : memref<819200x128xf32, #tpu.memory_space<hbm>> -> memref<64x104xf32, #tpu.memory_space<hbm>>
        %dma_wait3A_1409 = tpu.memref_slice %arg22[%dma_wait3A_1402] : memref<2x!tpu.dma_semaphore, #tpu.memory_space<semaphore_mem>> -> memref<1x!tpu.dma_semaphore, #tpu.memory_space<semaphore_mem>>
        %dma_wait3A_1410 = tpu.memref_squeeze %dma_wait3A_1409 : memref<1x!tpu.dma_semaphore, #tpu.memory_space<semaphore_mem>> -> memref<!tpu.dma_semaphore, #tpu.memory_space<semaphore_mem>>
        %dma_wait3A_1411 = arith.constant 0 : i32
        %dma_wait3A_1412 = tpu.memref_slice %arg12[%add3A_1400, %dma_wait3A_1411] : memref<819200x128xf32, #tpu.memory_space<hbm>> -> memref<64x104xf32, #tpu.memory_space<hbm>>
        %dma_wait3A_1413 = arith.constant 0 : i32
        %dma_wait3A_1414 = arith.constant 0 : i32
        %dma_wait3A_1415 = tpu.memref_slice %arg19[%dma_wait3A_1401, %dma_wait3A_1413, %dma_wait3A_1414] : memref<2x64x104xf32, #tpu.memory_space<vmem>> -> memref<1x64x104xf32, #tpu.memory_space<vmem>>
        %dma_wait3A_1416 = tpu.memref_squeeze %dma_wait3A_1415 : memref<1x64x104xf32, #tpu.memory_space<vmem>> -> memref<64x104xf32, #tpu.memory_space<vmem>>
        tpu.wait_dma2 semaphore(%dma_wait3A_1410 : memref<!tpu.dma_semaphore, #tpu.memory_space<semaphore_mem>>) src(%dma_wait3A_1416 : memref<64x104xf32, #tpu.memory_space<vmem>>) dst(%dma_wait3A_1412 : memref<64x104xf32, #tpu.memory_space<hbm>>)
      } else {
      }
      %mul3A_451 = arith.constant 64 : i32
      %mul3A_452 = arith.muli %add3A_328, %mul3A_451 : i32
      %add3A_453 = arith.addi %mul3A_2, %mul3A_452 : i32
      %add3A_454 = arith.constant 0 : i32
      %add3A_455 = arith.addi %add3A_454, %add3A_453 : i32
      %dma_wait3A_456 = arith.constant 0 : i32
      %dma_wait3A_457 = arith.constant 0 : i32
      %dma_wait3A_458 = arith.constant 0 : i32
      %dma_wait3A_459 = arith.constant 0 : i32
      %dma_wait3A_460 = tpu.memref_slice %arg13[%dma_wait3A_456, %dma_wait3A_457, %dma_wait3A_459] : memref<2x6x64xi32, #tpu.memory_space<vmem>> -> memref<1x1x64xi32, #tpu.memory_space<vmem>>
      %dma_wait3A_461 = tpu.memref_squeeze %dma_wait3A_460 : memref<1x1x64xi32, #tpu.memory_space<vmem>> -> memref<64xi32, #tpu.memory_space<vmem>>
      %dma_wait3A_462 = tpu.memref_slice %arg2[%add3A_455] : memref<4915200xi32, #tpu.memory_space<hbm>> -> memref<64xi32, #tpu.memory_space<hbm>>
      %dma_wait3A_463 = tpu.memref_slice %arg20[%dma_wait3A_458] : memref<2x!tpu.dma_semaphore, #tpu.memory_space<semaphore_mem>> -> memref<1x!tpu.dma_semaphore, #tpu.memory_space<semaphore_mem>>
      %dma_wait3A_464 = tpu.memref_squeeze %dma_wait3A_463 : memref<1x!tpu.dma_semaphore, #tpu.memory_space<semaphore_mem>> -> memref<!tpu.dma_semaphore, #tpu.memory_space<semaphore_mem>>
      %dma_wait3A_465 = arith.constant 0 : i32
      %dma_wait3A_466 = tpu.memref_slice %arg13[%dma_wait3A_456, %dma_wait3A_457, %dma_wait3A_465] : memref<2x6x64xi32, #tpu.memory_space<vmem>> -> memref<1x1x64xi32, #tpu.memory_space<vmem>>
      %dma_wait3A_467 = tpu.memref_squeeze %dma_wait3A_466 : memref<1x1x64xi32, #tpu.memory_space<vmem>> -> memref<64xi32, #tpu.memory_space<vmem>>
      %dma_wait3A_468 = tpu.memref_slice %arg2[%add3A_455] : memref<4915200xi32, #tpu.memory_space<hbm>> -> memref<64xi32, #tpu.memory_space<hbm>>
      tpu.wait_dma2 semaphore(%dma_wait3A_464 : memref<!tpu.dma_semaphore, #tpu.memory_space<semaphore_mem>>) src(%dma_wait3A_468 : memref<64xi32, #tpu.memory_space<hbm>>) dst(%dma_wait3A_467 : memref<64xi32, #tpu.memory_space<vmem>>)
      %mul3A_469 = arith.constant 64 : i32
      %mul3A_470 = arith.muli %add3A_328, %mul3A_469 : i32
      %add3A_471 = arith.addi %mul3A_2, %mul3A_470 : i32
      %add3A_472 = arith.constant 819200 : i32
      %add3A_473 = arith.addi %add3A_472, %add3A_471 : i32
      %dma_wait3A_474 = arith.constant 0 : i32
      %dma_wait3A_475 = arith.constant 1 : i32
      %dma_wait3A_476 = arith.constant 0 : i32
      %dma_wait3A_477 = arith.constant 0 : i32
      %dma_wait3A_478 = tpu.memref_slice %arg13[%dma_wait3A_474, %dma_wait3A_475, %dma_wait3A_477] : memref<2x6x64xi32, #tpu.memory_space<vmem>> -> memref<1x1x64xi32, #tpu.memory_space<vmem>>
      %dma_wait3A_479 = tpu.memref_squeeze %dma_wait3A_478 : memref<1x1x64xi32, #tpu.memory_space<vmem>> -> memref<64xi32, #tpu.memory_space<vmem>>
      %dma_wait3A_480 = tpu.memref_slice %arg2[%add3A_473] : memref<4915200xi32, #tpu.memory_space<hbm>> -> memref<64xi32, #tpu.memory_space<hbm>>
      %dma_wait3A_481 = tpu.memref_slice %arg20[%dma_wait3A_476] : memref<2x!tpu.dma_semaphore, #tpu.memory_space<semaphore_mem>> -> memref<1x!tpu.dma_semaphore, #tpu.memory_space<semaphore_mem>>
      %dma_wait3A_482 = tpu.memref_squeeze %dma_wait3A_481 : memref<1x!tpu.dma_semaphore, #tpu.memory_space<semaphore_mem>> -> memref<!tpu.dma_semaphore, #tpu.memory_space<semaphore_mem>>
      %dma_wait3A_483 = arith.constant 0 : i32
      %dma_wait3A_484 = tpu.memref_slice %arg13[%dma_wait3A_474, %dma_wait3A_475, %dma_wait3A_483] : memref<2x6x64xi32, #tpu.memory_space<vmem>> -> memref<1x1x64xi32, #tpu.memory_space<vmem>>
      %dma_wait3A_485 = tpu.memref_squeeze %dma_wait3A_484 : memref<1x1x64xi32, #tpu.memory_space<vmem>> -> memref<64xi32, #tpu.memory_space<vmem>>
      %dma_wait3A_486 = tpu.memref_slice %arg2[%add3A_473] : memref<4915200xi32, #tpu.memory_space<hbm>> -> memref<64xi32, #tpu.memory_space<hbm>>
      tpu.wait_dma2 semaphore(%dma_wait3A_482 : memref<!tpu.dma_semaphore, #tpu.memory_space<semaphore_mem>>) src(%dma_wait3A_486 : memref<64xi32, #tpu.memory_space<hbm>>) dst(%dma_wait3A_485 : memref<64xi32, #tpu.memory_space<vmem>>)
      %mul3A_487 = arith.constant 64 : i32
      %mul3A_488 = arith.muli %add3A_328, %mul3A_487 : i32
      %add3A_489 = arith.addi %mul3A_2, %mul3A_488 : i32
      %add3A_490 = arith.constant 1638400 : i32
      %add3A_491 = arith.addi %add3A_490, %add3A_489 : i32
      %dma_wait3A_492 = arith.constant 0 : i32
      %dma_wait3A_493 = arith.constant 2 : i32
      %dma_wait3A_494 = arith.constant 0 : i32
      %dma_wait3A_495 = arith.constant 0 : i32
      %dma_wait3A_496 = tpu.memref_slice %arg13[%dma_wait3A_492, %dma_wait3A_493, %dma_wait3A_495] : memref<2x6x64xi32, #tpu.memory_space<vmem>> -> memref<1x1x64xi32, #tpu.memory_space<vmem>>
      %dma_wait3A_497 = tpu.memref_squeeze %dma_wait3A_496 : memref<1x1x64xi32, #tpu.memory_space<vmem>> -> memref<64xi32, #tpu.memory_space<vmem>>
      %dma_wait3A_498 = tpu.memref_slice %arg2[%add3A_491] : memref<4915200xi32, #tpu.memory_space<hbm>> -> memref<64xi32, #tpu.memory_space<hbm>>
      %dma_wait3A_499 = tpu.memref_slice %arg20[%dma_wait3A_494] : memref<2x!tpu.dma_semaphore, #tpu.memory_space<semaphore_mem>> -> memref<1x!tpu.dma_semaphore, #tpu.memory_space<semaphore_mem>>
      %dma_wait3A_500 = tpu.memref_squeeze %dma_wait3A_499 : memref<1x!tpu.dma_semaphore, #tpu.memory_space<semaphore_mem>> -> memref<!tpu.dma_semaphore, #tpu.memory_space<semaphore_mem>>
      %dma_wait3A_501 = arith.constant 0 : i32
      %dma_wait3A_502 = tpu.memref_slice %arg13[%dma_wait3A_492, %dma_wait3A_493, %dma_wait3A_501] : memref<2x6x64xi32, #tpu.memory_space<vmem>> -> memref<1x1x64xi32, #tpu.memory_space<vmem>>
      %dma_wait3A_503 = tpu.memref_squeeze %dma_wait3A_502 : memref<1x1x64xi32, #tpu.memory_space<vmem>> -> memref<64xi32, #tpu.memory_space<vmem>>
      %dma_wait3A_504 = tpu.memref_slice %arg2[%add3A_491] : memref<4915200xi32, #tpu.memory_space<hbm>> -> memref<64xi32, #tpu.memory_space<hbm>>
      tpu.wait_dma2 semaphore(%dma_wait3A_500 : memref<!tpu.dma_semaphore, #tpu.memory_space<semaphore_mem>>) src(%dma_wait3A_504 : memref<64xi32, #tpu.memory_space<hbm>>) dst(%dma_wait3A_503 : memref<64xi32, #tpu.memory_space<vmem>>)
      %mul3A_505 = arith.constant 64 : i32
      %mul3A_506 = arith.muli %add3A_328, %mul3A_505 : i32
      %add3A_507 = arith.addi %mul3A_2, %mul3A_506 : i32
      %add3A_508 = arith.constant 2457600 : i32
      %add3A_509 = arith.addi %add3A_508, %add3A_507 : i32
      %dma_wait3A_510 = arith.constant 0 : i32
      %dma_wait3A_511 = arith.constant 3 : i32
      %dma_wait3A_512 = arith.constant 0 : i32
      %dma_wait3A_513 = arith.constant 0 : i32
      %dma_wait3A_514 = tpu.memref_slice %arg13[%dma_wait3A_510, %dma_wait3A_511, %dma_wait3A_513] : memref<2x6x64xi32, #tpu.memory_space<vmem>> -> memref<1x1x64xi32, #tpu.memory_space<vmem>>
      %dma_wait3A_515 = tpu.memref_squeeze %dma_wait3A_514 : memref<1x1x64xi32, #tpu.memory_space<vmem>> -> memref<64xi32, #tpu.memory_space<vmem>>
      %dma_wait3A_516 = tpu.memref_slice %arg2[%add3A_509] : memref<4915200xi32, #tpu.memory_space<hbm>> -> memref<64xi32, #tpu.memory_space<hbm>>
      %dma_wait3A_517 = tpu.memref_slice %arg20[%dma_wait3A_512] : memref<2x!tpu.dma_semaphore, #tpu.memory_space<semaphore_mem>> -> memref<1x!tpu.dma_semaphore, #tpu.memory_space<semaphore_mem>>
      %dma_wait3A_518 = tpu.memref_squeeze %dma_wait3A_517 : memref<1x!tpu.dma_semaphore, #tpu.memory_space<semaphore_mem>> -> memref<!tpu.dma_semaphore, #tpu.memory_space<semaphore_mem>>
      %dma_wait3A_519 = arith.constant 0 : i32
      %dma_wait3A_520 = tpu.memref_slice %arg13[%dma_wait3A_510, %dma_wait3A_511, %dma_wait3A_519] : memref<2x6x64xi32, #tpu.memory_space<vmem>> -> memref<1x1x64xi32, #tpu.memory_space<vmem>>
      %dma_wait3A_521 = tpu.memref_squeeze %dma_wait3A_520 : memref<1x1x64xi32, #tpu.memory_space<vmem>> -> memref<64xi32, #tpu.memory_space<vmem>>
      %dma_wait3A_522 = tpu.memref_slice %arg2[%add3A_509] : memref<4915200xi32, #tpu.memory_space<hbm>> -> memref<64xi32, #tpu.memory_space<hbm>>
      tpu.wait_dma2 semaphore(%dma_wait3A_518 : memref<!tpu.dma_semaphore, #tpu.memory_space<semaphore_mem>>) src(%dma_wait3A_522 : memref<64xi32, #tpu.memory_space<hbm>>) dst(%dma_wait3A_521 : memref<64xi32, #tpu.memory_space<vmem>>)
      %mul3A_523 = arith.constant 64 : i32
      %mul3A_524 = arith.muli %add3A_328, %mul3A_523 : i32
      %add3A_525 = arith.addi %mul3A_2, %mul3A_524 : i32
      %add3A_526 = arith.constant 3276800 : i32
      %add3A_527 = arith.addi %add3A_526, %add3A_525 : i32
      %dma_wait3A_528 = arith.constant 0 : i32
      %dma_wait3A_529 = arith.constant 4 : i32
      %dma_wait3A_530 = arith.constant 0 : i32
      %dma_wait3A_531 = arith.constant 0 : i32
      %dma_wait3A_532 = tpu.memref_slice %arg13[%dma_wait3A_528, %dma_wait3A_529, %dma_wait3A_531] : memref<2x6x64xi32, #tpu.memory_space<vmem>> -> memref<1x1x64xi32, #tpu.memory_space<vmem>>
      %dma_wait3A_533 = tpu.memref_squeeze %dma_wait3A_532 : memref<1x1x64xi32, #tpu.memory_space<vmem>> -> memref<64xi32, #tpu.memory_space<vmem>>
      %dma_wait3A_534 = tpu.memref_slice %arg2[%add3A_527] : memref<4915200xi32, #tpu.memory_space<hbm>> -> memref<64xi32, #tpu.memory_space<hbm>>
      %dma_wait3A_535 = tpu.memref_slice %arg20[%dma_wait3A_530] : memref<2x!tpu.dma_semaphore, #tpu.memory_space<semaphore_mem>> -> memref<1x!tpu.dma_semaphore, #tpu.memory_space<semaphore_mem>>
      %dma_wait3A_536 = tpu.memref_squeeze %dma_wait3A_535 : memref<1x!tpu.dma_semaphore, #tpu.memory_space<semaphore_mem>> -> memref<!tpu.dma_semaphore, #tpu.memory_space<semaphore_mem>>
      %dma_wait3A_537 = arith.constant 0 : i32
      %dma_wait3A_538 = tpu.memref_slice %arg13[%dma_wait3A_528, %dma_wait3A_529, %dma_wait3A_537] : memref<2x6x64xi32, #tpu.memory_space<vmem>> -> memref<1x1x64xi32, #tpu.memory_space<vmem>>
      %dma_wait3A_539 = tpu.memref_squeeze %dma_wait3A_538 : memref<1x1x64xi32, #tpu.memory_space<vmem>> -> memref<64xi32, #tpu.memory_space<vmem>>
      %dma_wait3A_540 = tpu.memref_slice %arg2[%add3A_527] : memref<4915200xi32, #tpu.memory_space<hbm>> -> memref<64xi32, #tpu.memory_space<hbm>>
      tpu.wait_dma2 semaphore(%dma_wait3A_536 : memref<!tpu.dma_semaphore, #tpu.memory_space<semaphore_mem>>) src(%dma_wait3A_540 : memref<64xi32, #tpu.memory_space<hbm>>) dst(%dma_wait3A_539 : memref<64xi32, #tpu.memory_space<vmem>>)
      %mul3A_541 = arith.constant 64 : i32
      %mul3A_542 = arith.muli %add3A_328, %mul3A_541 : i32
      %add3A_543 = arith.addi %mul3A_2, %mul3A_542 : i32
      %add3A_544 = arith.constant 4096000 : i32
      %add3A_545 = arith.addi %add3A_544, %add3A_543 : i32
      %dma_wait3A_546 = arith.constant 0 : i32
      %dma_wait3A_547 = arith.constant 5 : i32
      %dma_wait3A_548 = arith.constant 0 : i32
      %dma_wait3A_549 = arith.constant 0 : i32
      %dma_wait3A_550 = tpu.memref_slice %arg13[%dma_wait3A_546, %dma_wait3A_547, %dma_wait3A_549] : memref<2x6x64xi32, #tpu.memory_space<vmem>> -> memref<1x1x64xi32, #tpu.memory_space<vmem>>
      %dma_wait3A_551 = tpu.memref_squeeze %dma_wait3A_550 : memref<1x1x64xi32, #tpu.memory_space<vmem>> -> memref<64xi32, #tpu.memory_space<vmem>>
      %dma_wait3A_552 = tpu.memref_slice %arg2[%add3A_545] : memref<4915200xi32, #tpu.memory_space<hbm>> -> memref<64xi32, #tpu.memory_space<hbm>>
      %dma_wait3A_553 = tpu.memref_slice %arg20[%dma_wait3A_548] : memref<2x!tpu.dma_semaphore, #tpu.memory_space<semaphore_mem>> -> memref<1x!tpu.dma_semaphore, #tpu.memory_space<semaphore_mem>>
      %dma_wait3A_554 = tpu.memref_squeeze %dma_wait3A_553 : memref<1x!tpu.dma_semaphore, #tpu.memory_space<semaphore_mem>> -> memref<!tpu.dma_semaphore, #tpu.memory_space<semaphore_mem>>
      %dma_wait3A_555 = arith.constant 0 : i32
      %dma_wait3A_556 = tpu.memref_slice %arg13[%dma_wait3A_546, %dma_wait3A_547, %dma_wait3A_555] : memref<2x6x64xi32, #tpu.memory_space<vmem>> -> memref<1x1x64xi32, #tpu.memory_space<vmem>>
      %dma_wait3A_557 = tpu.memref_squeeze %dma_wait3A_556 : memref<1x1x64xi32, #tpu.memory_space<vmem>> -> memref<64xi32, #tpu.memory_space<vmem>>
      %dma_wait3A_558 = tpu.memref_slice %arg2[%add3A_545] : memref<4915200xi32, #tpu.memory_space<hbm>> -> memref<64xi32, #tpu.memory_space<hbm>>
      tpu.wait_dma2 semaphore(%dma_wait3A_554 : memref<!tpu.dma_semaphore, #tpu.memory_space<semaphore_mem>>) src(%dma_wait3A_558 : memref<64xi32, #tpu.memory_space<hbm>>) dst(%dma_wait3A_557 : memref<64xi32, #tpu.memory_space<vmem>>)
      %dma_start3A_559 = arith.constant 0 : i32
      %dma_start3A_560 = arith.constant 0 : i32
      %dma_start3A_561 = arith.constant 0 : i32
      %dma_start3A_562 = arith.constant 0 : i32
      %dma_start3A_563 = arith.constant 0 : i32
      %dma_start3A_564 = arith.constant 0 : i32
      %dma_start3A_565 = tpu.memref_slice %arg14[%dma_start3A_561, %dma_start3A_563, %dma_start3A_564] : memref<2x64x64xf32, #tpu.memory_space<vmem>> -> memref<1x64x64xf32, #tpu.memory_space<vmem>>
      %dma_start3A_566 = tpu.memref_squeeze %dma_start3A_565 : memref<1x64x64xf32, #tpu.memory_space<vmem>> -> memref<64x64xf32, #tpu.memory_space<vmem>>
      %dma_start3A_567 = arith.constant 0 : i32
      %dma_start3A_568 = tpu.memref_slice %arg13[%dma_start3A_559, %dma_start3A_560, %dma_start3A_567] : memref<2x6x64xi32, #tpu.memory_space<vmem>> -> memref<1x1x64xi32, #tpu.memory_space<vmem>>
      %dma_start3A_569 = tpu.memref_squeeze %dma_start3A_568 : memref<1x1x64xi32, #tpu.memory_space<vmem>> -> memref<64xi32, #tpu.memory_space<vmem>>
      %dma_start3A_570 = arith.constant 0 : i32
      %dma_start3A_571 = arith.constant 0 : i32
      %dma_start3A_572 = tpu.memref_slice %arg3[%dma_start3A_570, %dma_start3A_571] : memref<100001x64xf32, #tpu.memory_space<hbm>> -> memref<100001x64xf32, #tpu.memory_space<hbm>>
      %dma_start3A_573 = tpu.memref_slice %arg21[%dma_start3A_562] : memref<2x!tpu.dma_semaphore, #tpu.memory_space<semaphore_mem>> -> memref<1x!tpu.dma_semaphore, #tpu.memory_space<semaphore_mem>>
      %dma_start3A_574 = tpu.memref_squeeze %dma_start3A_573 : memref<1x!tpu.dma_semaphore, #tpu.memory_space<semaphore_mem>> -> memref<!tpu.dma_semaphore, #tpu.memory_space<semaphore_mem>>
      tpu.enqueue_indirect_dma source(%dma_start3A_572 : memref<100001x64xf32, #tpu.memory_space<hbm>>) target(%dma_start3A_566 : memref<64x64xf32, #tpu.memory_space<vmem>>) offsets(%dma_start3A_569 : memref<64xi32, #tpu.memory_space<vmem>>) semaphore(%dma_start3A_574 : memref<!tpu.dma_semaphore, #tpu.memory_space<semaphore_mem>>)
      %dma_start3A_575 = arith.constant 0 : i32
      %dma_start3A_576 = arith.constant 1 : i32
      %dma_start3A_577 = arith.constant 0 : i32
      %dma_start3A_578 = arith.constant 0 : i32
      %dma_start3A_579 = arith.constant 0 : i32
      %dma_start3A_580 = arith.constant 0 : i32
      %dma_start3A_581 = tpu.memref_slice %arg15[%dma_start3A_577, %dma_start3A_579, %dma_start3A_580] : memref<2x64x64xf32, #tpu.memory_space<vmem>> -> memref<1x64x64xf32, #tpu.memory_space<vmem>>
      %dma_start3A_582 = tpu.memref_squeeze %dma_start3A_581 : memref<1x64x64xf32, #tpu.memory_space<vmem>> -> memref<64x64xf32, #tpu.memory_space<vmem>>
      %dma_start3A_583 = arith.constant 0 : i32
      %dma_start3A_584 = tpu.memref_slice %arg13[%dma_start3A_575, %dma_start3A_576, %dma_start3A_583] : memref<2x6x64xi32, #tpu.memory_space<vmem>> -> memref<1x1x64xi32, #tpu.memory_space<vmem>>
      %dma_start3A_585 = tpu.memref_squeeze %dma_start3A_584 : memref<1x1x64xi32, #tpu.memory_space<vmem>> -> memref<64xi32, #tpu.memory_space<vmem>>
      %dma_start3A_586 = arith.constant 0 : i32
      %dma_start3A_587 = arith.constant 0 : i32
      %dma_start3A_588 = tpu.memref_slice %arg4[%dma_start3A_586, %dma_start3A_587] : memref<1000001x64xf32, #tpu.memory_space<hbm>> -> memref<1000001x64xf32, #tpu.memory_space<hbm>>
      %dma_start3A_589 = tpu.memref_slice %arg21[%dma_start3A_578] : memref<2x!tpu.dma_semaphore, #tpu.memory_space<semaphore_mem>> -> memref<1x!tpu.dma_semaphore, #tpu.memory_space<semaphore_mem>>
      %dma_start3A_590 = tpu.memref_squeeze %dma_start3A_589 : memref<1x!tpu.dma_semaphore, #tpu.memory_space<semaphore_mem>> -> memref<!tpu.dma_semaphore, #tpu.memory_space<semaphore_mem>>
      tpu.enqueue_indirect_dma source(%dma_start3A_588 : memref<1000001x64xf32, #tpu.memory_space<hbm>>) target(%dma_start3A_582 : memref<64x64xf32, #tpu.memory_space<vmem>>) offsets(%dma_start3A_585 : memref<64xi32, #tpu.memory_space<vmem>>) semaphore(%dma_start3A_590 : memref<!tpu.dma_semaphore, #tpu.memory_space<semaphore_mem>>)
      %dma_start3A_591 = arith.constant 0 : i32
      %dma_start3A_592 = arith.constant 2 : i32
      %dma_start3A_593 = arith.constant 0 : i32
      %dma_start3A_594 = arith.constant 0 : i32
      %dma_start3A_595 = arith.constant 0 : i32
      %dma_start3A_596 = arith.constant 0 : i32
      %dma_start3A_597 = tpu.memref_slice %arg16[%dma_start3A_593, %dma_start3A_595, %dma_start3A_596] : memref<2x64x64xf32, #tpu.memory_space<vmem>> -> memref<1x64x64xf32, #tpu.memory_space<vmem>>
      %dma_start3A_598 = tpu.memref_squeeze %dma_start3A_597 : memref<1x64x64xf32, #tpu.memory_space<vmem>> -> memref<64x64xf32, #tpu.memory_space<vmem>>
      %dma_start3A_599 = arith.constant 0 : i32
      %dma_start3A_600 = tpu.memref_slice %arg13[%dma_start3A_591, %dma_start3A_592, %dma_start3A_599] : memref<2x6x64xi32, #tpu.memory_space<vmem>> -> memref<1x1x64xi32, #tpu.memory_space<vmem>>
      %dma_start3A_601 = tpu.memref_squeeze %dma_start3A_600 : memref<1x1x64xi32, #tpu.memory_space<vmem>> -> memref<64xi32, #tpu.memory_space<vmem>>
      %dma_start3A_602 = arith.constant 0 : i32
      %dma_start3A_603 = arith.constant 0 : i32
      %dma_start3A_604 = tpu.memref_slice %arg5[%dma_start3A_602, %dma_start3A_603] : memref<100001x64xf32, #tpu.memory_space<hbm>> -> memref<100001x64xf32, #tpu.memory_space<hbm>>
      %dma_start3A_605 = tpu.memref_slice %arg21[%dma_start3A_594] : memref<2x!tpu.dma_semaphore, #tpu.memory_space<semaphore_mem>> -> memref<1x!tpu.dma_semaphore, #tpu.memory_space<semaphore_mem>>
      %dma_start3A_606 = tpu.memref_squeeze %dma_start3A_605 : memref<1x!tpu.dma_semaphore, #tpu.memory_space<semaphore_mem>> -> memref<!tpu.dma_semaphore, #tpu.memory_space<semaphore_mem>>
      tpu.enqueue_indirect_dma source(%dma_start3A_604 : memref<100001x64xf32, #tpu.memory_space<hbm>>) target(%dma_start3A_598 : memref<64x64xf32, #tpu.memory_space<vmem>>) offsets(%dma_start3A_601 : memref<64xi32, #tpu.memory_space<vmem>>) semaphore(%dma_start3A_606 : memref<!tpu.dma_semaphore, #tpu.memory_space<semaphore_mem>>)
      %dma_start3A_607 = arith.constant 0 : i32
      %dma_start3A_608 = arith.constant 3 : i32
      %dma_start3A_609 = arith.constant 0 : i32
      %dma_start3A_610 = arith.constant 0 : i32
      %dma_start3A_611 = arith.constant 0 : i32
      %dma_start3A_612 = arith.constant 0 : i32
      %dma_start3A_613 = tpu.memref_slice %arg17[%dma_start3A_609, %dma_start3A_611, %dma_start3A_612] : memref<2x64x120xf32, #tpu.memory_space<vmem>> -> memref<1x64x120xf32, #tpu.memory_space<vmem>>
      %dma_start3A_614 = tpu.memref_squeeze %dma_start3A_613 : memref<1x64x120xf32, #tpu.memory_space<vmem>> -> memref<64x120xf32, #tpu.memory_space<vmem>>
      %dma_start3A_615 = arith.constant 0 : i32
      %dma_start3A_616 = tpu.memref_slice %arg13[%dma_start3A_607, %dma_start3A_608, %dma_start3A_615] : memref<2x6x64xi32, #tpu.memory_space<vmem>> -> memref<1x1x64xi32, #tpu.memory_space<vmem>>
      %dma_start3A_617 = tpu.memref_squeeze %dma_start3A_616 : memref<1x1x64xi32, #tpu.memory_space<vmem>> -> memref<64xi32, #tpu.memory_space<vmem>>
      %dma_start3A_618 = arith.constant 0 : i32
      %dma_start3A_619 = arith.constant 0 : i32
      %dma_start3A_620 = tpu.memref_slice %arg6[%dma_start3A_618, %dma_start3A_619] : memref<1001x120xf32, #tpu.memory_space<hbm>> -> memref<1001x120xf32, #tpu.memory_space<hbm>>
      %dma_start3A_621 = tpu.memref_slice %arg21[%dma_start3A_610] : memref<2x!tpu.dma_semaphore, #tpu.memory_space<semaphore_mem>> -> memref<1x!tpu.dma_semaphore, #tpu.memory_space<semaphore_mem>>
      %dma_start3A_622 = tpu.memref_squeeze %dma_start3A_621 : memref<1x!tpu.dma_semaphore, #tpu.memory_space<semaphore_mem>> -> memref<!tpu.dma_semaphore, #tpu.memory_space<semaphore_mem>>
      tpu.enqueue_indirect_dma source(%dma_start3A_620 : memref<1001x120xf32, #tpu.memory_space<hbm>>) target(%dma_start3A_614 : memref<64x120xf32, #tpu.memory_space<vmem>>) offsets(%dma_start3A_617 : memref<64xi32, #tpu.memory_space<vmem>>) semaphore(%dma_start3A_622 : memref<!tpu.dma_semaphore, #tpu.memory_space<semaphore_mem>>)
      %dma_start3A_623 = arith.constant 0 : i32
      %dma_start3A_624 = arith.constant 4 : i32
      %dma_start3A_625 = arith.constant 0 : i32
      %dma_start3A_626 = arith.constant 0 : i32
      %dma_start3A_627 = arith.constant 0 : i32
      %dma_start3A_628 = arith.constant 0 : i32
      %dma_start3A_629 = tpu.memref_slice %arg18[%dma_start3A_625, %dma_start3A_627, %dma_start3A_628] : memref<2x64x120xf32, #tpu.memory_space<vmem>> -> memref<1x64x120xf32, #tpu.memory_space<vmem>>
      %dma_start3A_630 = tpu.memref_squeeze %dma_start3A_629 : memref<1x64x120xf32, #tpu.memory_space<vmem>> -> memref<64x120xf32, #tpu.memory_space<vmem>>
      %dma_start3A_631 = arith.constant 0 : i32
      %dma_start3A_632 = tpu.memref_slice %arg13[%dma_start3A_623, %dma_start3A_624, %dma_start3A_631] : memref<2x6x64xi32, #tpu.memory_space<vmem>> -> memref<1x1x64xi32, #tpu.memory_space<vmem>>
      %dma_start3A_633 = tpu.memref_squeeze %dma_start3A_632 : memref<1x1x64xi32, #tpu.memory_space<vmem>> -> memref<64xi32, #tpu.memory_space<vmem>>
      %dma_start3A_634 = arith.constant 0 : i32
      %dma_start3A_635 = arith.constant 0 : i32
      %dma_start3A_636 = tpu.memref_slice %arg6[%dma_start3A_634, %dma_start3A_635] : memref<1001x120xf32, #tpu.memory_space<hbm>> -> memref<1001x120xf32, #tpu.memory_space<hbm>>
      %dma_start3A_637 = tpu.memref_slice %arg21[%dma_start3A_626] : memref<2x!tpu.dma_semaphore, #tpu.memory_space<semaphore_mem>> -> memref<1x!tpu.dma_semaphore, #tpu.memory_space<semaphore_mem>>
      %dma_start3A_638 = tpu.memref_squeeze %dma_start3A_637 : memref<1x!tpu.dma_semaphore, #tpu.memory_space<semaphore_mem>> -> memref<!tpu.dma_semaphore, #tpu.memory_space<semaphore_mem>>
      tpu.enqueue_indirect_dma source(%dma_start3A_636 : memref<1001x120xf32, #tpu.memory_space<hbm>>) target(%dma_start3A_630 : memref<64x120xf32, #tpu.memory_space<vmem>>) offsets(%dma_start3A_633 : memref<64xi32, #tpu.memory_space<vmem>>) semaphore(%dma_start3A_638 : memref<!tpu.dma_semaphore, #tpu.memory_space<semaphore_mem>>)
      %dma_start3A_639 = arith.constant 0 : i32
      %dma_start3A_640 = arith.constant 5 : i32
      %dma_start3A_641 = arith.constant 0 : i32
      %dma_start3A_642 = arith.constant 0 : i32
      %dma_start3A_643 = arith.constant 0 : i32
      %dma_start3A_644 = arith.constant 0 : i32
      %dma_start3A_645 = tpu.memref_slice %arg19[%dma_start3A_641, %dma_start3A_643, %dma_start3A_644] : memref<2x64x104xf32, #tpu.memory_space<vmem>> -> memref<1x64x104xf32, #tpu.memory_space<vmem>>
      %dma_start3A_646 = tpu.memref_squeeze %dma_start3A_645 : memref<1x64x104xf32, #tpu.memory_space<vmem>> -> memref<64x104xf32, #tpu.memory_space<vmem>>
      %dma_start3A_647 = arith.constant 0 : i32
      %dma_start3A_648 = tpu.memref_slice %arg13[%dma_start3A_639, %dma_start3A_640, %dma_start3A_647] : memref<2x6x64xi32, #tpu.memory_space<vmem>> -> memref<1x1x64xi32, #tpu.memory_space<vmem>>
      %dma_start3A_649 = tpu.memref_squeeze %dma_start3A_648 : memref<1x1x64xi32, #tpu.memory_space<vmem>> -> memref<64xi32, #tpu.memory_space<vmem>>
      %dma_start3A_650 = arith.constant 0 : i32
      %dma_start3A_651 = arith.constant 0 : i32
      %dma_start3A_652 = tpu.memref_slice %arg7[%dma_start3A_650, %dma_start3A_651] : memref<1001x104xf32, #tpu.memory_space<hbm>> -> memref<1001x104xf32, #tpu.memory_space<hbm>>
      %dma_start3A_653 = tpu.memref_slice %arg21[%dma_start3A_642] : memref<2x!tpu.dma_semaphore, #tpu.memory_space<semaphore_mem>> -> memref<1x!tpu.dma_semaphore, #tpu.memory_space<semaphore_mem>>
      %dma_start3A_654 = tpu.memref_squeeze %dma_start3A_653 : memref<1x!tpu.dma_semaphore, #tpu.memory_space<semaphore_mem>> -> memref<!tpu.dma_semaphore, #tpu.memory_space<semaphore_mem>>
      tpu.enqueue_indirect_dma source(%dma_start3A_652 : memref<1001x104xf32, #tpu.memory_space<hbm>>) target(%dma_start3A_646 : memref<64x104xf32, #tpu.memory_space<vmem>>) offsets(%dma_start3A_649 : memref<64xi32, #tpu.memory_space<vmem>>) semaphore(%dma_start3A_654 : memref<!tpu.dma_semaphore, #tpu.memory_space<semaphore_mem>>)
      %dma_wait3A_655 = arith.constant 0 : i32
      %dma_wait3A_656 = arith.constant 0 : i32
      %dma_wait3A_657 = arith.constant 0 : i32
      %dma_wait3A_658 = arith.constant 0 : i32
      %dma_wait3A_659 = arith.constant 0 : i32
      %dma_wait3A_660 = arith.constant 0 : i32
      %dma_wait3A_661 = tpu.memref_slice %arg14[%dma_wait3A_657, %dma_wait3A_659, %dma_wait3A_660] : memref<2x64x64xf32, #tpu.memory_space<vmem>> -> memref<1x64x64xf32, #tpu.memory_space<vmem>>
      %dma_wait3A_662 = tpu.memref_squeeze %dma_wait3A_661 : memref<1x64x64xf32, #tpu.memory_space<vmem>> -> memref<64x64xf32, #tpu.memory_space<vmem>>
      %dma_wait3A_663 = arith.constant 0 : i32
      %dma_wait3A_664 = tpu.memref_slice %arg13[%dma_wait3A_655, %dma_wait3A_656, %dma_wait3A_663] : memref<2x6x64xi32, #tpu.memory_space<vmem>> -> memref<1x1x64xi32, #tpu.memory_space<vmem>>
      %dma_wait3A_665 = tpu.memref_squeeze %dma_wait3A_664 : memref<1x1x64xi32, #tpu.memory_space<vmem>> -> memref<64xi32, #tpu.memory_space<vmem>>
      %dma_wait3A_666 = arith.constant 0 : i32
      %dma_wait3A_667 = arith.constant 0 : i32
      %dma_wait3A_668 = tpu.memref_slice %arg3[%dma_wait3A_666, %dma_wait3A_667] : memref<100001x64xf32, #tpu.memory_space<hbm>> -> memref<100001x64xf32, #tpu.memory_space<hbm>>
      %dma_wait3A_669 = tpu.memref_slice %arg21[%dma_wait3A_658] : memref<2x!tpu.dma_semaphore, #tpu.memory_space<semaphore_mem>> -> memref<1x!tpu.dma_semaphore, #tpu.memory_space<semaphore_mem>>
      %dma_wait3A_670 = tpu.memref_squeeze %dma_wait3A_669 : memref<1x!tpu.dma_semaphore, #tpu.memory_space<semaphore_mem>> -> memref<!tpu.dma_semaphore, #tpu.memory_space<semaphore_mem>>
      tpu.wait_indirect_dma semaphore(%dma_wait3A_670 : memref<!tpu.dma_semaphore, #tpu.memory_space<semaphore_mem>>) src(%dma_wait3A_668 : memref<100001x64xf32, #tpu.memory_space<hbm>>) dst(%dma_wait3A_662 : memref<64x64xf32, #tpu.memory_space<vmem>>)
      %dma_wait3A_671 = arith.constant 0 : i32
      %dma_wait3A_672 = arith.constant 1 : i32
      %dma_wait3A_673 = arith.constant 0 : i32
      %dma_wait3A_674 = arith.constant 0 : i32
      %dma_wait3A_675 = arith.constant 0 : i32
      %dma_wait3A_676 = arith.constant 0 : i32
      %dma_wait3A_677 = tpu.memref_slice %arg15[%dma_wait3A_673, %dma_wait3A_675, %dma_wait3A_676] : memref<2x64x64xf32, #tpu.memory_space<vmem>> -> memref<1x64x64xf32, #tpu.memory_space<vmem>>
      %dma_wait3A_678 = tpu.memref_squeeze %dma_wait3A_677 : memref<1x64x64xf32, #tpu.memory_space<vmem>> -> memref<64x64xf32, #tpu.memory_space<vmem>>
      %dma_wait3A_679 = arith.constant 0 : i32
      %dma_wait3A_680 = tpu.memref_slice %arg13[%dma_wait3A_671, %dma_wait3A_672, %dma_wait3A_679] : memref<2x6x64xi32, #tpu.memory_space<vmem>> -> memref<1x1x64xi32, #tpu.memory_space<vmem>>
      %dma_wait3A_681 = tpu.memref_squeeze %dma_wait3A_680 : memref<1x1x64xi32, #tpu.memory_space<vmem>> -> memref<64xi32, #tpu.memory_space<vmem>>
      %dma_wait3A_682 = arith.constant 0 : i32
      %dma_wait3A_683 = arith.constant 0 : i32
      %dma_wait3A_684 = tpu.memref_slice %arg4[%dma_wait3A_682, %dma_wait3A_683] : memref<1000001x64xf32, #tpu.memory_space<hbm>> -> memref<1000001x64xf32, #tpu.memory_space<hbm>>
      %dma_wait3A_685 = tpu.memref_slice %arg21[%dma_wait3A_674] : memref<2x!tpu.dma_semaphore, #tpu.memory_space<semaphore_mem>> -> memref<1x!tpu.dma_semaphore, #tpu.memory_space<semaphore_mem>>
      %dma_wait3A_686 = tpu.memref_squeeze %dma_wait3A_685 : memref<1x!tpu.dma_semaphore, #tpu.memory_space<semaphore_mem>> -> memref<!tpu.dma_semaphore, #tpu.memory_space<semaphore_mem>>
      tpu.wait_indirect_dma semaphore(%dma_wait3A_686 : memref<!tpu.dma_semaphore, #tpu.memory_space<semaphore_mem>>) src(%dma_wait3A_684 : memref<1000001x64xf32, #tpu.memory_space<hbm>>) dst(%dma_wait3A_678 : memref<64x64xf32, #tpu.memory_space<vmem>>)
      %dma_wait3A_687 = arith.constant 0 : i32
      %dma_wait3A_688 = arith.constant 2 : i32
      %dma_wait3A_689 = arith.constant 0 : i32
      %dma_wait3A_690 = arith.constant 0 : i32
      %dma_wait3A_691 = arith.constant 0 : i32
      %dma_wait3A_692 = arith.constant 0 : i32
      %dma_wait3A_693 = tpu.memref_slice %arg16[%dma_wait3A_689, %dma_wait3A_691, %dma_wait3A_692] : memref<2x64x64xf32, #tpu.memory_space<vmem>> -> memref<1x64x64xf32, #tpu.memory_space<vmem>>
      %dma_wait3A_694 = tpu.memref_squeeze %dma_wait3A_693 : memref<1x64x64xf32, #tpu.memory_space<vmem>> -> memref<64x64xf32, #tpu.memory_space<vmem>>
      %dma_wait3A_695 = arith.constant 0 : i32
      %dma_wait3A_696 = tpu.memref_slice %arg13[%dma_wait3A_687, %dma_wait3A_688, %dma_wait3A_695] : memref<2x6x64xi32, #tpu.memory_space<vmem>> -> memref<1x1x64xi32, #tpu.memory_space<vmem>>
      %dma_wait3A_697 = tpu.memref_squeeze %dma_wait3A_696 : memref<1x1x64xi32, #tpu.memory_space<vmem>> -> memref<64xi32, #tpu.memory_space<vmem>>
      %dma_wait3A_698 = arith.constant 0 : i32
      %dma_wait3A_699 = arith.constant 0 : i32
      %dma_wait3A_700 = tpu.memref_slice %arg5[%dma_wait3A_698, %dma_wait3A_699] : memref<100001x64xf32, #tpu.memory_space<hbm>> -> memref<100001x64xf32, #tpu.memory_space<hbm>>
      %dma_wait3A_701 = tpu.memref_slice %arg21[%dma_wait3A_690] : memref<2x!tpu.dma_semaphore, #tpu.memory_space<semaphore_mem>> -> memref<1x!tpu.dma_semaphore, #tpu.memory_space<semaphore_mem>>
      %dma_wait3A_702 = tpu.memref_squeeze %dma_wait3A_701 : memref<1x!tpu.dma_semaphore, #tpu.memory_space<semaphore_mem>> -> memref<!tpu.dma_semaphore, #tpu.memory_space<semaphore_mem>>
      tpu.wait_indirect_dma semaphore(%dma_wait3A_702 : memref<!tpu.dma_semaphore, #tpu.memory_space<semaphore_mem>>) src(%dma_wait3A_700 : memref<100001x64xf32, #tpu.memory_space<hbm>>) dst(%dma_wait3A_694 : memref<64x64xf32, #tpu.memory_space<vmem>>)
      %dma_wait3A_703 = arith.constant 0 : i32
      %dma_wait3A_704 = arith.constant 3 : i32
      %dma_wait3A_705 = arith.constant 0 : i32
      %dma_wait3A_706 = arith.constant 0 : i32
      %dma_wait3A_707 = arith.constant 0 : i32
      %dma_wait3A_708 = arith.constant 0 : i32
      %dma_wait3A_709 = tpu.memref_slice %arg17[%dma_wait3A_705, %dma_wait3A_707, %dma_wait3A_708] : memref<2x64x120xf32, #tpu.memory_space<vmem>> -> memref<1x64x120xf32, #tpu.memory_space<vmem>>
      %dma_wait3A_710 = tpu.memref_squeeze %dma_wait3A_709 : memref<1x64x120xf32, #tpu.memory_space<vmem>> -> memref<64x120xf32, #tpu.memory_space<vmem>>
      %dma_wait3A_711 = arith.constant 0 : i32
      %dma_wait3A_712 = tpu.memref_slice %arg13[%dma_wait3A_703, %dma_wait3A_704, %dma_wait3A_711] : memref<2x6x64xi32, #tpu.memory_space<vmem>> -> memref<1x1x64xi32, #tpu.memory_space<vmem>>
      %dma_wait3A_713 = tpu.memref_squeeze %dma_wait3A_712 : memref<1x1x64xi32, #tpu.memory_space<vmem>> -> memref<64xi32, #tpu.memory_space<vmem>>
      %dma_wait3A_714 = arith.constant 0 : i32
      %dma_wait3A_715 = arith.constant 0 : i32
      %dma_wait3A_716 = tpu.memref_slice %arg6[%dma_wait3A_714, %dma_wait3A_715] : memref<1001x120xf32, #tpu.memory_space<hbm>> -> memref<1001x120xf32, #tpu.memory_space<hbm>>
      %dma_wait3A_717 = tpu.memref_slice %arg21[%dma_wait3A_706] : memref<2x!tpu.dma_semaphore, #tpu.memory_space<semaphore_mem>> -> memref<1x!tpu.dma_semaphore, #tpu.memory_space<semaphore_mem>>
      %dma_wait3A_718 = tpu.memref_squeeze %dma_wait3A_717 : memref<1x!tpu.dma_semaphore, #tpu.memory_space<semaphore_mem>> -> memref<!tpu.dma_semaphore, #tpu.memory_space<semaphore_mem>>
      tpu.wait_indirect_dma semaphore(%dma_wait3A_718 : memref<!tpu.dma_semaphore, #tpu.memory_space<semaphore_mem>>) src(%dma_wait3A_716 : memref<1001x120xf32, #tpu.memory_space<hbm>>) dst(%dma_wait3A_710 : memref<64x120xf32, #tpu.memory_space<vmem>>)
      %dma_wait3A_719 = arith.constant 0 : i32
      %dma_wait3A_720 = arith.constant 4 : i32
      %dma_wait3A_721 = arith.constant 0 : i32
      %dma_wait3A_722 = arith.constant 0 : i32
      %dma_wait3A_723 = arith.constant 0 : i32
      %dma_wait3A_724 = arith.constant 0 : i32
      %dma_wait3A_725 = tpu.memref_slice %arg18[%dma_wait3A_721, %dma_wait3A_723, %dma_wait3A_724] : memref<2x64x120xf32, #tpu.memory_space<vmem>> -> memref<1x64x120xf32, #tpu.memory_space<vmem>>
      %dma_wait3A_726 = tpu.memref_squeeze %dma_wait3A_725 : memref<1x64x120xf32, #tpu.memory_space<vmem>> -> memref<64x120xf32, #tpu.memory_space<vmem>>
      %dma_wait3A_727 = arith.constant 0 : i32
      %dma_wait3A_728 = tpu.memref_slice %arg13[%dma_wait3A_719, %dma_wait3A_720, %dma_wait3A_727] : memref<2x6x64xi32, #tpu.memory_space<vmem>> -> memref<1x1x64xi32, #tpu.memory_space<vmem>>
      %dma_wait3A_729 = tpu.memref_squeeze %dma_wait3A_728 : memref<1x1x64xi32, #tpu.memory_space<vmem>> -> memref<64xi32, #tpu.memory_space<vmem>>
      %dma_wait3A_730 = arith.constant 0 : i32
      %dma_wait3A_731 = arith.constant 0 : i32
      %dma_wait3A_732 = tpu.memref_slice %arg6[%dma_wait3A_730, %dma_wait3A_731] : memref<1001x120xf32, #tpu.memory_space<hbm>> -> memref<1001x120xf32, #tpu.memory_space<hbm>>
      %dma_wait3A_733 = tpu.memref_slice %arg21[%dma_wait3A_722] : memref<2x!tpu.dma_semaphore, #tpu.memory_space<semaphore_mem>> -> memref<1x!tpu.dma_semaphore, #tpu.memory_space<semaphore_mem>>
      %dma_wait3A_734 = tpu.memref_squeeze %dma_wait3A_733 : memref<1x!tpu.dma_semaphore, #tpu.memory_space<semaphore_mem>> -> memref<!tpu.dma_semaphore, #tpu.memory_space<semaphore_mem>>
      tpu.wait_indirect_dma semaphore(%dma_wait3A_734 : memref<!tpu.dma_semaphore, #tpu.memory_space<semaphore_mem>>) src(%dma_wait3A_732 : memref<1001x120xf32, #tpu.memory_space<hbm>>) dst(%dma_wait3A_726 : memref<64x120xf32, #tpu.memory_space<vmem>>)
      %dma_wait3A_735 = arith.constant 0 : i32
      %dma_wait3A_736 = arith.constant 5 : i32
      %dma_wait3A_737 = arith.constant 0 : i32
      %dma_wait3A_738 = arith.constant 0 : i32
      %dma_wait3A_739 = arith.constant 0 : i32
      %dma_wait3A_740 = arith.constant 0 : i32
      %dma_wait3A_741 = tpu.memref_slice %arg19[%dma_wait3A_737, %dma_wait3A_739, %dma_wait3A_740] : memref<2x64x104xf32, #tpu.memory_space<vmem>> -> memref<1x64x104xf32, #tpu.memory_space<vmem>>
      %dma_wait3A_742 = tpu.memref_squeeze %dma_wait3A_741 : memref<1x64x104xf32, #tpu.memory_space<vmem>> -> memref<64x104xf32, #tpu.memory_space<vmem>>
      %dma_wait3A_743 = arith.constant 0 : i32
      %dma_wait3A_744 = tpu.memref_slice %arg13[%dma_wait3A_735, %dma_wait3A_736, %dma_wait3A_743] : memref<2x6x64xi32, #tpu.memory_space<vmem>> -> memref<1x1x64xi32, #tpu.memory_space<vmem>>
      %dma_wait3A_745 = tpu.memref_squeeze %dma_wait3A_744 : memref<1x1x64xi32, #tpu.memory_space<vmem>> -> memref<64xi32, #tpu.memory_space<vmem>>
      %dma_wait3A_746 = arith.constant 0 : i32
      %dma_wait3A_747 = arith.constant 0 : i32
      %dma_wait3A_748 = tpu.memref_slice %arg7[%dma_wait3A_746, %dma_wait3A_747] : memref<1001x104xf32, #tpu.memory_space<hbm>> -> memref<1001x104xf32, #tpu.memory_space<hbm>>
      %dma_wait3A_749 = tpu.memref_slice %arg21[%dma_wait3A_738] : memref<2x!tpu.dma_semaphore, #tpu.memory_space<semaphore_mem>> -> memref<1x!tpu.dma_semaphore, #tpu.memory_space<semaphore_mem>>
      %dma_wait3A_750 = tpu.memref_squeeze %dma_wait3A_749 : memref<1x!tpu.dma_semaphore, #tpu.memory_space<semaphore_mem>> -> memref<!tpu.dma_semaphore, #tpu.memory_space<semaphore_mem>>
      tpu.wait_indirect_dma semaphore(%dma_wait3A_750 : memref<!tpu.dma_semaphore, #tpu.memory_space<semaphore_mem>>) src(%dma_wait3A_748 : memref<1001x104xf32, #tpu.memory_space<hbm>>) dst(%dma_wait3A_742 : memref<64x104xf32, #tpu.memory_space<vmem>>)
      %mul3A_751 = arith.constant 64 : i32
      %mul3A_752 = arith.muli %add3A_328, %mul3A_751 : i32
      %add3A_753 = arith.addi %mul3A_2, %mul3A_752 : i32
      %dma_start3A_754 = arith.constant 0 : i32
      %dma_start3A_755 = arith.constant 0 : i32
      %dma_start3A_756 = arith.constant 0 : i32
      %dma_start3A_757 = arith.constant 0 : i32
      %dma_start3A_758 = tpu.memref_slice %arg14[%dma_start3A_754, %dma_start3A_756, %dma_start3A_757] : memref<2x64x64xf32, #tpu.memory_space<vmem>> -> memref<1x64x64xf32, #tpu.memory_space<vmem>>
      %dma_start3A_759 = tpu.memref_squeeze %dma_start3A_758 : memref<1x64x64xf32, #tpu.memory_space<vmem>> -> memref<64x64xf32, #tpu.memory_space<vmem>>
      %dma_start3A_760 = arith.constant 0 : i32
      %dma_start3A_761 = tpu.memref_slice %arg8[%add3A_753, %dma_start3A_760] : memref<819200x128xf32, #tpu.memory_space<hbm>> -> memref<64x64xf32, #tpu.memory_space<hbm>>
      %dma_start3A_762 = tpu.memref_slice %arg22[%dma_start3A_755] : memref<2x!tpu.dma_semaphore, #tpu.memory_space<semaphore_mem>> -> memref<1x!tpu.dma_semaphore, #tpu.memory_space<semaphore_mem>>
      %dma_start3A_763 = tpu.memref_squeeze %dma_start3A_762 : memref<1x!tpu.dma_semaphore, #tpu.memory_space<semaphore_mem>> -> memref<!tpu.dma_semaphore, #tpu.memory_space<semaphore_mem>>
      %dma_start3A_764 = arith.constant 0 : i32
      %dma_start3A_765 = tpu.memref_slice %arg8[%add3A_753, %dma_start3A_764] : memref<819200x128xf32, #tpu.memory_space<hbm>> -> memref<64x64xf32, #tpu.memory_space<hbm>>
      %dma_start3A_766 = arith.constant 0 : i32
      %dma_start3A_767 = arith.constant 0 : i32
      %dma_start3A_768 = tpu.memref_slice %arg14[%dma_start3A_754, %dma_start3A_766, %dma_start3A_767] : memref<2x64x64xf32, #tpu.memory_space<vmem>> -> memref<1x64x64xf32, #tpu.memory_space<vmem>>
      %dma_start3A_769 = tpu.memref_squeeze %dma_start3A_768 : memref<1x64x64xf32, #tpu.memory_space<vmem>> -> memref<64x64xf32, #tpu.memory_space<vmem>>
      tpu.enqueue_dma source(%dma_start3A_769 : memref<64x64xf32, #tpu.memory_space<vmem>>) target(%dma_start3A_765 : memref<64x64xf32, #tpu.memory_space<hbm>>) target_semaphore(%dma_start3A_763 : memref<!tpu.dma_semaphore, #tpu.memory_space<semaphore_mem>>)
      %mul3A_770 = arith.constant 64 : i32
      %mul3A_771 = arith.muli %add3A_328, %mul3A_770 : i32
      %add3A_772 = arith.addi %mul3A_2, %mul3A_771 : i32
      %dma_start3A_773 = arith.constant 0 : i32
      %dma_start3A_774 = arith.constant 0 : i32
      %dma_start3A_775 = arith.constant 0 : i32
      %dma_start3A_776 = arith.constant 0 : i32
      %dma_start3A_777 = tpu.memref_slice %arg15[%dma_start3A_773, %dma_start3A_775, %dma_start3A_776] : memref<2x64x64xf32, #tpu.memory_space<vmem>> -> memref<1x64x64xf32, #tpu.memory_space<vmem>>
      %dma_start3A_778 = tpu.memref_squeeze %dma_start3A_777 : memref<1x64x64xf32, #tpu.memory_space<vmem>> -> memref<64x64xf32, #tpu.memory_space<vmem>>
      %dma_start3A_779 = arith.constant 64 : i32
      %dma_start3A_780 = tpu.memref_slice %arg8[%add3A_772, %dma_start3A_779] : memref<819200x128xf32, #tpu.memory_space<hbm>> -> memref<64x64xf32, #tpu.memory_space<hbm>>
      %dma_start3A_781 = tpu.memref_slice %arg22[%dma_start3A_774] : memref<2x!tpu.dma_semaphore, #tpu.memory_space<semaphore_mem>> -> memref<1x!tpu.dma_semaphore, #tpu.memory_space<semaphore_mem>>
      %dma_start3A_782 = tpu.memref_squeeze %dma_start3A_781 : memref<1x!tpu.dma_semaphore, #tpu.memory_space<semaphore_mem>> -> memref<!tpu.dma_semaphore, #tpu.memory_space<semaphore_mem>>
      %dma_start3A_783 = arith.constant 64 : i32
      %dma_start3A_784 = tpu.memref_slice %arg8[%add3A_772, %dma_start3A_783] : memref<819200x128xf32, #tpu.memory_space<hbm>> -> memref<64x64xf32, #tpu.memory_space<hbm>>
      %dma_start3A_785 = arith.constant 0 : i32
      %dma_start3A_786 = arith.constant 0 : i32
      %dma_start3A_787 = tpu.memref_slice %arg15[%dma_start3A_773, %dma_start3A_785, %dma_start3A_786] : memref<2x64x64xf32, #tpu.memory_space<vmem>> -> memref<1x64x64xf32, #tpu.memory_space<vmem>>
      %dma_start3A_788 = tpu.memref_squeeze %dma_start3A_787 : memref<1x64x64xf32, #tpu.memory_space<vmem>> -> memref<64x64xf32, #tpu.memory_space<vmem>>
      tpu.enqueue_dma source(%dma_start3A_788 : memref<64x64xf32, #tpu.memory_space<vmem>>) target(%dma_start3A_784 : memref<64x64xf32, #tpu.memory_space<hbm>>) target_semaphore(%dma_start3A_782 : memref<!tpu.dma_semaphore, #tpu.memory_space<semaphore_mem>>)
      %mul3A_789 = arith.constant 64 : i32
      %mul3A_790 = arith.muli %add3A_328, %mul3A_789 : i32
      %add3A_791 = arith.addi %mul3A_2, %mul3A_790 : i32
      %dma_start3A_792 = arith.constant 0 : i32
      %dma_start3A_793 = arith.constant 0 : i32
      %dma_start3A_794 = arith.constant 0 : i32
      %dma_start3A_795 = arith.constant 0 : i32
      %dma_start3A_796 = tpu.memref_slice %arg16[%dma_start3A_792, %dma_start3A_794, %dma_start3A_795] : memref<2x64x64xf32, #tpu.memory_space<vmem>> -> memref<1x64x64xf32, #tpu.memory_space<vmem>>
      %dma_start3A_797 = tpu.memref_squeeze %dma_start3A_796 : memref<1x64x64xf32, #tpu.memory_space<vmem>> -> memref<64x64xf32, #tpu.memory_space<vmem>>
      %dma_start3A_798 = arith.constant 0 : i32
      %dma_start3A_799 = tpu.memref_slice %arg9[%add3A_791, %dma_start3A_798] : memref<819200x128xf32, #tpu.memory_space<hbm>> -> memref<64x64xf32, #tpu.memory_space<hbm>>
      %dma_start3A_800 = tpu.memref_slice %arg22[%dma_start3A_793] : memref<2x!tpu.dma_semaphore, #tpu.memory_space<semaphore_mem>> -> memref<1x!tpu.dma_semaphore, #tpu.memory_space<semaphore_mem>>
      %dma_start3A_801 = tpu.memref_squeeze %dma_start3A_800 : memref<1x!tpu.dma_semaphore, #tpu.memory_space<semaphore_mem>> -> memref<!tpu.dma_semaphore, #tpu.memory_space<semaphore_mem>>
      %dma_start3A_802 = arith.constant 0 : i32
      %dma_start3A_803 = tpu.memref_slice %arg9[%add3A_791, %dma_start3A_802] : memref<819200x128xf32, #tpu.memory_space<hbm>> -> memref<64x64xf32, #tpu.memory_space<hbm>>
      %dma_start3A_804 = arith.constant 0 : i32
      %dma_start3A_805 = arith.constant 0 : i32
      %dma_start3A_806 = tpu.memref_slice %arg16[%dma_start3A_792, %dma_start3A_804, %dma_start3A_805] : memref<2x64x64xf32, #tpu.memory_space<vmem>> -> memref<1x64x64xf32, #tpu.memory_space<vmem>>
      %dma_start3A_807 = tpu.memref_squeeze %dma_start3A_806 : memref<1x64x64xf32, #tpu.memory_space<vmem>> -> memref<64x64xf32, #tpu.memory_space<vmem>>
      tpu.enqueue_dma source(%dma_start3A_807 : memref<64x64xf32, #tpu.memory_space<vmem>>) target(%dma_start3A_803 : memref<64x64xf32, #tpu.memory_space<hbm>>) target_semaphore(%dma_start3A_801 : memref<!tpu.dma_semaphore, #tpu.memory_space<semaphore_mem>>)
      %mul3A_808 = arith.constant 64 : i32
      %mul3A_809 = arith.muli %add3A_328, %mul3A_808 : i32
      %add3A_810 = arith.addi %mul3A_2, %mul3A_809 : i32
      %dma_start3A_811 = arith.constant 0 : i32
      %dma_start3A_812 = arith.constant 0 : i32
      %dma_start3A_813 = arith.constant 0 : i32
      %dma_start3A_814 = arith.constant 0 : i32
      %dma_start3A_815 = tpu.memref_slice %arg17[%dma_start3A_811, %dma_start3A_813, %dma_start3A_814] : memref<2x64x120xf32, #tpu.memory_space<vmem>> -> memref<1x64x120xf32, #tpu.memory_space<vmem>>
      %dma_start3A_816 = tpu.memref_squeeze %dma_start3A_815 : memref<1x64x120xf32, #tpu.memory_space<vmem>> -> memref<64x120xf32, #tpu.memory_space<vmem>>
      %dma_start3A_817 = arith.constant 0 : i32
      %dma_start3A_818 = tpu.memref_slice %arg10[%add3A_810, %dma_start3A_817] : memref<819200x128xf32, #tpu.memory_space<hbm>> -> memref<64x120xf32, #tpu.memory_space<hbm>>
      %dma_start3A_819 = tpu.memref_slice %arg22[%dma_start3A_812] : memref<2x!tpu.dma_semaphore, #tpu.memory_space<semaphore_mem>> -> memref<1x!tpu.dma_semaphore, #tpu.memory_space<semaphore_mem>>
      %dma_start3A_820 = tpu.memref_squeeze %dma_start3A_819 : memref<1x!tpu.dma_semaphore, #tpu.memory_space<semaphore_mem>> -> memref<!tpu.dma_semaphore, #tpu.memory_space<semaphore_mem>>
      %dma_start3A_821 = arith.constant 0 : i32
      %dma_start3A_822 = tpu.memref_slice %arg10[%add3A_810, %dma_start3A_821] : memref<819200x128xf32, #tpu.memory_space<hbm>> -> memref<64x120xf32, #tpu.memory_space<hbm>>
      %dma_start3A_823 = arith.constant 0 : i32
      %dma_start3A_824 = arith.constant 0 : i32
      %dma_start3A_825 = tpu.memref_slice %arg17[%dma_start3A_811, %dma_start3A_823, %dma_start3A_824] : memref<2x64x120xf32, #tpu.memory_space<vmem>> -> memref<1x64x120xf32, #tpu.memory_space<vmem>>
      %dma_start3A_826 = tpu.memref_squeeze %dma_start3A_825 : memref<1x64x120xf32, #tpu.memory_space<vmem>> -> memref<64x120xf32, #tpu.memory_space<vmem>>
      tpu.enqueue_dma source(%dma_start3A_826 : memref<64x120xf32, #tpu.memory_space<vmem>>) target(%dma_start3A_822 : memref<64x120xf32, #tpu.memory_space<hbm>>) target_semaphore(%dma_start3A_820 : memref<!tpu.dma_semaphore, #tpu.memory_space<semaphore_mem>>)
      %mul3A_827 = arith.constant 64 : i32
      %mul3A_828 = arith.muli %add3A_328, %mul3A_827 : i32
      %add3A_829 = arith.addi %mul3A_2, %mul3A_828 : i32
      %dma_start3A_830 = arith.constant 0 : i32
      %dma_start3A_831 = arith.constant 0 : i32
      %dma_start3A_832 = arith.constant 0 : i32
      %dma_start3A_833 = arith.constant 0 : i32
      %dma_start3A_834 = tpu.memref_slice %arg18[%dma_start3A_830, %dma_start3A_832, %dma_start3A_833] : memref<2x64x120xf32, #tpu.memory_space<vmem>> -> memref<1x64x120xf32, #tpu.memory_space<vmem>>
      %dma_start3A_835 = tpu.memref_squeeze %dma_start3A_834 : memref<1x64x120xf32, #tpu.memory_space<vmem>> -> memref<64x120xf32, #tpu.memory_space<vmem>>
      %dma_start3A_836 = arith.constant 0 : i32
      %dma_start3A_837 = tpu.memref_slice %arg11[%add3A_829, %dma_start3A_836] : memref<819200x128xf32, #tpu.memory_space<hbm>> -> memref<64x120xf32, #tpu.memory_space<hbm>>
      %dma_start3A_838 = tpu.memref_slice %arg22[%dma_start3A_831] : memref<2x!tpu.dma_semaphore, #tpu.memory_space<semaphore_mem>> -> memref<1x!tpu.dma_semaphore, #tpu.memory_space<semaphore_mem>>
      %dma_start3A_839 = tpu.memref_squeeze %dma_start3A_838 : memref<1x!tpu.dma_semaphore, #tpu.memory_space<semaphore_mem>> -> memref<!tpu.dma_semaphore, #tpu.memory_space<semaphore_mem>>
      %dma_start3A_840 = arith.constant 0 : i32
      %dma_start3A_841 = tpu.memref_slice %arg11[%add3A_829, %dma_start3A_840] : memref<819200x128xf32, #tpu.memory_space<hbm>> -> memref<64x120xf32, #tpu.memory_space<hbm>>
      %dma_start3A_842 = arith.constant 0 : i32
      %dma_start3A_843 = arith.constant 0 : i32
      %dma_start3A_844 = tpu.memref_slice %arg18[%dma_start3A_830, %dma_start3A_842, %dma_start3A_843] : memref<2x64x120xf32, #tpu.memory_space<vmem>> -> memref<1x64x120xf32, #tpu.memory_space<vmem>>
      %dma_start3A_845 = tpu.memref_squeeze %dma_start3A_844 : memref<1x64x120xf32, #tpu.memory_space<vmem>> -> memref<64x120xf32, #tpu.memory_space<vmem>>
      tpu.enqueue_dma source(%dma_start3A_845 : memref<64x120xf32, #tpu.memory_space<vmem>>) target(%dma_start3A_841 : memref<64x120xf32, #tpu.memory_space<hbm>>) target_semaphore(%dma_start3A_839 : memref<!tpu.dma_semaphore, #tpu.memory_space<semaphore_mem>>)
      %mul3A_846 = arith.constant 64 : i32
      %mul3A_847 = arith.muli %add3A_328, %mul3A_846 : i32
      %add3A_848 = arith.addi %mul3A_2, %mul3A_847 : i32
      %dma_start3A_849 = arith.constant 0 : i32
      %dma_start3A_850 = arith.constant 0 : i32
      %dma_start3A_851 = arith.constant 0 : i32
      %dma_start3A_852 = arith.constant 0 : i32
      %dma_start3A_853 = tpu.memref_slice %arg19[%dma_start3A_849, %dma_start3A_851, %dma_start3A_852] : memref<2x64x104xf32, #tpu.memory_space<vmem>> -> memref<1x64x104xf32, #tpu.memory_space<vmem>>
      %dma_start3A_854 = tpu.memref_squeeze %dma_start3A_853 : memref<1x64x104xf32, #tpu.memory_space<vmem>> -> memref<64x104xf32, #tpu.memory_space<vmem>>
      %dma_start3A_855 = arith.constant 0 : i32
      %dma_start3A_856 = tpu.memref_slice %arg12[%add3A_848, %dma_start3A_855] : memref<819200x128xf32, #tpu.memory_space<hbm>> -> memref<64x104xf32, #tpu.memory_space<hbm>>
      %dma_start3A_857 = tpu.memref_slice %arg22[%dma_start3A_850] : memref<2x!tpu.dma_semaphore, #tpu.memory_space<semaphore_mem>> -> memref<1x!tpu.dma_semaphore, #tpu.memory_space<semaphore_mem>>
      %dma_start3A_858 = tpu.memref_squeeze %dma_start3A_857 : memref<1x!tpu.dma_semaphore, #tpu.memory_space<semaphore_mem>> -> memref<!tpu.dma_semaphore, #tpu.memory_space<semaphore_mem>>
      %dma_start3A_859 = arith.constant 0 : i32
      %dma_start3A_860 = tpu.memref_slice %arg12[%add3A_848, %dma_start3A_859] : memref<819200x128xf32, #tpu.memory_space<hbm>> -> memref<64x104xf32, #tpu.memory_space<hbm>>
      %dma_start3A_861 = arith.constant 0 : i32
      %dma_start3A_862 = arith.constant 0 : i32
      %dma_start3A_863 = tpu.memref_slice %arg19[%dma_start3A_849, %dma_start3A_861, %dma_start3A_862] : memref<2x64x104xf32, #tpu.memory_space<vmem>> -> memref<1x64x104xf32, #tpu.memory_space<vmem>>
      %dma_start3A_864 = tpu.memref_squeeze %dma_start3A_863 : memref<1x64x104xf32, #tpu.memory_space<vmem>> -> memref<64x104xf32, #tpu.memory_space<vmem>>
      tpu.enqueue_dma source(%dma_start3A_864 : memref<64x104xf32, #tpu.memory_space<vmem>>) target(%dma_start3A_860 : memref<64x104xf32, #tpu.memory_space<hbm>>) target_semaphore(%dma_start3A_858 : memref<!tpu.dma_semaphore, #tpu.memory_space<semaphore_mem>>)
      %mul3A_865 = arith.constant 2 : i32
      %mul3A_866 = arith.muli %mul3A_865, %scan3A_324 : i32
      %add3A_867 = arith.constant 1 : i32
      %add3A_868 = arith.addi %mul3A_866, %add3A_867 : i32
      %lt3A = arith.constant 199 : i32
      %lt3A_869 = arith.cmpi slt, %scan3A_324, %lt3A : i32
      %convert_element_type3A_870 = arith.extui %lt3A_869 : i1 to i32
      %cond3A_871 = arith.constant 0 : i32
      %cond3A_872 = arith.cmpi ne, %convert_element_type3A_870, %cond3A_871 : i32
      scf.if %cond3A_872 {
        %add3A_1292 = arith.constant 1 : i32
        %add3A_1293 = arith.addi %add3A_868, %add3A_1292 : i32
        %mul3A_1294 = arith.constant 64 : i32
        %mul3A_1295 = arith.muli %add3A_1293, %mul3A_1294 : i32
        %add3A_1296 = arith.addi %mul3A_2, %mul3A_1295 : i32
        %add3A_1297 = arith.constant 0 : i32
        %add3A_1298 = arith.addi %add3A_1297, %add3A_1296 : i32
        %dma_start3A_1299 = arith.constant 0 : i32
        %dma_start3A_1300 = arith.constant 0 : i32
        %dma_start3A_1301 = arith.constant 0 : i32
        %dma_start3A_1302 = arith.constant 0 : i32
        %dma_start3A_1303 = tpu.memref_slice %arg13[%dma_start3A_1299, %dma_start3A_1300, %dma_start3A_1302] : memref<2x6x64xi32, #tpu.memory_space<vmem>> -> memref<1x1x64xi32, #tpu.memory_space<vmem>>
        %dma_start3A_1304 = tpu.memref_squeeze %dma_start3A_1303 : memref<1x1x64xi32, #tpu.memory_space<vmem>> -> memref<64xi32, #tpu.memory_space<vmem>>
        %dma_start3A_1305 = tpu.memref_slice %arg2[%add3A_1298] : memref<4915200xi32, #tpu.memory_space<hbm>> -> memref<64xi32, #tpu.memory_space<hbm>>
        %dma_start3A_1306 = tpu.memref_slice %arg20[%dma_start3A_1301] : memref<2x!tpu.dma_semaphore, #tpu.memory_space<semaphore_mem>> -> memref<1x!tpu.dma_semaphore, #tpu.memory_space<semaphore_mem>>
        %dma_start3A_1307 = tpu.memref_squeeze %dma_start3A_1306 : memref<1x!tpu.dma_semaphore, #tpu.memory_space<semaphore_mem>> -> memref<!tpu.dma_semaphore, #tpu.memory_space<semaphore_mem>>
        %dma_start3A_1308 = arith.constant 0 : i32
        %dma_start3A_1309 = tpu.memref_slice %arg13[%dma_start3A_1299, %dma_start3A_1300, %dma_start3A_1308] : memref<2x6x64xi32, #tpu.memory_space<vmem>> -> memref<1x1x64xi32, #tpu.memory_space<vmem>>
        %dma_start3A_1310 = tpu.memref_squeeze %dma_start3A_1309 : memref<1x1x64xi32, #tpu.memory_space<vmem>> -> memref<64xi32, #tpu.memory_space<vmem>>
        %dma_start3A_1311 = tpu.memref_slice %arg2[%add3A_1298] : memref<4915200xi32, #tpu.memory_space<hbm>> -> memref<64xi32, #tpu.memory_space<hbm>>
        tpu.enqueue_dma source(%dma_start3A_1311 : memref<64xi32, #tpu.memory_space<hbm>>) target(%dma_start3A_1310 : memref<64xi32, #tpu.memory_space<vmem>>) target_semaphore(%dma_start3A_1307 : memref<!tpu.dma_semaphore, #tpu.memory_space<semaphore_mem>>)
        %add3A_1312 = arith.constant 1 : i32
        %add3A_1313 = arith.addi %add3A_868, %add3A_1312 : i32
        %mul3A_1314 = arith.constant 64 : i32
        %mul3A_1315 = arith.muli %add3A_1313, %mul3A_1314 : i32
        %add3A_1316 = arith.addi %mul3A_2, %mul3A_1315 : i32
        %add3A_1317 = arith.constant 819200 : i32
        %add3A_1318 = arith.addi %add3A_1317, %add3A_1316 : i32
        %dma_start3A_1319 = arith.constant 0 : i32
        %dma_start3A_1320 = arith.constant 1 : i32
        %dma_start3A_1321 = arith.constant 0 : i32
        %dma_start3A_1322 = arith.constant 0 : i32
        %dma_start3A_1323 = tpu.memref_slice %arg13[%dma_start3A_1319, %dma_start3A_1320, %dma_start3A_1322] : memref<2x6x64xi32, #tpu.memory_space<vmem>> -> memref<1x1x64xi32, #tpu.memory_space<vmem>>
        %dma_start3A_1324 = tpu.memref_squeeze %dma_start3A_1323 : memref<1x1x64xi32, #tpu.memory_space<vmem>> -> memref<64xi32, #tpu.memory_space<vmem>>
        %dma_start3A_1325 = tpu.memref_slice %arg2[%add3A_1318] : memref<4915200xi32, #tpu.memory_space<hbm>> -> memref<64xi32, #tpu.memory_space<hbm>>
        %dma_start3A_1326 = tpu.memref_slice %arg20[%dma_start3A_1321] : memref<2x!tpu.dma_semaphore, #tpu.memory_space<semaphore_mem>> -> memref<1x!tpu.dma_semaphore, #tpu.memory_space<semaphore_mem>>
        %dma_start3A_1327 = tpu.memref_squeeze %dma_start3A_1326 : memref<1x!tpu.dma_semaphore, #tpu.memory_space<semaphore_mem>> -> memref<!tpu.dma_semaphore, #tpu.memory_space<semaphore_mem>>
        %dma_start3A_1328 = arith.constant 0 : i32
        %dma_start3A_1329 = tpu.memref_slice %arg13[%dma_start3A_1319, %dma_start3A_1320, %dma_start3A_1328] : memref<2x6x64xi32, #tpu.memory_space<vmem>> -> memref<1x1x64xi32, #tpu.memory_space<vmem>>
        %dma_start3A_1330 = tpu.memref_squeeze %dma_start3A_1329 : memref<1x1x64xi32, #tpu.memory_space<vmem>> -> memref<64xi32, #tpu.memory_space<vmem>>
        %dma_start3A_1331 = tpu.memref_slice %arg2[%add3A_1318] : memref<4915200xi32, #tpu.memory_space<hbm>> -> memref<64xi32, #tpu.memory_space<hbm>>
        tpu.enqueue_dma source(%dma_start3A_1331 : memref<64xi32, #tpu.memory_space<hbm>>) target(%dma_start3A_1330 : memref<64xi32, #tpu.memory_space<vmem>>) target_semaphore(%dma_start3A_1327 : memref<!tpu.dma_semaphore, #tpu.memory_space<semaphore_mem>>)
        %add3A_1332 = arith.constant 1 : i32
        %add3A_1333 = arith.addi %add3A_868, %add3A_1332 : i32
        %mul3A_1334 = arith.constant 64 : i32
        %mul3A_1335 = arith.muli %add3A_1333, %mul3A_1334 : i32
        %add3A_1336 = arith.addi %mul3A_2, %mul3A_1335 : i32
        %add3A_1337 = arith.constant 1638400 : i32
        %add3A_1338 = arith.addi %add3A_1337, %add3A_1336 : i32
        %dma_start3A_1339 = arith.constant 0 : i32
        %dma_start3A_1340 = arith.constant 2 : i32
        %dma_start3A_1341 = arith.constant 0 : i32
        %dma_start3A_1342 = arith.constant 0 : i32
        %dma_start3A_1343 = tpu.memref_slice %arg13[%dma_start3A_1339, %dma_start3A_1340, %dma_start3A_1342] : memref<2x6x64xi32, #tpu.memory_space<vmem>> -> memref<1x1x64xi32, #tpu.memory_space<vmem>>
        %dma_start3A_1344 = tpu.memref_squeeze %dma_start3A_1343 : memref<1x1x64xi32, #tpu.memory_space<vmem>> -> memref<64xi32, #tpu.memory_space<vmem>>
        %dma_start3A_1345 = tpu.memref_slice %arg2[%add3A_1338] : memref<4915200xi32, #tpu.memory_space<hbm>> -> memref<64xi32, #tpu.memory_space<hbm>>
        %dma_start3A_1346 = tpu.memref_slice %arg20[%dma_start3A_1341] : memref<2x!tpu.dma_semaphore, #tpu.memory_space<semaphore_mem>> -> memref<1x!tpu.dma_semaphore, #tpu.memory_space<semaphore_mem>>
        %dma_start3A_1347 = tpu.memref_squeeze %dma_start3A_1346 : memref<1x!tpu.dma_semaphore, #tpu.memory_space<semaphore_mem>> -> memref<!tpu.dma_semaphore, #tpu.memory_space<semaphore_mem>>
        %dma_start3A_1348 = arith.constant 0 : i32
        %dma_start3A_1349 = tpu.memref_slice %arg13[%dma_start3A_1339, %dma_start3A_1340, %dma_start3A_1348] : memref<2x6x64xi32, #tpu.memory_space<vmem>> -> memref<1x1x64xi32, #tpu.memory_space<vmem>>
        %dma_start3A_1350 = tpu.memref_squeeze %dma_start3A_1349 : memref<1x1x64xi32, #tpu.memory_space<vmem>> -> memref<64xi32, #tpu.memory_space<vmem>>
        %dma_start3A_1351 = tpu.memref_slice %arg2[%add3A_1338] : memref<4915200xi32, #tpu.memory_space<hbm>> -> memref<64xi32, #tpu.memory_space<hbm>>
        tpu.enqueue_dma source(%dma_start3A_1351 : memref<64xi32, #tpu.memory_space<hbm>>) target(%dma_start3A_1350 : memref<64xi32, #tpu.memory_space<vmem>>) target_semaphore(%dma_start3A_1347 : memref<!tpu.dma_semaphore, #tpu.memory_space<semaphore_mem>>)
        %add3A_1352 = arith.constant 1 : i32
        %add3A_1353 = arith.addi %add3A_868, %add3A_1352 : i32
        %mul3A_1354 = arith.constant 64 : i32
        %mul3A_1355 = arith.muli %add3A_1353, %mul3A_1354 : i32
        %add3A_1356 = arith.addi %mul3A_2, %mul3A_1355 : i32
        %add3A_1357 = arith.constant 2457600 : i32
        %add3A_1358 = arith.addi %add3A_1357, %add3A_1356 : i32
        %dma_start3A_1359 = arith.constant 0 : i32
        %dma_start3A_1360 = arith.constant 3 : i32
        %dma_start3A_1361 = arith.constant 0 : i32
        %dma_start3A_1362 = arith.constant 0 : i32
        %dma_start3A_1363 = tpu.memref_slice %arg13[%dma_start3A_1359, %dma_start3A_1360, %dma_start3A_1362] : memref<2x6x64xi32, #tpu.memory_space<vmem>> -> memref<1x1x64xi32, #tpu.memory_space<vmem>>
        %dma_start3A_1364 = tpu.memref_squeeze %dma_start3A_1363 : memref<1x1x64xi32, #tpu.memory_space<vmem>> -> memref<64xi32, #tpu.memory_space<vmem>>
        %dma_start3A_1365 = tpu.memref_slice %arg2[%add3A_1358] : memref<4915200xi32, #tpu.memory_space<hbm>> -> memref<64xi32, #tpu.memory_space<hbm>>
        %dma_start3A_1366 = tpu.memref_slice %arg20[%dma_start3A_1361] : memref<2x!tpu.dma_semaphore, #tpu.memory_space<semaphore_mem>> -> memref<1x!tpu.dma_semaphore, #tpu.memory_space<semaphore_mem>>
        %dma_start3A_1367 = tpu.memref_squeeze %dma_start3A_1366 : memref<1x!tpu.dma_semaphore, #tpu.memory_space<semaphore_mem>> -> memref<!tpu.dma_semaphore, #tpu.memory_space<semaphore_mem>>
        %dma_start3A_1368 = arith.constant 0 : i32
        %dma_start3A_1369 = tpu.memref_slice %arg13[%dma_start3A_1359, %dma_start3A_1360, %dma_start3A_1368] : memref<2x6x64xi32, #tpu.memory_space<vmem>> -> memref<1x1x64xi32, #tpu.memory_space<vmem>>
        %dma_start3A_1370 = tpu.memref_squeeze %dma_start3A_1369 : memref<1x1x64xi32, #tpu.memory_space<vmem>> -> memref<64xi32, #tpu.memory_space<vmem>>
        %dma_start3A_1371 = tpu.memref_slice %arg2[%add3A_1358] : memref<4915200xi32, #tpu.memory_space<hbm>> -> memref<64xi32, #tpu.memory_space<hbm>>
        tpu.enqueue_dma source(%dma_start3A_1371 : memref<64xi32, #tpu.memory_space<hbm>>) target(%dma_start3A_1370 : memref<64xi32, #tpu.memory_space<vmem>>) target_semaphore(%dma_start3A_1367 : memref<!tpu.dma_semaphore, #tpu.memory_space<semaphore_mem>>)
        %add3A_1372 = arith.constant 1 : i32
        %add3A_1373 = arith.addi %add3A_868, %add3A_1372 : i32
        %mul3A_1374 = arith.constant 64 : i32
        %mul3A_1375 = arith.muli %add3A_1373, %mul3A_1374 : i32
        %add3A_1376 = arith.addi %mul3A_2, %mul3A_1375 : i32
        %add3A_1377 = arith.constant 3276800 : i32
        %add3A_1378 = arith.addi %add3A_1377, %add3A_1376 : i32
        %dma_start3A_1379 = arith.constant 0 : i32
        %dma_start3A_1380 = arith.constant 4 : i32
        %dma_start3A_1381 = arith.constant 0 : i32
        %dma_start3A_1382 = arith.constant 0 : i32
        %dma_start3A_1383 = tpu.memref_slice %arg13[%dma_start3A_1379, %dma_start3A_1380, %dma_start3A_1382] : memref<2x6x64xi32, #tpu.memory_space<vmem>> -> memref<1x1x64xi32, #tpu.memory_space<vmem>>
        %dma_start3A_1384 = tpu.memref_squeeze %dma_start3A_1383 : memref<1x1x64xi32, #tpu.memory_space<vmem>> -> memref<64xi32, #tpu.memory_space<vmem>>
        %dma_start3A_1385 = tpu.memref_slice %arg2[%add3A_1378] : memref<4915200xi32, #tpu.memory_space<hbm>> -> memref<64xi32, #tpu.memory_space<hbm>>
        %dma_start3A_1386 = tpu.memref_slice %arg20[%dma_start3A_1381] : memref<2x!tpu.dma_semaphore, #tpu.memory_space<semaphore_mem>> -> memref<1x!tpu.dma_semaphore, #tpu.memory_space<semaphore_mem>>
        %dma_start3A_1387 = tpu.memref_squeeze %dma_start3A_1386 : memref<1x!tpu.dma_semaphore, #tpu.memory_space<semaphore_mem>> -> memref<!tpu.dma_semaphore, #tpu.memory_space<semaphore_mem>>
        %dma_start3A_1388 = arith.constant 0 : i32
        %dma_start3A_1389 = tpu.memref_slice %arg13[%dma_start3A_1379, %dma_start3A_1380, %dma_start3A_1388] : memref<2x6x64xi32, #tpu.memory_space<vmem>> -> memref<1x1x64xi32, #tpu.memory_space<vmem>>
        %dma_start3A_1390 = tpu.memref_squeeze %dma_start3A_1389 : memref<1x1x64xi32, #tpu.memory_space<vmem>> -> memref<64xi32, #tpu.memory_space<vmem>>
        %dma_start3A_1391 = tpu.memref_slice %arg2[%add3A_1378] : memref<4915200xi32, #tpu.memory_space<hbm>> -> memref<64xi32, #tpu.memory_space<hbm>>
        tpu.enqueue_dma source(%dma_start3A_1391 : memref<64xi32, #tpu.memory_space<hbm>>) target(%dma_start3A_1390 : memref<64xi32, #tpu.memory_space<vmem>>) target_semaphore(%dma_start3A_1387 : memref<!tpu.dma_semaphore, #tpu.memory_space<semaphore_mem>>)
        %add3A_1392 = arith.constant 1 : i32
        %add3A_1393 = arith.addi %add3A_868, %add3A_1392 : i32
        %mul3A_1394 = arith.constant 64 : i32
        %mul3A_1395 = arith.muli %add3A_1393, %mul3A_1394 : i32
        %add3A_1396 = arith.addi %mul3A_2, %mul3A_1395 : i32
        %add3A_1397 = arith.constant 4096000 : i32
        %add3A_1398 = arith.addi %add3A_1397, %add3A_1396 : i32
        %dma_start3A_1399 = arith.constant 0 : i32
        %dma_start3A_1400 = arith.constant 5 : i32
        %dma_start3A_1401 = arith.constant 0 : i32
        %dma_start3A_1402 = arith.constant 0 : i32
        %dma_start3A_1403 = tpu.memref_slice %arg13[%dma_start3A_1399, %dma_start3A_1400, %dma_start3A_1402] : memref<2x6x64xi32, #tpu.memory_space<vmem>> -> memref<1x1x64xi32, #tpu.memory_space<vmem>>
        %dma_start3A_1404 = tpu.memref_squeeze %dma_start3A_1403 : memref<1x1x64xi32, #tpu.memory_space<vmem>> -> memref<64xi32, #tpu.memory_space<vmem>>
        %dma_start3A_1405 = tpu.memref_slice %arg2[%add3A_1398] : memref<4915200xi32, #tpu.memory_space<hbm>> -> memref<64xi32, #tpu.memory_space<hbm>>
        %dma_start3A_1406 = tpu.memref_slice %arg20[%dma_start3A_1401] : memref<2x!tpu.dma_semaphore, #tpu.memory_space<semaphore_mem>> -> memref<1x!tpu.dma_semaphore, #tpu.memory_space<semaphore_mem>>
        %dma_start3A_1407 = tpu.memref_squeeze %dma_start3A_1406 : memref<1x!tpu.dma_semaphore, #tpu.memory_space<semaphore_mem>> -> memref<!tpu.dma_semaphore, #tpu.memory_space<semaphore_mem>>
        %dma_start3A_1408 = arith.constant 0 : i32
        %dma_start3A_1409 = tpu.memref_slice %arg13[%dma_start3A_1399, %dma_start3A_1400, %dma_start3A_1408] : memref<2x6x64xi32, #tpu.memory_space<vmem>> -> memref<1x1x64xi32, #tpu.memory_space<vmem>>
        %dma_start3A_1410 = tpu.memref_squeeze %dma_start3A_1409 : memref<1x1x64xi32, #tpu.memory_space<vmem>> -> memref<64xi32, #tpu.memory_space<vmem>>
        %dma_start3A_1411 = tpu.memref_slice %arg2[%add3A_1398] : memref<4915200xi32, #tpu.memory_space<hbm>> -> memref<64xi32, #tpu.memory_space<hbm>>
        tpu.enqueue_dma source(%dma_start3A_1411 : memref<64xi32, #tpu.memory_space<hbm>>) target(%dma_start3A_1410 : memref<64xi32, #tpu.memory_space<vmem>>) target_semaphore(%dma_start3A_1407 : memref<!tpu.dma_semaphore, #tpu.memory_space<semaphore_mem>>)
      } else {
      }
      %ge3A_873 = arith.constant 1 : i32
      %ge3A_874 = arith.cmpi sge, %scan3A_324, %ge3A_873 : i32
      %convert_element_type3A_875 = arith.extui %ge3A_874 : i1 to i32
      %cond3A_876 = arith.constant 0 : i32
      %cond3A_877 = arith.cmpi ne, %convert_element_type3A_875, %cond3A_876 : i32
      scf.if %cond3A_877 {
        %sub3A = arith.constant 2 : i32
        %sub3A_1292 = arith.subi %add3A_868, %sub3A : i32
        %mul3A_1293 = arith.constant 64 : i32
        %mul3A_1294 = arith.muli %sub3A_1292, %mul3A_1293 : i32
        %add3A_1295 = arith.addi %mul3A_2, %mul3A_1294 : i32
        %dma_wait3A_1296 = arith.constant 1 : i32
        %dma_wait3A_1297 = arith.constant 1 : i32
        %dma_wait3A_1298 = arith.constant 0 : i32
        %dma_wait3A_1299 = arith.constant 0 : i32
        %dma_wait3A_1300 = tpu.memref_slice %arg14[%dma_wait3A_1296, %dma_wait3A_1298, %dma_wait3A_1299] : memref<2x64x64xf32, #tpu.memory_space<vmem>> -> memref<1x64x64xf32, #tpu.memory_space<vmem>>
        %dma_wait3A_1301 = tpu.memref_squeeze %dma_wait3A_1300 : memref<1x64x64xf32, #tpu.memory_space<vmem>> -> memref<64x64xf32, #tpu.memory_space<vmem>>
        %dma_wait3A_1302 = arith.constant 0 : i32
        %dma_wait3A_1303 = tpu.memref_slice %arg8[%add3A_1295, %dma_wait3A_1302] : memref<819200x128xf32, #tpu.memory_space<hbm>> -> memref<64x64xf32, #tpu.memory_space<hbm>>
        %dma_wait3A_1304 = tpu.memref_slice %arg22[%dma_wait3A_1297] : memref<2x!tpu.dma_semaphore, #tpu.memory_space<semaphore_mem>> -> memref<1x!tpu.dma_semaphore, #tpu.memory_space<semaphore_mem>>
        %dma_wait3A_1305 = tpu.memref_squeeze %dma_wait3A_1304 : memref<1x!tpu.dma_semaphore, #tpu.memory_space<semaphore_mem>> -> memref<!tpu.dma_semaphore, #tpu.memory_space<semaphore_mem>>
        %dma_wait3A_1306 = arith.constant 0 : i32
        %dma_wait3A_1307 = tpu.memref_slice %arg8[%add3A_1295, %dma_wait3A_1306] : memref<819200x128xf32, #tpu.memory_space<hbm>> -> memref<64x64xf32, #tpu.memory_space<hbm>>
        %dma_wait3A_1308 = arith.constant 0 : i32
        %dma_wait3A_1309 = arith.constant 0 : i32
        %dma_wait3A_1310 = tpu.memref_slice %arg14[%dma_wait3A_1296, %dma_wait3A_1308, %dma_wait3A_1309] : memref<2x64x64xf32, #tpu.memory_space<vmem>> -> memref<1x64x64xf32, #tpu.memory_space<vmem>>
        %dma_wait3A_1311 = tpu.memref_squeeze %dma_wait3A_1310 : memref<1x64x64xf32, #tpu.memory_space<vmem>> -> memref<64x64xf32, #tpu.memory_space<vmem>>
        tpu.wait_dma2 semaphore(%dma_wait3A_1305 : memref<!tpu.dma_semaphore, #tpu.memory_space<semaphore_mem>>) src(%dma_wait3A_1311 : memref<64x64xf32, #tpu.memory_space<vmem>>) dst(%dma_wait3A_1307 : memref<64x64xf32, #tpu.memory_space<hbm>>)
        %sub3A_1312 = arith.constant 2 : i32
        %sub3A_1313 = arith.subi %add3A_868, %sub3A_1312 : i32
        %mul3A_1314 = arith.constant 64 : i32
        %mul3A_1315 = arith.muli %sub3A_1313, %mul3A_1314 : i32
        %add3A_1316 = arith.addi %mul3A_2, %mul3A_1315 : i32
        %dma_wait3A_1317 = arith.constant 1 : i32
        %dma_wait3A_1318 = arith.constant 1 : i32
        %dma_wait3A_1319 = arith.constant 0 : i32
        %dma_wait3A_1320 = arith.constant 0 : i32
        %dma_wait3A_1321 = tpu.memref_slice %arg15[%dma_wait3A_1317, %dma_wait3A_1319, %dma_wait3A_1320] : memref<2x64x64xf32, #tpu.memory_space<vmem>> -> memref<1x64x64xf32, #tpu.memory_space<vmem>>
        %dma_wait3A_1322 = tpu.memref_squeeze %dma_wait3A_1321 : memref<1x64x64xf32, #tpu.memory_space<vmem>> -> memref<64x64xf32, #tpu.memory_space<vmem>>
        %dma_wait3A_1323 = arith.constant 64 : i32
        %dma_wait3A_1324 = tpu.memref_slice %arg8[%add3A_1316, %dma_wait3A_1323] : memref<819200x128xf32, #tpu.memory_space<hbm>> -> memref<64x64xf32, #tpu.memory_space<hbm>>
        %dma_wait3A_1325 = tpu.memref_slice %arg22[%dma_wait3A_1318] : memref<2x!tpu.dma_semaphore, #tpu.memory_space<semaphore_mem>> -> memref<1x!tpu.dma_semaphore, #tpu.memory_space<semaphore_mem>>
        %dma_wait3A_1326 = tpu.memref_squeeze %dma_wait3A_1325 : memref<1x!tpu.dma_semaphore, #tpu.memory_space<semaphore_mem>> -> memref<!tpu.dma_semaphore, #tpu.memory_space<semaphore_mem>>
        %dma_wait3A_1327 = arith.constant 64 : i32
        %dma_wait3A_1328 = tpu.memref_slice %arg8[%add3A_1316, %dma_wait3A_1327] : memref<819200x128xf32, #tpu.memory_space<hbm>> -> memref<64x64xf32, #tpu.memory_space<hbm>>
        %dma_wait3A_1329 = arith.constant 0 : i32
        %dma_wait3A_1330 = arith.constant 0 : i32
        %dma_wait3A_1331 = tpu.memref_slice %arg15[%dma_wait3A_1317, %dma_wait3A_1329, %dma_wait3A_1330] : memref<2x64x64xf32, #tpu.memory_space<vmem>> -> memref<1x64x64xf32, #tpu.memory_space<vmem>>
        %dma_wait3A_1332 = tpu.memref_squeeze %dma_wait3A_1331 : memref<1x64x64xf32, #tpu.memory_space<vmem>> -> memref<64x64xf32, #tpu.memory_space<vmem>>
        tpu.wait_dma2 semaphore(%dma_wait3A_1326 : memref<!tpu.dma_semaphore, #tpu.memory_space<semaphore_mem>>) src(%dma_wait3A_1332 : memref<64x64xf32, #tpu.memory_space<vmem>>) dst(%dma_wait3A_1328 : memref<64x64xf32, #tpu.memory_space<hbm>>)
        %sub3A_1333 = arith.constant 2 : i32
        %sub3A_1334 = arith.subi %add3A_868, %sub3A_1333 : i32
        %mul3A_1335 = arith.constant 64 : i32
        %mul3A_1336 = arith.muli %sub3A_1334, %mul3A_1335 : i32
        %add3A_1337 = arith.addi %mul3A_2, %mul3A_1336 : i32
        %dma_wait3A_1338 = arith.constant 1 : i32
        %dma_wait3A_1339 = arith.constant 1 : i32
        %dma_wait3A_1340 = arith.constant 0 : i32
        %dma_wait3A_1341 = arith.constant 0 : i32
        %dma_wait3A_1342 = tpu.memref_slice %arg16[%dma_wait3A_1338, %dma_wait3A_1340, %dma_wait3A_1341] : memref<2x64x64xf32, #tpu.memory_space<vmem>> -> memref<1x64x64xf32, #tpu.memory_space<vmem>>
        %dma_wait3A_1343 = tpu.memref_squeeze %dma_wait3A_1342 : memref<1x64x64xf32, #tpu.memory_space<vmem>> -> memref<64x64xf32, #tpu.memory_space<vmem>>
        %dma_wait3A_1344 = arith.constant 0 : i32
        %dma_wait3A_1345 = tpu.memref_slice %arg9[%add3A_1337, %dma_wait3A_1344] : memref<819200x128xf32, #tpu.memory_space<hbm>> -> memref<64x64xf32, #tpu.memory_space<hbm>>
        %dma_wait3A_1346 = tpu.memref_slice %arg22[%dma_wait3A_1339] : memref<2x!tpu.dma_semaphore, #tpu.memory_space<semaphore_mem>> -> memref<1x!tpu.dma_semaphore, #tpu.memory_space<semaphore_mem>>
        %dma_wait3A_1347 = tpu.memref_squeeze %dma_wait3A_1346 : memref<1x!tpu.dma_semaphore, #tpu.memory_space<semaphore_mem>> -> memref<!tpu.dma_semaphore, #tpu.memory_space<semaphore_mem>>
        %dma_wait3A_1348 = arith.constant 0 : i32
        %dma_wait3A_1349 = tpu.memref_slice %arg9[%add3A_1337, %dma_wait3A_1348] : memref<819200x128xf32, #tpu.memory_space<hbm>> -> memref<64x64xf32, #tpu.memory_space<hbm>>
        %dma_wait3A_1350 = arith.constant 0 : i32
        %dma_wait3A_1351 = arith.constant 0 : i32
        %dma_wait3A_1352 = tpu.memref_slice %arg16[%dma_wait3A_1338, %dma_wait3A_1350, %dma_wait3A_1351] : memref<2x64x64xf32, #tpu.memory_space<vmem>> -> memref<1x64x64xf32, #tpu.memory_space<vmem>>
        %dma_wait3A_1353 = tpu.memref_squeeze %dma_wait3A_1352 : memref<1x64x64xf32, #tpu.memory_space<vmem>> -> memref<64x64xf32, #tpu.memory_space<vmem>>
        tpu.wait_dma2 semaphore(%dma_wait3A_1347 : memref<!tpu.dma_semaphore, #tpu.memory_space<semaphore_mem>>) src(%dma_wait3A_1353 : memref<64x64xf32, #tpu.memory_space<vmem>>) dst(%dma_wait3A_1349 : memref<64x64xf32, #tpu.memory_space<hbm>>)
        %sub3A_1354 = arith.constant 2 : i32
        %sub3A_1355 = arith.subi %add3A_868, %sub3A_1354 : i32
        %mul3A_1356 = arith.constant 64 : i32
        %mul3A_1357 = arith.muli %sub3A_1355, %mul3A_1356 : i32
        %add3A_1358 = arith.addi %mul3A_2, %mul3A_1357 : i32
        %dma_wait3A_1359 = arith.constant 1 : i32
        %dma_wait3A_1360 = arith.constant 1 : i32
        %dma_wait3A_1361 = arith.constant 0 : i32
        %dma_wait3A_1362 = arith.constant 0 : i32
        %dma_wait3A_1363 = tpu.memref_slice %arg17[%dma_wait3A_1359, %dma_wait3A_1361, %dma_wait3A_1362] : memref<2x64x120xf32, #tpu.memory_space<vmem>> -> memref<1x64x120xf32, #tpu.memory_space<vmem>>
        %dma_wait3A_1364 = tpu.memref_squeeze %dma_wait3A_1363 : memref<1x64x120xf32, #tpu.memory_space<vmem>> -> memref<64x120xf32, #tpu.memory_space<vmem>>
        %dma_wait3A_1365 = arith.constant 0 : i32
        %dma_wait3A_1366 = tpu.memref_slice %arg10[%add3A_1358, %dma_wait3A_1365] : memref<819200x128xf32, #tpu.memory_space<hbm>> -> memref<64x120xf32, #tpu.memory_space<hbm>>
        %dma_wait3A_1367 = tpu.memref_slice %arg22[%dma_wait3A_1360] : memref<2x!tpu.dma_semaphore, #tpu.memory_space<semaphore_mem>> -> memref<1x!tpu.dma_semaphore, #tpu.memory_space<semaphore_mem>>
        %dma_wait3A_1368 = tpu.memref_squeeze %dma_wait3A_1367 : memref<1x!tpu.dma_semaphore, #tpu.memory_space<semaphore_mem>> -> memref<!tpu.dma_semaphore, #tpu.memory_space<semaphore_mem>>
        %dma_wait3A_1369 = arith.constant 0 : i32
        %dma_wait3A_1370 = tpu.memref_slice %arg10[%add3A_1358, %dma_wait3A_1369] : memref<819200x128xf32, #tpu.memory_space<hbm>> -> memref<64x120xf32, #tpu.memory_space<hbm>>
        %dma_wait3A_1371 = arith.constant 0 : i32
        %dma_wait3A_1372 = arith.constant 0 : i32
        %dma_wait3A_1373 = tpu.memref_slice %arg17[%dma_wait3A_1359, %dma_wait3A_1371, %dma_wait3A_1372] : memref<2x64x120xf32, #tpu.memory_space<vmem>> -> memref<1x64x120xf32, #tpu.memory_space<vmem>>
        %dma_wait3A_1374 = tpu.memref_squeeze %dma_wait3A_1373 : memref<1x64x120xf32, #tpu.memory_space<vmem>> -> memref<64x120xf32, #tpu.memory_space<vmem>>
        tpu.wait_dma2 semaphore(%dma_wait3A_1368 : memref<!tpu.dma_semaphore, #tpu.memory_space<semaphore_mem>>) src(%dma_wait3A_1374 : memref<64x120xf32, #tpu.memory_space<vmem>>) dst(%dma_wait3A_1370 : memref<64x120xf32, #tpu.memory_space<hbm>>)
        %sub3A_1375 = arith.constant 2 : i32
        %sub3A_1376 = arith.subi %add3A_868, %sub3A_1375 : i32
        %mul3A_1377 = arith.constant 64 : i32
        %mul3A_1378 = arith.muli %sub3A_1376, %mul3A_1377 : i32
        %add3A_1379 = arith.addi %mul3A_2, %mul3A_1378 : i32
        %dma_wait3A_1380 = arith.constant 1 : i32
        %dma_wait3A_1381 = arith.constant 1 : i32
        %dma_wait3A_1382 = arith.constant 0 : i32
        %dma_wait3A_1383 = arith.constant 0 : i32
        %dma_wait3A_1384 = tpu.memref_slice %arg18[%dma_wait3A_1380, %dma_wait3A_1382, %dma_wait3A_1383] : memref<2x64x120xf32, #tpu.memory_space<vmem>> -> memref<1x64x120xf32, #tpu.memory_space<vmem>>
        %dma_wait3A_1385 = tpu.memref_squeeze %dma_wait3A_1384 : memref<1x64x120xf32, #tpu.memory_space<vmem>> -> memref<64x120xf32, #tpu.memory_space<vmem>>
        %dma_wait3A_1386 = arith.constant 0 : i32
        %dma_wait3A_1387 = tpu.memref_slice %arg11[%add3A_1379, %dma_wait3A_1386] : memref<819200x128xf32, #tpu.memory_space<hbm>> -> memref<64x120xf32, #tpu.memory_space<hbm>>
        %dma_wait3A_1388 = tpu.memref_slice %arg22[%dma_wait3A_1381] : memref<2x!tpu.dma_semaphore, #tpu.memory_space<semaphore_mem>> -> memref<1x!tpu.dma_semaphore, #tpu.memory_space<semaphore_mem>>
        %dma_wait3A_1389 = tpu.memref_squeeze %dma_wait3A_1388 : memref<1x!tpu.dma_semaphore, #tpu.memory_space<semaphore_mem>> -> memref<!tpu.dma_semaphore, #tpu.memory_space<semaphore_mem>>
        %dma_wait3A_1390 = arith.constant 0 : i32
        %dma_wait3A_1391 = tpu.memref_slice %arg11[%add3A_1379, %dma_wait3A_1390] : memref<819200x128xf32, #tpu.memory_space<hbm>> -> memref<64x120xf32, #tpu.memory_space<hbm>>
        %dma_wait3A_1392 = arith.constant 0 : i32
        %dma_wait3A_1393 = arith.constant 0 : i32
        %dma_wait3A_1394 = tpu.memref_slice %arg18[%dma_wait3A_1380, %dma_wait3A_1392, %dma_wait3A_1393] : memref<2x64x120xf32, #tpu.memory_space<vmem>> -> memref<1x64x120xf32, #tpu.memory_space<vmem>>
        %dma_wait3A_1395 = tpu.memref_squeeze %dma_wait3A_1394 : memref<1x64x120xf32, #tpu.memory_space<vmem>> -> memref<64x120xf32, #tpu.memory_space<vmem>>
        tpu.wait_dma2 semaphore(%dma_wait3A_1389 : memref<!tpu.dma_semaphore, #tpu.memory_space<semaphore_mem>>) src(%dma_wait3A_1395 : memref<64x120xf32, #tpu.memory_space<vmem>>) dst(%dma_wait3A_1391 : memref<64x120xf32, #tpu.memory_space<hbm>>)
        %sub3A_1396 = arith.constant 2 : i32
        %sub3A_1397 = arith.subi %add3A_868, %sub3A_1396 : i32
        %mul3A_1398 = arith.constant 64 : i32
        %mul3A_1399 = arith.muli %sub3A_1397, %mul3A_1398 : i32
        %add3A_1400 = arith.addi %mul3A_2, %mul3A_1399 : i32
        %dma_wait3A_1401 = arith.constant 1 : i32
        %dma_wait3A_1402 = arith.constant 1 : i32
        %dma_wait3A_1403 = arith.constant 0 : i32
        %dma_wait3A_1404 = arith.constant 0 : i32
        %dma_wait3A_1405 = tpu.memref_slice %arg19[%dma_wait3A_1401, %dma_wait3A_1403, %dma_wait3A_1404] : memref<2x64x104xf32, #tpu.memory_space<vmem>> -> memref<1x64x104xf32, #tpu.memory_space<vmem>>
        %dma_wait3A_1406 = tpu.memref_squeeze %dma_wait3A_1405 : memref<1x64x104xf32, #tpu.memory_space<vmem>> -> memref<64x104xf32, #tpu.memory_space<vmem>>
        %dma_wait3A_1407 = arith.constant 0 : i32
        %dma_wait3A_1408 = tpu.memref_slice %arg12[%add3A_1400, %dma_wait3A_1407] : memref<819200x128xf32, #tpu.memory_space<hbm>> -> memref<64x104xf32, #tpu.memory_space<hbm>>
        %dma_wait3A_1409 = tpu.memref_slice %arg22[%dma_wait3A_1402] : memref<2x!tpu.dma_semaphore, #tpu.memory_space<semaphore_mem>> -> memref<1x!tpu.dma_semaphore, #tpu.memory_space<semaphore_mem>>
        %dma_wait3A_1410 = tpu.memref_squeeze %dma_wait3A_1409 : memref<1x!tpu.dma_semaphore, #tpu.memory_space<semaphore_mem>> -> memref<!tpu.dma_semaphore, #tpu.memory_space<semaphore_mem>>
        %dma_wait3A_1411 = arith.constant 0 : i32
        %dma_wait3A_1412 = tpu.memref_slice %arg12[%add3A_1400, %dma_wait3A_1411] : memref<819200x128xf32, #tpu.memory_space<hbm>> -> memref<64x104xf32, #tpu.memory_space<hbm>>
        %dma_wait3A_1413 = arith.constant 0 : i32
        %dma_wait3A_1414 = arith.constant 0 : i32
        %dma_wait3A_1415 = tpu.memref_slice %arg19[%dma_wait3A_1401, %dma_wait3A_1413, %dma_wait3A_1414] : memref<2x64x104xf32, #tpu.memory_space<vmem>> -> memref<1x64x104xf32, #tpu.memory_space<vmem>>
        %dma_wait3A_1416 = tpu.memref_squeeze %dma_wait3A_1415 : memref<1x64x104xf32, #tpu.memory_space<vmem>> -> memref<64x104xf32, #tpu.memory_space<vmem>>
        tpu.wait_dma2 semaphore(%dma_wait3A_1410 : memref<!tpu.dma_semaphore, #tpu.memory_space<semaphore_mem>>) src(%dma_wait3A_1416 : memref<64x104xf32, #tpu.memory_space<vmem>>) dst(%dma_wait3A_1412 : memref<64x104xf32, #tpu.memory_space<hbm>>)
      } else {
      }
      %mul3A_878 = arith.constant 64 : i32
      %mul3A_879 = arith.muli %add3A_868, %mul3A_878 : i32
      %add3A_880 = arith.addi %mul3A_2, %mul3A_879 : i32
      %add3A_881 = arith.constant 0 : i32
      %add3A_882 = arith.addi %add3A_881, %add3A_880 : i32
      %dma_wait3A_883 = arith.constant 1 : i32
      %dma_wait3A_884 = arith.constant 0 : i32
      %dma_wait3A_885 = arith.constant 1 : i32
      %dma_wait3A_886 = arith.constant 0 : i32
      %dma_wait3A_887 = tpu.memref_slice %arg13[%dma_wait3A_883, %dma_wait3A_884, %dma_wait3A_886] : memref<2x6x64xi32, #tpu.memory_space<vmem>> -> memref<1x1x64xi32, #tpu.memory_space<vmem>>
      %dma_wait3A_888 = tpu.memref_squeeze %dma_wait3A_887 : memref<1x1x64xi32, #tpu.memory_space<vmem>> -> memref<64xi32, #tpu.memory_space<vmem>>
      %dma_wait3A_889 = tpu.memref_slice %arg2[%add3A_882] : memref<4915200xi32, #tpu.memory_space<hbm>> -> memref<64xi32, #tpu.memory_space<hbm>>
      %dma_wait3A_890 = tpu.memref_slice %arg20[%dma_wait3A_885] : memref<2x!tpu.dma_semaphore, #tpu.memory_space<semaphore_mem>> -> memref<1x!tpu.dma_semaphore, #tpu.memory_space<semaphore_mem>>
      %dma_wait3A_891 = tpu.memref_squeeze %dma_wait3A_890 : memref<1x!tpu.dma_semaphore, #tpu.memory_space<semaphore_mem>> -> memref<!tpu.dma_semaphore, #tpu.memory_space<semaphore_mem>>
      %dma_wait3A_892 = arith.constant 0 : i32
      %dma_wait3A_893 = tpu.memref_slice %arg13[%dma_wait3A_883, %dma_wait3A_884, %dma_wait3A_892] : memref<2x6x64xi32, #tpu.memory_space<vmem>> -> memref<1x1x64xi32, #tpu.memory_space<vmem>>
      %dma_wait3A_894 = tpu.memref_squeeze %dma_wait3A_893 : memref<1x1x64xi32, #tpu.memory_space<vmem>> -> memref<64xi32, #tpu.memory_space<vmem>>
      %dma_wait3A_895 = tpu.memref_slice %arg2[%add3A_882] : memref<4915200xi32, #tpu.memory_space<hbm>> -> memref<64xi32, #tpu.memory_space<hbm>>
      tpu.wait_dma2 semaphore(%dma_wait3A_891 : memref<!tpu.dma_semaphore, #tpu.memory_space<semaphore_mem>>) src(%dma_wait3A_895 : memref<64xi32, #tpu.memory_space<hbm>>) dst(%dma_wait3A_894 : memref<64xi32, #tpu.memory_space<vmem>>)
      %mul3A_896 = arith.constant 64 : i32
      %mul3A_897 = arith.muli %add3A_868, %mul3A_896 : i32
      %add3A_898 = arith.addi %mul3A_2, %mul3A_897 : i32
      %add3A_899 = arith.constant 819200 : i32
      %add3A_900 = arith.addi %add3A_899, %add3A_898 : i32
      %dma_wait3A_901 = arith.constant 1 : i32
      %dma_wait3A_902 = arith.constant 1 : i32
      %dma_wait3A_903 = arith.constant 1 : i32
      %dma_wait3A_904 = arith.constant 0 : i32
      %dma_wait3A_905 = tpu.memref_slice %arg13[%dma_wait3A_901, %dma_wait3A_902, %dma_wait3A_904] : memref<2x6x64xi32, #tpu.memory_space<vmem>> -> memref<1x1x64xi32, #tpu.memory_space<vmem>>
      %dma_wait3A_906 = tpu.memref_squeeze %dma_wait3A_905 : memref<1x1x64xi32, #tpu.memory_space<vmem>> -> memref<64xi32, #tpu.memory_space<vmem>>
      %dma_wait3A_907 = tpu.memref_slice %arg2[%add3A_900] : memref<4915200xi32, #tpu.memory_space<hbm>> -> memref<64xi32, #tpu.memory_space<hbm>>
      %dma_wait3A_908 = tpu.memref_slice %arg20[%dma_wait3A_903] : memref<2x!tpu.dma_semaphore, #tpu.memory_space<semaphore_mem>> -> memref<1x!tpu.dma_semaphore, #tpu.memory_space<semaphore_mem>>
      %dma_wait3A_909 = tpu.memref_squeeze %dma_wait3A_908 : memref<1x!tpu.dma_semaphore, #tpu.memory_space<semaphore_mem>> -> memref<!tpu.dma_semaphore, #tpu.memory_space<semaphore_mem>>
      %dma_wait3A_910 = arith.constant 0 : i32
      %dma_wait3A_911 = tpu.memref_slice %arg13[%dma_wait3A_901, %dma_wait3A_902, %dma_wait3A_910] : memref<2x6x64xi32, #tpu.memory_space<vmem>> -> memref<1x1x64xi32, #tpu.memory_space<vmem>>
      %dma_wait3A_912 = tpu.memref_squeeze %dma_wait3A_911 : memref<1x1x64xi32, #tpu.memory_space<vmem>> -> memref<64xi32, #tpu.memory_space<vmem>>
      %dma_wait3A_913 = tpu.memref_slice %arg2[%add3A_900] : memref<4915200xi32, #tpu.memory_space<hbm>> -> memref<64xi32, #tpu.memory_space<hbm>>
      tpu.wait_dma2 semaphore(%dma_wait3A_909 : memref<!tpu.dma_semaphore, #tpu.memory_space<semaphore_mem>>) src(%dma_wait3A_913 : memref<64xi32, #tpu.memory_space<hbm>>) dst(%dma_wait3A_912 : memref<64xi32, #tpu.memory_space<vmem>>)
      %mul3A_914 = arith.constant 64 : i32
      %mul3A_915 = arith.muli %add3A_868, %mul3A_914 : i32
      %add3A_916 = arith.addi %mul3A_2, %mul3A_915 : i32
      %add3A_917 = arith.constant 1638400 : i32
      %add3A_918 = arith.addi %add3A_917, %add3A_916 : i32
      %dma_wait3A_919 = arith.constant 1 : i32
      %dma_wait3A_920 = arith.constant 2 : i32
      %dma_wait3A_921 = arith.constant 1 : i32
      %dma_wait3A_922 = arith.constant 0 : i32
      %dma_wait3A_923 = tpu.memref_slice %arg13[%dma_wait3A_919, %dma_wait3A_920, %dma_wait3A_922] : memref<2x6x64xi32, #tpu.memory_space<vmem>> -> memref<1x1x64xi32, #tpu.memory_space<vmem>>
      %dma_wait3A_924 = tpu.memref_squeeze %dma_wait3A_923 : memref<1x1x64xi32, #tpu.memory_space<vmem>> -> memref<64xi32, #tpu.memory_space<vmem>>
      %dma_wait3A_925 = tpu.memref_slice %arg2[%add3A_918] : memref<4915200xi32, #tpu.memory_space<hbm>> -> memref<64xi32, #tpu.memory_space<hbm>>
      %dma_wait3A_926 = tpu.memref_slice %arg20[%dma_wait3A_921] : memref<2x!tpu.dma_semaphore, #tpu.memory_space<semaphore_mem>> -> memref<1x!tpu.dma_semaphore, #tpu.memory_space<semaphore_mem>>
      %dma_wait3A_927 = tpu.memref_squeeze %dma_wait3A_926 : memref<1x!tpu.dma_semaphore, #tpu.memory_space<semaphore_mem>> -> memref<!tpu.dma_semaphore, #tpu.memory_space<semaphore_mem>>
      %dma_wait3A_928 = arith.constant 0 : i32
      %dma_wait3A_929 = tpu.memref_slice %arg13[%dma_wait3A_919, %dma_wait3A_920, %dma_wait3A_928] : memref<2x6x64xi32, #tpu.memory_space<vmem>> -> memref<1x1x64xi32, #tpu.memory_space<vmem>>
      %dma_wait3A_930 = tpu.memref_squeeze %dma_wait3A_929 : memref<1x1x64xi32, #tpu.memory_space<vmem>> -> memref<64xi32, #tpu.memory_space<vmem>>
      %dma_wait3A_931 = tpu.memref_slice %arg2[%add3A_918] : memref<4915200xi32, #tpu.memory_space<hbm>> -> memref<64xi32, #tpu.memory_space<hbm>>
      tpu.wait_dma2 semaphore(%dma_wait3A_927 : memref<!tpu.dma_semaphore, #tpu.memory_space<semaphore_mem>>) src(%dma_wait3A_931 : memref<64xi32, #tpu.memory_space<hbm>>) dst(%dma_wait3A_930 : memref<64xi32, #tpu.memory_space<vmem>>)
      %mul3A_932 = arith.constant 64 : i32
      %mul3A_933 = arith.muli %add3A_868, %mul3A_932 : i32
      %add3A_934 = arith.addi %mul3A_2, %mul3A_933 : i32
      %add3A_935 = arith.constant 2457600 : i32
      %add3A_936 = arith.addi %add3A_935, %add3A_934 : i32
      %dma_wait3A_937 = arith.constant 1 : i32
      %dma_wait3A_938 = arith.constant 3 : i32
      %dma_wait3A_939 = arith.constant 1 : i32
      %dma_wait3A_940 = arith.constant 0 : i32
      %dma_wait3A_941 = tpu.memref_slice %arg13[%dma_wait3A_937, %dma_wait3A_938, %dma_wait3A_940] : memref<2x6x64xi32, #tpu.memory_space<vmem>> -> memref<1x1x64xi32, #tpu.memory_space<vmem>>
      %dma_wait3A_942 = tpu.memref_squeeze %dma_wait3A_941 : memref<1x1x64xi32, #tpu.memory_space<vmem>> -> memref<64xi32, #tpu.memory_space<vmem>>
      %dma_wait3A_943 = tpu.memref_slice %arg2[%add3A_936] : memref<4915200xi32, #tpu.memory_space<hbm>> -> memref<64xi32, #tpu.memory_space<hbm>>
      %dma_wait3A_944 = tpu.memref_slice %arg20[%dma_wait3A_939] : memref<2x!tpu.dma_semaphore, #tpu.memory_space<semaphore_mem>> -> memref<1x!tpu.dma_semaphore, #tpu.memory_space<semaphore_mem>>
      %dma_wait3A_945 = tpu.memref_squeeze %dma_wait3A_944 : memref<1x!tpu.dma_semaphore, #tpu.memory_space<semaphore_mem>> -> memref<!tpu.dma_semaphore, #tpu.memory_space<semaphore_mem>>
      %dma_wait3A_946 = arith.constant 0 : i32
      %dma_wait3A_947 = tpu.memref_slice %arg13[%dma_wait3A_937, %dma_wait3A_938, %dma_wait3A_946] : memref<2x6x64xi32, #tpu.memory_space<vmem>> -> memref<1x1x64xi32, #tpu.memory_space<vmem>>
      %dma_wait3A_948 = tpu.memref_squeeze %dma_wait3A_947 : memref<1x1x64xi32, #tpu.memory_space<vmem>> -> memref<64xi32, #tpu.memory_space<vmem>>
      %dma_wait3A_949 = tpu.memref_slice %arg2[%add3A_936] : memref<4915200xi32, #tpu.memory_space<hbm>> -> memref<64xi32, #tpu.memory_space<hbm>>
      tpu.wait_dma2 semaphore(%dma_wait3A_945 : memref<!tpu.dma_semaphore, #tpu.memory_space<semaphore_mem>>) src(%dma_wait3A_949 : memref<64xi32, #tpu.memory_space<hbm>>) dst(%dma_wait3A_948 : memref<64xi32, #tpu.memory_space<vmem>>)
      %mul3A_950 = arith.constant 64 : i32
      %mul3A_951 = arith.muli %add3A_868, %mul3A_950 : i32
      %add3A_952 = arith.addi %mul3A_2, %mul3A_951 : i32
      %add3A_953 = arith.constant 3276800 : i32
      %add3A_954 = arith.addi %add3A_953, %add3A_952 : i32
      %dma_wait3A_955 = arith.constant 1 : i32
      %dma_wait3A_956 = arith.constant 4 : i32
      %dma_wait3A_957 = arith.constant 1 : i32
      %dma_wait3A_958 = arith.constant 0 : i32
      %dma_wait3A_959 = tpu.memref_slice %arg13[%dma_wait3A_955, %dma_wait3A_956, %dma_wait3A_958] : memref<2x6x64xi32, #tpu.memory_space<vmem>> -> memref<1x1x64xi32, #tpu.memory_space<vmem>>
      %dma_wait3A_960 = tpu.memref_squeeze %dma_wait3A_959 : memref<1x1x64xi32, #tpu.memory_space<vmem>> -> memref<64xi32, #tpu.memory_space<vmem>>
      %dma_wait3A_961 = tpu.memref_slice %arg2[%add3A_954] : memref<4915200xi32, #tpu.memory_space<hbm>> -> memref<64xi32, #tpu.memory_space<hbm>>
      %dma_wait3A_962 = tpu.memref_slice %arg20[%dma_wait3A_957] : memref<2x!tpu.dma_semaphore, #tpu.memory_space<semaphore_mem>> -> memref<1x!tpu.dma_semaphore, #tpu.memory_space<semaphore_mem>>
      %dma_wait3A_963 = tpu.memref_squeeze %dma_wait3A_962 : memref<1x!tpu.dma_semaphore, #tpu.memory_space<semaphore_mem>> -> memref<!tpu.dma_semaphore, #tpu.memory_space<semaphore_mem>>
      %dma_wait3A_964 = arith.constant 0 : i32
      %dma_wait3A_965 = tpu.memref_slice %arg13[%dma_wait3A_955, %dma_wait3A_956, %dma_wait3A_964] : memref<2x6x64xi32, #tpu.memory_space<vmem>> -> memref<1x1x64xi32, #tpu.memory_space<vmem>>
      %dma_wait3A_966 = tpu.memref_squeeze %dma_wait3A_965 : memref<1x1x64xi32, #tpu.memory_space<vmem>> -> memref<64xi32, #tpu.memory_space<vmem>>
      %dma_wait3A_967 = tpu.memref_slice %arg2[%add3A_954] : memref<4915200xi32, #tpu.memory_space<hbm>> -> memref<64xi32, #tpu.memory_space<hbm>>
      tpu.wait_dma2 semaphore(%dma_wait3A_963 : memref<!tpu.dma_semaphore, #tpu.memory_space<semaphore_mem>>) src(%dma_wait3A_967 : memref<64xi32, #tpu.memory_space<hbm>>) dst(%dma_wait3A_966 : memref<64xi32, #tpu.memory_space<vmem>>)
      %mul3A_968 = arith.constant 64 : i32
      %mul3A_969 = arith.muli %add3A_868, %mul3A_968 : i32
      %add3A_970 = arith.addi %mul3A_2, %mul3A_969 : i32
      %add3A_971 = arith.constant 4096000 : i32
      %add3A_972 = arith.addi %add3A_971, %add3A_970 : i32
      %dma_wait3A_973 = arith.constant 1 : i32
      %dma_wait3A_974 = arith.constant 5 : i32
      %dma_wait3A_975 = arith.constant 1 : i32
      %dma_wait3A_976 = arith.constant 0 : i32
      %dma_wait3A_977 = tpu.memref_slice %arg13[%dma_wait3A_973, %dma_wait3A_974, %dma_wait3A_976] : memref<2x6x64xi32, #tpu.memory_space<vmem>> -> memref<1x1x64xi32, #tpu.memory_space<vmem>>
      %dma_wait3A_978 = tpu.memref_squeeze %dma_wait3A_977 : memref<1x1x64xi32, #tpu.memory_space<vmem>> -> memref<64xi32, #tpu.memory_space<vmem>>
      %dma_wait3A_979 = tpu.memref_slice %arg2[%add3A_972] : memref<4915200xi32, #tpu.memory_space<hbm>> -> memref<64xi32, #tpu.memory_space<hbm>>
      %dma_wait3A_980 = tpu.memref_slice %arg20[%dma_wait3A_975] : memref<2x!tpu.dma_semaphore, #tpu.memory_space<semaphore_mem>> -> memref<1x!tpu.dma_semaphore, #tpu.memory_space<semaphore_mem>>
      %dma_wait3A_981 = tpu.memref_squeeze %dma_wait3A_980 : memref<1x!tpu.dma_semaphore, #tpu.memory_space<semaphore_mem>> -> memref<!tpu.dma_semaphore, #tpu.memory_space<semaphore_mem>>
      %dma_wait3A_982 = arith.constant 0 : i32
      %dma_wait3A_983 = tpu.memref_slice %arg13[%dma_wait3A_973, %dma_wait3A_974, %dma_wait3A_982] : memref<2x6x64xi32, #tpu.memory_space<vmem>> -> memref<1x1x64xi32, #tpu.memory_space<vmem>>
      %dma_wait3A_984 = tpu.memref_squeeze %dma_wait3A_983 : memref<1x1x64xi32, #tpu.memory_space<vmem>> -> memref<64xi32, #tpu.memory_space<vmem>>
      %dma_wait3A_985 = tpu.memref_slice %arg2[%add3A_972] : memref<4915200xi32, #tpu.memory_space<hbm>> -> memref<64xi32, #tpu.memory_space<hbm>>
      tpu.wait_dma2 semaphore(%dma_wait3A_981 : memref<!tpu.dma_semaphore, #tpu.memory_space<semaphore_mem>>) src(%dma_wait3A_985 : memref<64xi32, #tpu.memory_space<hbm>>) dst(%dma_wait3A_984 : memref<64xi32, #tpu.memory_space<vmem>>)
      %dma_start3A_986 = arith.constant 1 : i32
      %dma_start3A_987 = arith.constant 0 : i32
      %dma_start3A_988 = arith.constant 1 : i32
      %dma_start3A_989 = arith.constant 1 : i32
      %dma_start3A_990 = arith.constant 0 : i32
      %dma_start3A_991 = arith.constant 0 : i32
      %dma_start3A_992 = tpu.memref_slice %arg14[%dma_start3A_988, %dma_start3A_990, %dma_start3A_991] : memref<2x64x64xf32, #tpu.memory_space<vmem>> -> memref<1x64x64xf32, #tpu.memory_space<vmem>>
      %dma_start3A_993 = tpu.memref_squeeze %dma_start3A_992 : memref<1x64x64xf32, #tpu.memory_space<vmem>> -> memref<64x64xf32, #tpu.memory_space<vmem>>
      %dma_start3A_994 = arith.constant 0 : i32
      %dma_start3A_995 = tpu.memref_slice %arg13[%dma_start3A_986, %dma_start3A_987, %dma_start3A_994] : memref<2x6x64xi32, #tpu.memory_space<vmem>> -> memref<1x1x64xi32, #tpu.memory_space<vmem>>
      %dma_start3A_996 = tpu.memref_squeeze %dma_start3A_995 : memref<1x1x64xi32, #tpu.memory_space<vmem>> -> memref<64xi32, #tpu.memory_space<vmem>>
      %dma_start3A_997 = arith.constant 0 : i32
      %dma_start3A_998 = arith.constant 0 : i32
      %dma_start3A_999 = tpu.memref_slice %arg3[%dma_start3A_997, %dma_start3A_998] : memref<100001x64xf32, #tpu.memory_space<hbm>> -> memref<100001x64xf32, #tpu.memory_space<hbm>>
      %dma_start3A_1000 = tpu.memref_slice %arg21[%dma_start3A_989] : memref<2x!tpu.dma_semaphore, #tpu.memory_space<semaphore_mem>> -> memref<1x!tpu.dma_semaphore, #tpu.memory_space<semaphore_mem>>
      %dma_start3A_1001 = tpu.memref_squeeze %dma_start3A_1000 : memref<1x!tpu.dma_semaphore, #tpu.memory_space<semaphore_mem>> -> memref<!tpu.dma_semaphore, #tpu.memory_space<semaphore_mem>>
      tpu.enqueue_indirect_dma source(%dma_start3A_999 : memref<100001x64xf32, #tpu.memory_space<hbm>>) target(%dma_start3A_993 : memref<64x64xf32, #tpu.memory_space<vmem>>) offsets(%dma_start3A_996 : memref<64xi32, #tpu.memory_space<vmem>>) semaphore(%dma_start3A_1001 : memref<!tpu.dma_semaphore, #tpu.memory_space<semaphore_mem>>)
      %dma_start3A_1002 = arith.constant 1 : i32
      %dma_start3A_1003 = arith.constant 1 : i32
      %dma_start3A_1004 = arith.constant 1 : i32
      %dma_start3A_1005 = arith.constant 1 : i32
      %dma_start3A_1006 = arith.constant 0 : i32
      %dma_start3A_1007 = arith.constant 0 : i32
      %dma_start3A_1008 = tpu.memref_slice %arg15[%dma_start3A_1004, %dma_start3A_1006, %dma_start3A_1007] : memref<2x64x64xf32, #tpu.memory_space<vmem>> -> memref<1x64x64xf32, #tpu.memory_space<vmem>>
      %dma_start3A_1009 = tpu.memref_squeeze %dma_start3A_1008 : memref<1x64x64xf32, #tpu.memory_space<vmem>> -> memref<64x64xf32, #tpu.memory_space<vmem>>
      %dma_start3A_1010 = arith.constant 0 : i32
      %dma_start3A_1011 = tpu.memref_slice %arg13[%dma_start3A_1002, %dma_start3A_1003, %dma_start3A_1010] : memref<2x6x64xi32, #tpu.memory_space<vmem>> -> memref<1x1x64xi32, #tpu.memory_space<vmem>>
      %dma_start3A_1012 = tpu.memref_squeeze %dma_start3A_1011 : memref<1x1x64xi32, #tpu.memory_space<vmem>> -> memref<64xi32, #tpu.memory_space<vmem>>
      %dma_start3A_1013 = arith.constant 0 : i32
      %dma_start3A_1014 = arith.constant 0 : i32
      %dma_start3A_1015 = tpu.memref_slice %arg4[%dma_start3A_1013, %dma_start3A_1014] : memref<1000001x64xf32, #tpu.memory_space<hbm>> -> memref<1000001x64xf32, #tpu.memory_space<hbm>>
      %dma_start3A_1016 = tpu.memref_slice %arg21[%dma_start3A_1005] : memref<2x!tpu.dma_semaphore, #tpu.memory_space<semaphore_mem>> -> memref<1x!tpu.dma_semaphore, #tpu.memory_space<semaphore_mem>>
      %dma_start3A_1017 = tpu.memref_squeeze %dma_start3A_1016 : memref<1x!tpu.dma_semaphore, #tpu.memory_space<semaphore_mem>> -> memref<!tpu.dma_semaphore, #tpu.memory_space<semaphore_mem>>
      tpu.enqueue_indirect_dma source(%dma_start3A_1015 : memref<1000001x64xf32, #tpu.memory_space<hbm>>) target(%dma_start3A_1009 : memref<64x64xf32, #tpu.memory_space<vmem>>) offsets(%dma_start3A_1012 : memref<64xi32, #tpu.memory_space<vmem>>) semaphore(%dma_start3A_1017 : memref<!tpu.dma_semaphore, #tpu.memory_space<semaphore_mem>>)
      %dma_start3A_1018 = arith.constant 1 : i32
      %dma_start3A_1019 = arith.constant 2 : i32
      %dma_start3A_1020 = arith.constant 1 : i32
      %dma_start3A_1021 = arith.constant 1 : i32
      %dma_start3A_1022 = arith.constant 0 : i32
      %dma_start3A_1023 = arith.constant 0 : i32
      %dma_start3A_1024 = tpu.memref_slice %arg16[%dma_start3A_1020, %dma_start3A_1022, %dma_start3A_1023] : memref<2x64x64xf32, #tpu.memory_space<vmem>> -> memref<1x64x64xf32, #tpu.memory_space<vmem>>
      %dma_start3A_1025 = tpu.memref_squeeze %dma_start3A_1024 : memref<1x64x64xf32, #tpu.memory_space<vmem>> -> memref<64x64xf32, #tpu.memory_space<vmem>>
      %dma_start3A_1026 = arith.constant 0 : i32
      %dma_start3A_1027 = tpu.memref_slice %arg13[%dma_start3A_1018, %dma_start3A_1019, %dma_start3A_1026] : memref<2x6x64xi32, #tpu.memory_space<vmem>> -> memref<1x1x64xi32, #tpu.memory_space<vmem>>
      %dma_start3A_1028 = tpu.memref_squeeze %dma_start3A_1027 : memref<1x1x64xi32, #tpu.memory_space<vmem>> -> memref<64xi32, #tpu.memory_space<vmem>>
      %dma_start3A_1029 = arith.constant 0 : i32
      %dma_start3A_1030 = arith.constant 0 : i32
      %dma_start3A_1031 = tpu.memref_slice %arg5[%dma_start3A_1029, %dma_start3A_1030] : memref<100001x64xf32, #tpu.memory_space<hbm>> -> memref<100001x64xf32, #tpu.memory_space<hbm>>
      %dma_start3A_1032 = tpu.memref_slice %arg21[%dma_start3A_1021] : memref<2x!tpu.dma_semaphore, #tpu.memory_space<semaphore_mem>> -> memref<1x!tpu.dma_semaphore, #tpu.memory_space<semaphore_mem>>
      %dma_start3A_1033 = tpu.memref_squeeze %dma_start3A_1032 : memref<1x!tpu.dma_semaphore, #tpu.memory_space<semaphore_mem>> -> memref<!tpu.dma_semaphore, #tpu.memory_space<semaphore_mem>>
      tpu.enqueue_indirect_dma source(%dma_start3A_1031 : memref<100001x64xf32, #tpu.memory_space<hbm>>) target(%dma_start3A_1025 : memref<64x64xf32, #tpu.memory_space<vmem>>) offsets(%dma_start3A_1028 : memref<64xi32, #tpu.memory_space<vmem>>) semaphore(%dma_start3A_1033 : memref<!tpu.dma_semaphore, #tpu.memory_space<semaphore_mem>>)
      %dma_start3A_1034 = arith.constant 1 : i32
      %dma_start3A_1035 = arith.constant 3 : i32
      %dma_start3A_1036 = arith.constant 1 : i32
      %dma_start3A_1037 = arith.constant 1 : i32
      %dma_start3A_1038 = arith.constant 0 : i32
      %dma_start3A_1039 = arith.constant 0 : i32
      %dma_start3A_1040 = tpu.memref_slice %arg17[%dma_start3A_1036, %dma_start3A_1038, %dma_start3A_1039] : memref<2x64x120xf32, #tpu.memory_space<vmem>> -> memref<1x64x120xf32, #tpu.memory_space<vmem>>
      %dma_start3A_1041 = tpu.memref_squeeze %dma_start3A_1040 : memref<1x64x120xf32, #tpu.memory_space<vmem>> -> memref<64x120xf32, #tpu.memory_space<vmem>>
      %dma_start3A_1042 = arith.constant 0 : i32
      %dma_start3A_1043 = tpu.memref_slice %arg13[%dma_start3A_1034, %dma_start3A_1035, %dma_start3A_1042] : memref<2x6x64xi32, #tpu.memory_space<vmem>> -> memref<1x1x64xi32, #tpu.memory_space<vmem>>
      %dma_start3A_1044 = tpu.memref_squeeze %dma_start3A_1043 : memref<1x1x64xi32, #tpu.memory_space<vmem>> -> memref<64xi32, #tpu.memory_space<vmem>>
      %dma_start3A_1045 = arith.constant 0 : i32
      %dma_start3A_1046 = arith.constant 0 : i32
      %dma_start3A_1047 = tpu.memref_slice %arg6[%dma_start3A_1045, %dma_start3A_1046] : memref<1001x120xf32, #tpu.memory_space<hbm>> -> memref<1001x120xf32, #tpu.memory_space<hbm>>
      %dma_start3A_1048 = tpu.memref_slice %arg21[%dma_start3A_1037] : memref<2x!tpu.dma_semaphore, #tpu.memory_space<semaphore_mem>> -> memref<1x!tpu.dma_semaphore, #tpu.memory_space<semaphore_mem>>
      %dma_start3A_1049 = tpu.memref_squeeze %dma_start3A_1048 : memref<1x!tpu.dma_semaphore, #tpu.memory_space<semaphore_mem>> -> memref<!tpu.dma_semaphore, #tpu.memory_space<semaphore_mem>>
      tpu.enqueue_indirect_dma source(%dma_start3A_1047 : memref<1001x120xf32, #tpu.memory_space<hbm>>) target(%dma_start3A_1041 : memref<64x120xf32, #tpu.memory_space<vmem>>) offsets(%dma_start3A_1044 : memref<64xi32, #tpu.memory_space<vmem>>) semaphore(%dma_start3A_1049 : memref<!tpu.dma_semaphore, #tpu.memory_space<semaphore_mem>>)
      %dma_start3A_1050 = arith.constant 1 : i32
      %dma_start3A_1051 = arith.constant 4 : i32
      %dma_start3A_1052 = arith.constant 1 : i32
      %dma_start3A_1053 = arith.constant 1 : i32
      %dma_start3A_1054 = arith.constant 0 : i32
      %dma_start3A_1055 = arith.constant 0 : i32
      %dma_start3A_1056 = tpu.memref_slice %arg18[%dma_start3A_1052, %dma_start3A_1054, %dma_start3A_1055] : memref<2x64x120xf32, #tpu.memory_space<vmem>> -> memref<1x64x120xf32, #tpu.memory_space<vmem>>
      %dma_start3A_1057 = tpu.memref_squeeze %dma_start3A_1056 : memref<1x64x120xf32, #tpu.memory_space<vmem>> -> memref<64x120xf32, #tpu.memory_space<vmem>>
      %dma_start3A_1058 = arith.constant 0 : i32
      %dma_start3A_1059 = tpu.memref_slice %arg13[%dma_start3A_1050, %dma_start3A_1051, %dma_start3A_1058] : memref<2x6x64xi32, #tpu.memory_space<vmem>> -> memref<1x1x64xi32, #tpu.memory_space<vmem>>
      %dma_start3A_1060 = tpu.memref_squeeze %dma_start3A_1059 : memref<1x1x64xi32, #tpu.memory_space<vmem>> -> memref<64xi32, #tpu.memory_space<vmem>>
      %dma_start3A_1061 = arith.constant 0 : i32
      %dma_start3A_1062 = arith.constant 0 : i32
      %dma_start3A_1063 = tpu.memref_slice %arg6[%dma_start3A_1061, %dma_start3A_1062] : memref<1001x120xf32, #tpu.memory_space<hbm>> -> memref<1001x120xf32, #tpu.memory_space<hbm>>
      %dma_start3A_1064 = tpu.memref_slice %arg21[%dma_start3A_1053] : memref<2x!tpu.dma_semaphore, #tpu.memory_space<semaphore_mem>> -> memref<1x!tpu.dma_semaphore, #tpu.memory_space<semaphore_mem>>
      %dma_start3A_1065 = tpu.memref_squeeze %dma_start3A_1064 : memref<1x!tpu.dma_semaphore, #tpu.memory_space<semaphore_mem>> -> memref<!tpu.dma_semaphore, #tpu.memory_space<semaphore_mem>>
      tpu.enqueue_indirect_dma source(%dma_start3A_1063 : memref<1001x120xf32, #tpu.memory_space<hbm>>) target(%dma_start3A_1057 : memref<64x120xf32, #tpu.memory_space<vmem>>) offsets(%dma_start3A_1060 : memref<64xi32, #tpu.memory_space<vmem>>) semaphore(%dma_start3A_1065 : memref<!tpu.dma_semaphore, #tpu.memory_space<semaphore_mem>>)
      %dma_start3A_1066 = arith.constant 1 : i32
      %dma_start3A_1067 = arith.constant 5 : i32
      %dma_start3A_1068 = arith.constant 1 : i32
      %dma_start3A_1069 = arith.constant 1 : i32
      %dma_start3A_1070 = arith.constant 0 : i32
      %dma_start3A_1071 = arith.constant 0 : i32
      %dma_start3A_1072 = tpu.memref_slice %arg19[%dma_start3A_1068, %dma_start3A_1070, %dma_start3A_1071] : memref<2x64x104xf32, #tpu.memory_space<vmem>> -> memref<1x64x104xf32, #tpu.memory_space<vmem>>
      %dma_start3A_1073 = tpu.memref_squeeze %dma_start3A_1072 : memref<1x64x104xf32, #tpu.memory_space<vmem>> -> memref<64x104xf32, #tpu.memory_space<vmem>>
      %dma_start3A_1074 = arith.constant 0 : i32
      %dma_start3A_1075 = tpu.memref_slice %arg13[%dma_start3A_1066, %dma_start3A_1067, %dma_start3A_1074] : memref<2x6x64xi32, #tpu.memory_space<vmem>> -> memref<1x1x64xi32, #tpu.memory_space<vmem>>
      %dma_start3A_1076 = tpu.memref_squeeze %dma_start3A_1075 : memref<1x1x64xi32, #tpu.memory_space<vmem>> -> memref<64xi32, #tpu.memory_space<vmem>>
      %dma_start3A_1077 = arith.constant 0 : i32
      %dma_start3A_1078 = arith.constant 0 : i32
      %dma_start3A_1079 = tpu.memref_slice %arg7[%dma_start3A_1077, %dma_start3A_1078] : memref<1001x104xf32, #tpu.memory_space<hbm>> -> memref<1001x104xf32, #tpu.memory_space<hbm>>
      %dma_start3A_1080 = tpu.memref_slice %arg21[%dma_start3A_1069] : memref<2x!tpu.dma_semaphore, #tpu.memory_space<semaphore_mem>> -> memref<1x!tpu.dma_semaphore, #tpu.memory_space<semaphore_mem>>
      %dma_start3A_1081 = tpu.memref_squeeze %dma_start3A_1080 : memref<1x!tpu.dma_semaphore, #tpu.memory_space<semaphore_mem>> -> memref<!tpu.dma_semaphore, #tpu.memory_space<semaphore_mem>>
      tpu.enqueue_indirect_dma source(%dma_start3A_1079 : memref<1001x104xf32, #tpu.memory_space<hbm>>) target(%dma_start3A_1073 : memref<64x104xf32, #tpu.memory_space<vmem>>) offsets(%dma_start3A_1076 : memref<64xi32, #tpu.memory_space<vmem>>) semaphore(%dma_start3A_1081 : memref<!tpu.dma_semaphore, #tpu.memory_space<semaphore_mem>>)
      %dma_wait3A_1082 = arith.constant 1 : i32
      %dma_wait3A_1083 = arith.constant 0 : i32
      %dma_wait3A_1084 = arith.constant 1 : i32
      %dma_wait3A_1085 = arith.constant 1 : i32
      %dma_wait3A_1086 = arith.constant 0 : i32
      %dma_wait3A_1087 = arith.constant 0 : i32
      %dma_wait3A_1088 = tpu.memref_slice %arg14[%dma_wait3A_1084, %dma_wait3A_1086, %dma_wait3A_1087] : memref<2x64x64xf32, #tpu.memory_space<vmem>> -> memref<1x64x64xf32, #tpu.memory_space<vmem>>
      %dma_wait3A_1089 = tpu.memref_squeeze %dma_wait3A_1088 : memref<1x64x64xf32, #tpu.memory_space<vmem>> -> memref<64x64xf32, #tpu.memory_space<vmem>>
      %dma_wait3A_1090 = arith.constant 0 : i32
      %dma_wait3A_1091 = tpu.memref_slice %arg13[%dma_wait3A_1082, %dma_wait3A_1083, %dma_wait3A_1090] : memref<2x6x64xi32, #tpu.memory_space<vmem>> -> memref<1x1x64xi32, #tpu.memory_space<vmem>>
      %dma_wait3A_1092 = tpu.memref_squeeze %dma_wait3A_1091 : memref<1x1x64xi32, #tpu.memory_space<vmem>> -> memref<64xi32, #tpu.memory_space<vmem>>
      %dma_wait3A_1093 = arith.constant 0 : i32
      %dma_wait3A_1094 = arith.constant 0 : i32
      %dma_wait3A_1095 = tpu.memref_slice %arg3[%dma_wait3A_1093, %dma_wait3A_1094] : memref<100001x64xf32, #tpu.memory_space<hbm>> -> memref<100001x64xf32, #tpu.memory_space<hbm>>
      %dma_wait3A_1096 = tpu.memref_slice %arg21[%dma_wait3A_1085] : memref<2x!tpu.dma_semaphore, #tpu.memory_space<semaphore_mem>> -> memref<1x!tpu.dma_semaphore, #tpu.memory_space<semaphore_mem>>
      %dma_wait3A_1097 = tpu.memref_squeeze %dma_wait3A_1096 : memref<1x!tpu.dma_semaphore, #tpu.memory_space<semaphore_mem>> -> memref<!tpu.dma_semaphore, #tpu.memory_space<semaphore_mem>>
      tpu.wait_indirect_dma semaphore(%dma_wait3A_1097 : memref<!tpu.dma_semaphore, #tpu.memory_space<semaphore_mem>>) src(%dma_wait3A_1095 : memref<100001x64xf32, #tpu.memory_space<hbm>>) dst(%dma_wait3A_1089 : memref<64x64xf32, #tpu.memory_space<vmem>>)
      %dma_wait3A_1098 = arith.constant 1 : i32
      %dma_wait3A_1099 = arith.constant 1 : i32
      %dma_wait3A_1100 = arith.constant 1 : i32
      %dma_wait3A_1101 = arith.constant 1 : i32
      %dma_wait3A_1102 = arith.constant 0 : i32
      %dma_wait3A_1103 = arith.constant 0 : i32
      %dma_wait3A_1104 = tpu.memref_slice %arg15[%dma_wait3A_1100, %dma_wait3A_1102, %dma_wait3A_1103] : memref<2x64x64xf32, #tpu.memory_space<vmem>> -> memref<1x64x64xf32, #tpu.memory_space<vmem>>
      %dma_wait3A_1105 = tpu.memref_squeeze %dma_wait3A_1104 : memref<1x64x64xf32, #tpu.memory_space<vmem>> -> memref<64x64xf32, #tpu.memory_space<vmem>>
      %dma_wait3A_1106 = arith.constant 0 : i32
      %dma_wait3A_1107 = tpu.memref_slice %arg13[%dma_wait3A_1098, %dma_wait3A_1099, %dma_wait3A_1106] : memref<2x6x64xi32, #tpu.memory_space<vmem>> -> memref<1x1x64xi32, #tpu.memory_space<vmem>>
      %dma_wait3A_1108 = tpu.memref_squeeze %dma_wait3A_1107 : memref<1x1x64xi32, #tpu.memory_space<vmem>> -> memref<64xi32, #tpu.memory_space<vmem>>
      %dma_wait3A_1109 = arith.constant 0 : i32
      %dma_wait3A_1110 = arith.constant 0 : i32
      %dma_wait3A_1111 = tpu.memref_slice %arg4[%dma_wait3A_1109, %dma_wait3A_1110] : memref<1000001x64xf32, #tpu.memory_space<hbm>> -> memref<1000001x64xf32, #tpu.memory_space<hbm>>
      %dma_wait3A_1112 = tpu.memref_slice %arg21[%dma_wait3A_1101] : memref<2x!tpu.dma_semaphore, #tpu.memory_space<semaphore_mem>> -> memref<1x!tpu.dma_semaphore, #tpu.memory_space<semaphore_mem>>
      %dma_wait3A_1113 = tpu.memref_squeeze %dma_wait3A_1112 : memref<1x!tpu.dma_semaphore, #tpu.memory_space<semaphore_mem>> -> memref<!tpu.dma_semaphore, #tpu.memory_space<semaphore_mem>>
      tpu.wait_indirect_dma semaphore(%dma_wait3A_1113 : memref<!tpu.dma_semaphore, #tpu.memory_space<semaphore_mem>>) src(%dma_wait3A_1111 : memref<1000001x64xf32, #tpu.memory_space<hbm>>) dst(%dma_wait3A_1105 : memref<64x64xf32, #tpu.memory_space<vmem>>)
      %dma_wait3A_1114 = arith.constant 1 : i32
      %dma_wait3A_1115 = arith.constant 2 : i32
      %dma_wait3A_1116 = arith.constant 1 : i32
      %dma_wait3A_1117 = arith.constant 1 : i32
      %dma_wait3A_1118 = arith.constant 0 : i32
      %dma_wait3A_1119 = arith.constant 0 : i32
      %dma_wait3A_1120 = tpu.memref_slice %arg16[%dma_wait3A_1116, %dma_wait3A_1118, %dma_wait3A_1119] : memref<2x64x64xf32, #tpu.memory_space<vmem>> -> memref<1x64x64xf32, #tpu.memory_space<vmem>>
      %dma_wait3A_1121 = tpu.memref_squeeze %dma_wait3A_1120 : memref<1x64x64xf32, #tpu.memory_space<vmem>> -> memref<64x64xf32, #tpu.memory_space<vmem>>
      %dma_wait3A_1122 = arith.constant 0 : i32
      %dma_wait3A_1123 = tpu.memref_slice %arg13[%dma_wait3A_1114, %dma_wait3A_1115, %dma_wait3A_1122] : memref<2x6x64xi32, #tpu.memory_space<vmem>> -> memref<1x1x64xi32, #tpu.memory_space<vmem>>
      %dma_wait3A_1124 = tpu.memref_squeeze %dma_wait3A_1123 : memref<1x1x64xi32, #tpu.memory_space<vmem>> -> memref<64xi32, #tpu.memory_space<vmem>>
      %dma_wait3A_1125 = arith.constant 0 : i32
      %dma_wait3A_1126 = arith.constant 0 : i32
      %dma_wait3A_1127 = tpu.memref_slice %arg5[%dma_wait3A_1125, %dma_wait3A_1126] : memref<100001x64xf32, #tpu.memory_space<hbm>> -> memref<100001x64xf32, #tpu.memory_space<hbm>>
      %dma_wait3A_1128 = tpu.memref_slice %arg21[%dma_wait3A_1117] : memref<2x!tpu.dma_semaphore, #tpu.memory_space<semaphore_mem>> -> memref<1x!tpu.dma_semaphore, #tpu.memory_space<semaphore_mem>>
      %dma_wait3A_1129 = tpu.memref_squeeze %dma_wait3A_1128 : memref<1x!tpu.dma_semaphore, #tpu.memory_space<semaphore_mem>> -> memref<!tpu.dma_semaphore, #tpu.memory_space<semaphore_mem>>
      tpu.wait_indirect_dma semaphore(%dma_wait3A_1129 : memref<!tpu.dma_semaphore, #tpu.memory_space<semaphore_mem>>) src(%dma_wait3A_1127 : memref<100001x64xf32, #tpu.memory_space<hbm>>) dst(%dma_wait3A_1121 : memref<64x64xf32, #tpu.memory_space<vmem>>)
      %dma_wait3A_1130 = arith.constant 1 : i32
      %dma_wait3A_1131 = arith.constant 3 : i32
      %dma_wait3A_1132 = arith.constant 1 : i32
      %dma_wait3A_1133 = arith.constant 1 : i32
      %dma_wait3A_1134 = arith.constant 0 : i32
      %dma_wait3A_1135 = arith.constant 0 : i32
      %dma_wait3A_1136 = tpu.memref_slice %arg17[%dma_wait3A_1132, %dma_wait3A_1134, %dma_wait3A_1135] : memref<2x64x120xf32, #tpu.memory_space<vmem>> -> memref<1x64x120xf32, #tpu.memory_space<vmem>>
      %dma_wait3A_1137 = tpu.memref_squeeze %dma_wait3A_1136 : memref<1x64x120xf32, #tpu.memory_space<vmem>> -> memref<64x120xf32, #tpu.memory_space<vmem>>
      %dma_wait3A_1138 = arith.constant 0 : i32
      %dma_wait3A_1139 = tpu.memref_slice %arg13[%dma_wait3A_1130, %dma_wait3A_1131, %dma_wait3A_1138] : memref<2x6x64xi32, #tpu.memory_space<vmem>> -> memref<1x1x64xi32, #tpu.memory_space<vmem>>
      %dma_wait3A_1140 = tpu.memref_squeeze %dma_wait3A_1139 : memref<1x1x64xi32, #tpu.memory_space<vmem>> -> memref<64xi32, #tpu.memory_space<vmem>>
      %dma_wait3A_1141 = arith.constant 0 : i32
      %dma_wait3A_1142 = arith.constant 0 : i32
      %dma_wait3A_1143 = tpu.memref_slice %arg6[%dma_wait3A_1141, %dma_wait3A_1142] : memref<1001x120xf32, #tpu.memory_space<hbm>> -> memref<1001x120xf32, #tpu.memory_space<hbm>>
      %dma_wait3A_1144 = tpu.memref_slice %arg21[%dma_wait3A_1133] : memref<2x!tpu.dma_semaphore, #tpu.memory_space<semaphore_mem>> -> memref<1x!tpu.dma_semaphore, #tpu.memory_space<semaphore_mem>>
      %dma_wait3A_1145 = tpu.memref_squeeze %dma_wait3A_1144 : memref<1x!tpu.dma_semaphore, #tpu.memory_space<semaphore_mem>> -> memref<!tpu.dma_semaphore, #tpu.memory_space<semaphore_mem>>
      tpu.wait_indirect_dma semaphore(%dma_wait3A_1145 : memref<!tpu.dma_semaphore, #tpu.memory_space<semaphore_mem>>) src(%dma_wait3A_1143 : memref<1001x120xf32, #tpu.memory_space<hbm>>) dst(%dma_wait3A_1137 : memref<64x120xf32, #tpu.memory_space<vmem>>)
      %dma_wait3A_1146 = arith.constant 1 : i32
      %dma_wait3A_1147 = arith.constant 4 : i32
      %dma_wait3A_1148 = arith.constant 1 : i32
      %dma_wait3A_1149 = arith.constant 1 : i32
      %dma_wait3A_1150 = arith.constant 0 : i32
      %dma_wait3A_1151 = arith.constant 0 : i32
      %dma_wait3A_1152 = tpu.memref_slice %arg18[%dma_wait3A_1148, %dma_wait3A_1150, %dma_wait3A_1151] : memref<2x64x120xf32, #tpu.memory_space<vmem>> -> memref<1x64x120xf32, #tpu.memory_space<vmem>>
      %dma_wait3A_1153 = tpu.memref_squeeze %dma_wait3A_1152 : memref<1x64x120xf32, #tpu.memory_space<vmem>> -> memref<64x120xf32, #tpu.memory_space<vmem>>
      %dma_wait3A_1154 = arith.constant 0 : i32
      %dma_wait3A_1155 = tpu.memref_slice %arg13[%dma_wait3A_1146, %dma_wait3A_1147, %dma_wait3A_1154] : memref<2x6x64xi32, #tpu.memory_space<vmem>> -> memref<1x1x64xi32, #tpu.memory_space<vmem>>
      %dma_wait3A_1156 = tpu.memref_squeeze %dma_wait3A_1155 : memref<1x1x64xi32, #tpu.memory_space<vmem>> -> memref<64xi32, #tpu.memory_space<vmem>>
      %dma_wait3A_1157 = arith.constant 0 : i32
      %dma_wait3A_1158 = arith.constant 0 : i32
      %dma_wait3A_1159 = tpu.memref_slice %arg6[%dma_wait3A_1157, %dma_wait3A_1158] : memref<1001x120xf32, #tpu.memory_space<hbm>> -> memref<1001x120xf32, #tpu.memory_space<hbm>>
      %dma_wait3A_1160 = tpu.memref_slice %arg21[%dma_wait3A_1149] : memref<2x!tpu.dma_semaphore, #tpu.memory_space<semaphore_mem>> -> memref<1x!tpu.dma_semaphore, #tpu.memory_space<semaphore_mem>>
      %dma_wait3A_1161 = tpu.memref_squeeze %dma_wait3A_1160 : memref<1x!tpu.dma_semaphore, #tpu.memory_space<semaphore_mem>> -> memref<!tpu.dma_semaphore, #tpu.memory_space<semaphore_mem>>
      tpu.wait_indirect_dma semaphore(%dma_wait3A_1161 : memref<!tpu.dma_semaphore, #tpu.memory_space<semaphore_mem>>) src(%dma_wait3A_1159 : memref<1001x120xf32, #tpu.memory_space<hbm>>) dst(%dma_wait3A_1153 : memref<64x120xf32, #tpu.memory_space<vmem>>)
      %dma_wait3A_1162 = arith.constant 1 : i32
      %dma_wait3A_1163 = arith.constant 5 : i32
      %dma_wait3A_1164 = arith.constant 1 : i32
      %dma_wait3A_1165 = arith.constant 1 : i32
      %dma_wait3A_1166 = arith.constant 0 : i32
      %dma_wait3A_1167 = arith.constant 0 : i32
      %dma_wait3A_1168 = tpu.memref_slice %arg19[%dma_wait3A_1164, %dma_wait3A_1166, %dma_wait3A_1167] : memref<2x64x104xf32, #tpu.memory_space<vmem>> -> memref<1x64x104xf32, #tpu.memory_space<vmem>>
      %dma_wait3A_1169 = tpu.memref_squeeze %dma_wait3A_1168 : memref<1x64x104xf32, #tpu.memory_space<vmem>> -> memref<64x104xf32, #tpu.memory_space<vmem>>
      %dma_wait3A_1170 = arith.constant 0 : i32
      %dma_wait3A_1171 = tpu.memref_slice %arg13[%dma_wait3A_1162, %dma_wait3A_1163, %dma_wait3A_1170] : memref<2x6x64xi32, #tpu.memory_space<vmem>> -> memref<1x1x64xi32, #tpu.memory_space<vmem>>
      %dma_wait3A_1172 = tpu.memref_squeeze %dma_wait3A_1171 : memref<1x1x64xi32, #tpu.memory_space<vmem>> -> memref<64xi32, #tpu.memory_space<vmem>>
      %dma_wait3A_1173 = arith.constant 0 : i32
      %dma_wait3A_1174 = arith.constant 0 : i32
      %dma_wait3A_1175 = tpu.memref_slice %arg7[%dma_wait3A_1173, %dma_wait3A_1174] : memref<1001x104xf32, #tpu.memory_space<hbm>> -> memref<1001x104xf32, #tpu.memory_space<hbm>>
      %dma_wait3A_1176 = tpu.memref_slice %arg21[%dma_wait3A_1165] : memref<2x!tpu.dma_semaphore, #tpu.memory_space<semaphore_mem>> -> memref<1x!tpu.dma_semaphore, #tpu.memory_space<semaphore_mem>>
      %dma_wait3A_1177 = tpu.memref_squeeze %dma_wait3A_1176 : memref<1x!tpu.dma_semaphore, #tpu.memory_space<semaphore_mem>> -> memref<!tpu.dma_semaphore, #tpu.memory_space<semaphore_mem>>
      tpu.wait_indirect_dma semaphore(%dma_wait3A_1177 : memref<!tpu.dma_semaphore, #tpu.memory_space<semaphore_mem>>) src(%dma_wait3A_1175 : memref<1001x104xf32, #tpu.memory_space<hbm>>) dst(%dma_wait3A_1169 : memref<64x104xf32, #tpu.memory_space<vmem>>)
      %mul3A_1178 = arith.constant 64 : i32
      %mul3A_1179 = arith.muli %add3A_868, %mul3A_1178 : i32
      %add3A_1180 = arith.addi %mul3A_2, %mul3A_1179 : i32
      %dma_start3A_1181 = arith.constant 1 : i32
      %dma_start3A_1182 = arith.constant 1 : i32
      %dma_start3A_1183 = arith.constant 0 : i32
      %dma_start3A_1184 = arith.constant 0 : i32
      %dma_start3A_1185 = tpu.memref_slice %arg14[%dma_start3A_1181, %dma_start3A_1183, %dma_start3A_1184] : memref<2x64x64xf32, #tpu.memory_space<vmem>> -> memref<1x64x64xf32, #tpu.memory_space<vmem>>
      %dma_start3A_1186 = tpu.memref_squeeze %dma_start3A_1185 : memref<1x64x64xf32, #tpu.memory_space<vmem>> -> memref<64x64xf32, #tpu.memory_space<vmem>>
      %dma_start3A_1187 = arith.constant 0 : i32
      %dma_start3A_1188 = tpu.memref_slice %arg8[%add3A_1180, %dma_start3A_1187] : memref<819200x128xf32, #tpu.memory_space<hbm>> -> memref<64x64xf32, #tpu.memory_space<hbm>>
      %dma_start3A_1189 = tpu.memref_slice %arg22[%dma_start3A_1182] : memref<2x!tpu.dma_semaphore, #tpu.memory_space<semaphore_mem>> -> memref<1x!tpu.dma_semaphore, #tpu.memory_space<semaphore_mem>>
      %dma_start3A_1190 = tpu.memref_squeeze %dma_start3A_1189 : memref<1x!tpu.dma_semaphore, #tpu.memory_space<semaphore_mem>> -> memref<!tpu.dma_semaphore, #tpu.memory_space<semaphore_mem>>
      %dma_start3A_1191 = arith.constant 0 : i32
      %dma_start3A_1192 = tpu.memref_slice %arg8[%add3A_1180, %dma_start3A_1191] : memref<819200x128xf32, #tpu.memory_space<hbm>> -> memref<64x64xf32, #tpu.memory_space<hbm>>
      %dma_start3A_1193 = arith.constant 0 : i32
      %dma_start3A_1194 = arith.constant 0 : i32
      %dma_start3A_1195 = tpu.memref_slice %arg14[%dma_start3A_1181, %dma_start3A_1193, %dma_start3A_1194] : memref<2x64x64xf32, #tpu.memory_space<vmem>> -> memref<1x64x64xf32, #tpu.memory_space<vmem>>
      %dma_start3A_1196 = tpu.memref_squeeze %dma_start3A_1195 : memref<1x64x64xf32, #tpu.memory_space<vmem>> -> memref<64x64xf32, #tpu.memory_space<vmem>>
      tpu.enqueue_dma source(%dma_start3A_1196 : memref<64x64xf32, #tpu.memory_space<vmem>>) target(%dma_start3A_1192 : memref<64x64xf32, #tpu.memory_space<hbm>>) target_semaphore(%dma_start3A_1190 : memref<!tpu.dma_semaphore, #tpu.memory_space<semaphore_mem>>)
      %mul3A_1197 = arith.constant 64 : i32
      %mul3A_1198 = arith.muli %add3A_868, %mul3A_1197 : i32
      %add3A_1199 = arith.addi %mul3A_2, %mul3A_1198 : i32
      %dma_start3A_1200 = arith.constant 1 : i32
      %dma_start3A_1201 = arith.constant 1 : i32
      %dma_start3A_1202 = arith.constant 0 : i32
      %dma_start3A_1203 = arith.constant 0 : i32
      %dma_start3A_1204 = tpu.memref_slice %arg15[%dma_start3A_1200, %dma_start3A_1202, %dma_start3A_1203] : memref<2x64x64xf32, #tpu.memory_space<vmem>> -> memref<1x64x64xf32, #tpu.memory_space<vmem>>
      %dma_start3A_1205 = tpu.memref_squeeze %dma_start3A_1204 : memref<1x64x64xf32, #tpu.memory_space<vmem>> -> memref<64x64xf32, #tpu.memory_space<vmem>>
      %dma_start3A_1206 = arith.constant 64 : i32
      %dma_start3A_1207 = tpu.memref_slice %arg8[%add3A_1199, %dma_start3A_1206] : memref<819200x128xf32, #tpu.memory_space<hbm>> -> memref<64x64xf32, #tpu.memory_space<hbm>>
      %dma_start3A_1208 = tpu.memref_slice %arg22[%dma_start3A_1201] : memref<2x!tpu.dma_semaphore, #tpu.memory_space<semaphore_mem>> -> memref<1x!tpu.dma_semaphore, #tpu.memory_space<semaphore_mem>>
      %dma_start3A_1209 = tpu.memref_squeeze %dma_start3A_1208 : memref<1x!tpu.dma_semaphore, #tpu.memory_space<semaphore_mem>> -> memref<!tpu.dma_semaphore, #tpu.memory_space<semaphore_mem>>
      %dma_start3A_1210 = arith.constant 64 : i32
      %dma_start3A_1211 = tpu.memref_slice %arg8[%add3A_1199, %dma_start3A_1210] : memref<819200x128xf32, #tpu.memory_space<hbm>> -> memref<64x64xf32, #tpu.memory_space<hbm>>
      %dma_start3A_1212 = arith.constant 0 : i32
      %dma_start3A_1213 = arith.constant 0 : i32
      %dma_start3A_1214 = tpu.memref_slice %arg15[%dma_start3A_1200, %dma_start3A_1212, %dma_start3A_1213] : memref<2x64x64xf32, #tpu.memory_space<vmem>> -> memref<1x64x64xf32, #tpu.memory_space<vmem>>
      %dma_start3A_1215 = tpu.memref_squeeze %dma_start3A_1214 : memref<1x64x64xf32, #tpu.memory_space<vmem>> -> memref<64x64xf32, #tpu.memory_space<vmem>>
      tpu.enqueue_dma source(%dma_start3A_1215 : memref<64x64xf32, #tpu.memory_space<vmem>>) target(%dma_start3A_1211 : memref<64x64xf32, #tpu.memory_space<hbm>>) target_semaphore(%dma_start3A_1209 : memref<!tpu.dma_semaphore, #tpu.memory_space<semaphore_mem>>)
      %mul3A_1216 = arith.constant 64 : i32
      %mul3A_1217 = arith.muli %add3A_868, %mul3A_1216 : i32
      %add3A_1218 = arith.addi %mul3A_2, %mul3A_1217 : i32
      %dma_start3A_1219 = arith.constant 1 : i32
      %dma_start3A_1220 = arith.constant 1 : i32
      %dma_start3A_1221 = arith.constant 0 : i32
      %dma_start3A_1222 = arith.constant 0 : i32
      %dma_start3A_1223 = tpu.memref_slice %arg16[%dma_start3A_1219, %dma_start3A_1221, %dma_start3A_1222] : memref<2x64x64xf32, #tpu.memory_space<vmem>> -> memref<1x64x64xf32, #tpu.memory_space<vmem>>
      %dma_start3A_1224 = tpu.memref_squeeze %dma_start3A_1223 : memref<1x64x64xf32, #tpu.memory_space<vmem>> -> memref<64x64xf32, #tpu.memory_space<vmem>>
      %dma_start3A_1225 = arith.constant 0 : i32
      %dma_start3A_1226 = tpu.memref_slice %arg9[%add3A_1218, %dma_start3A_1225] : memref<819200x128xf32, #tpu.memory_space<hbm>> -> memref<64x64xf32, #tpu.memory_space<hbm>>
      %dma_start3A_1227 = tpu.memref_slice %arg22[%dma_start3A_1220] : memref<2x!tpu.dma_semaphore, #tpu.memory_space<semaphore_mem>> -> memref<1x!tpu.dma_semaphore, #tpu.memory_space<semaphore_mem>>
      %dma_start3A_1228 = tpu.memref_squeeze %dma_start3A_1227 : memref<1x!tpu.dma_semaphore, #tpu.memory_space<semaphore_mem>> -> memref<!tpu.dma_semaphore, #tpu.memory_space<semaphore_mem>>
      %dma_start3A_1229 = arith.constant 0 : i32
      %dma_start3A_1230 = tpu.memref_slice %arg9[%add3A_1218, %dma_start3A_1229] : memref<819200x128xf32, #tpu.memory_space<hbm>> -> memref<64x64xf32, #tpu.memory_space<hbm>>
      %dma_start3A_1231 = arith.constant 0 : i32
      %dma_start3A_1232 = arith.constant 0 : i32
      %dma_start3A_1233 = tpu.memref_slice %arg16[%dma_start3A_1219, %dma_start3A_1231, %dma_start3A_1232] : memref<2x64x64xf32, #tpu.memory_space<vmem>> -> memref<1x64x64xf32, #tpu.memory_space<vmem>>
      %dma_start3A_1234 = tpu.memref_squeeze %dma_start3A_1233 : memref<1x64x64xf32, #tpu.memory_space<vmem>> -> memref<64x64xf32, #tpu.memory_space<vmem>>
      tpu.enqueue_dma source(%dma_start3A_1234 : memref<64x64xf32, #tpu.memory_space<vmem>>) target(%dma_start3A_1230 : memref<64x64xf32, #tpu.memory_space<hbm>>) target_semaphore(%dma_start3A_1228 : memref<!tpu.dma_semaphore, #tpu.memory_space<semaphore_mem>>)
      %mul3A_1235 = arith.constant 64 : i32
      %mul3A_1236 = arith.muli %add3A_868, %mul3A_1235 : i32
      %add3A_1237 = arith.addi %mul3A_2, %mul3A_1236 : i32
      %dma_start3A_1238 = arith.constant 1 : i32
      %dma_start3A_1239 = arith.constant 1 : i32
      %dma_start3A_1240 = arith.constant 0 : i32
      %dma_start3A_1241 = arith.constant 0 : i32
      %dma_start3A_1242 = tpu.memref_slice %arg17[%dma_start3A_1238, %dma_start3A_1240, %dma_start3A_1241] : memref<2x64x120xf32, #tpu.memory_space<vmem>> -> memref<1x64x120xf32, #tpu.memory_space<vmem>>
      %dma_start3A_1243 = tpu.memref_squeeze %dma_start3A_1242 : memref<1x64x120xf32, #tpu.memory_space<vmem>> -> memref<64x120xf32, #tpu.memory_space<vmem>>
      %dma_start3A_1244 = arith.constant 0 : i32
      %dma_start3A_1245 = tpu.memref_slice %arg10[%add3A_1237, %dma_start3A_1244] : memref<819200x128xf32, #tpu.memory_space<hbm>> -> memref<64x120xf32, #tpu.memory_space<hbm>>
      %dma_start3A_1246 = tpu.memref_slice %arg22[%dma_start3A_1239] : memref<2x!tpu.dma_semaphore, #tpu.memory_space<semaphore_mem>> -> memref<1x!tpu.dma_semaphore, #tpu.memory_space<semaphore_mem>>
      %dma_start3A_1247 = tpu.memref_squeeze %dma_start3A_1246 : memref<1x!tpu.dma_semaphore, #tpu.memory_space<semaphore_mem>> -> memref<!tpu.dma_semaphore, #tpu.memory_space<semaphore_mem>>
      %dma_start3A_1248 = arith.constant 0 : i32
      %dma_start3A_1249 = tpu.memref_slice %arg10[%add3A_1237, %dma_start3A_1248] : memref<819200x128xf32, #tpu.memory_space<hbm>> -> memref<64x120xf32, #tpu.memory_space<hbm>>
      %dma_start3A_1250 = arith.constant 0 : i32
      %dma_start3A_1251 = arith.constant 0 : i32
      %dma_start3A_1252 = tpu.memref_slice %arg17[%dma_start3A_1238, %dma_start3A_1250, %dma_start3A_1251] : memref<2x64x120xf32, #tpu.memory_space<vmem>> -> memref<1x64x120xf32, #tpu.memory_space<vmem>>
      %dma_start3A_1253 = tpu.memref_squeeze %dma_start3A_1252 : memref<1x64x120xf32, #tpu.memory_space<vmem>> -> memref<64x120xf32, #tpu.memory_space<vmem>>
      tpu.enqueue_dma source(%dma_start3A_1253 : memref<64x120xf32, #tpu.memory_space<vmem>>) target(%dma_start3A_1249 : memref<64x120xf32, #tpu.memory_space<hbm>>) target_semaphore(%dma_start3A_1247 : memref<!tpu.dma_semaphore, #tpu.memory_space<semaphore_mem>>)
      %mul3A_1254 = arith.constant 64 : i32
      %mul3A_1255 = arith.muli %add3A_868, %mul3A_1254 : i32
      %add3A_1256 = arith.addi %mul3A_2, %mul3A_1255 : i32
      %dma_start3A_1257 = arith.constant 1 : i32
      %dma_start3A_1258 = arith.constant 1 : i32
      %dma_start3A_1259 = arith.constant 0 : i32
      %dma_start3A_1260 = arith.constant 0 : i32
      %dma_start3A_1261 = tpu.memref_slice %arg18[%dma_start3A_1257, %dma_start3A_1259, %dma_start3A_1260] : memref<2x64x120xf32, #tpu.memory_space<vmem>> -> memref<1x64x120xf32, #tpu.memory_space<vmem>>
      %dma_start3A_1262 = tpu.memref_squeeze %dma_start3A_1261 : memref<1x64x120xf32, #tpu.memory_space<vmem>> -> memref<64x120xf32, #tpu.memory_space<vmem>>
      %dma_start3A_1263 = arith.constant 0 : i32
      %dma_start3A_1264 = tpu.memref_slice %arg11[%add3A_1256, %dma_start3A_1263] : memref<819200x128xf32, #tpu.memory_space<hbm>> -> memref<64x120xf32, #tpu.memory_space<hbm>>
      %dma_start3A_1265 = tpu.memref_slice %arg22[%dma_start3A_1258] : memref<2x!tpu.dma_semaphore, #tpu.memory_space<semaphore_mem>> -> memref<1x!tpu.dma_semaphore, #tpu.memory_space<semaphore_mem>>
      %dma_start3A_1266 = tpu.memref_squeeze %dma_start3A_1265 : memref<1x!tpu.dma_semaphore, #tpu.memory_space<semaphore_mem>> -> memref<!tpu.dma_semaphore, #tpu.memory_space<semaphore_mem>>
      %dma_start3A_1267 = arith.constant 0 : i32
      %dma_start3A_1268 = tpu.memref_slice %arg11[%add3A_1256, %dma_start3A_1267] : memref<819200x128xf32, #tpu.memory_space<hbm>> -> memref<64x120xf32, #tpu.memory_space<hbm>>
      %dma_start3A_1269 = arith.constant 0 : i32
      %dma_start3A_1270 = arith.constant 0 : i32
      %dma_start3A_1271 = tpu.memref_slice %arg18[%dma_start3A_1257, %dma_start3A_1269, %dma_start3A_1270] : memref<2x64x120xf32, #tpu.memory_space<vmem>> -> memref<1x64x120xf32, #tpu.memory_space<vmem>>
      %dma_start3A_1272 = tpu.memref_squeeze %dma_start3A_1271 : memref<1x64x120xf32, #tpu.memory_space<vmem>> -> memref<64x120xf32, #tpu.memory_space<vmem>>
      tpu.enqueue_dma source(%dma_start3A_1272 : memref<64x120xf32, #tpu.memory_space<vmem>>) target(%dma_start3A_1268 : memref<64x120xf32, #tpu.memory_space<hbm>>) target_semaphore(%dma_start3A_1266 : memref<!tpu.dma_semaphore, #tpu.memory_space<semaphore_mem>>)
      %mul3A_1273 = arith.constant 64 : i32
      %mul3A_1274 = arith.muli %add3A_868, %mul3A_1273 : i32
      %add3A_1275 = arith.addi %mul3A_2, %mul3A_1274 : i32
      %dma_start3A_1276 = arith.constant 1 : i32
      %dma_start3A_1277 = arith.constant 1 : i32
      %dma_start3A_1278 = arith.constant 0 : i32
      %dma_start3A_1279 = arith.constant 0 : i32
      %dma_start3A_1280 = tpu.memref_slice %arg19[%dma_start3A_1276, %dma_start3A_1278, %dma_start3A_1279] : memref<2x64x104xf32, #tpu.memory_space<vmem>> -> memref<1x64x104xf32, #tpu.memory_space<vmem>>
      %dma_start3A_1281 = tpu.memref_squeeze %dma_start3A_1280 : memref<1x64x104xf32, #tpu.memory_space<vmem>> -> memref<64x104xf32, #tpu.memory_space<vmem>>
      %dma_start3A_1282 = arith.constant 0 : i32
      %dma_start3A_1283 = tpu.memref_slice %arg12[%add3A_1275, %dma_start3A_1282] : memref<819200x128xf32, #tpu.memory_space<hbm>> -> memref<64x104xf32, #tpu.memory_space<hbm>>
      %dma_start3A_1284 = tpu.memref_slice %arg22[%dma_start3A_1277] : memref<2x!tpu.dma_semaphore, #tpu.memory_space<semaphore_mem>> -> memref<1x!tpu.dma_semaphore, #tpu.memory_space<semaphore_mem>>
      %dma_start3A_1285 = tpu.memref_squeeze %dma_start3A_1284 : memref<1x!tpu.dma_semaphore, #tpu.memory_space<semaphore_mem>> -> memref<!tpu.dma_semaphore, #tpu.memory_space<semaphore_mem>>
      %dma_start3A_1286 = arith.constant 0 : i32
      %dma_start3A_1287 = tpu.memref_slice %arg12[%add3A_1275, %dma_start3A_1286] : memref<819200x128xf32, #tpu.memory_space<hbm>> -> memref<64x104xf32, #tpu.memory_space<hbm>>
      %dma_start3A_1288 = arith.constant 0 : i32
      %dma_start3A_1289 = arith.constant 0 : i32
      %dma_start3A_1290 = tpu.memref_slice %arg19[%dma_start3A_1276, %dma_start3A_1288, %dma_start3A_1289] : memref<2x64x104xf32, #tpu.memory_space<vmem>> -> memref<1x64x104xf32, #tpu.memory_space<vmem>>
      %dma_start3A_1291 = tpu.memref_squeeze %dma_start3A_1290 : memref<1x64x104xf32, #tpu.memory_space<vmem>> -> memref<64x104xf32, #tpu.memory_space<vmem>>
      tpu.enqueue_dma source(%dma_start3A_1291 : memref<64x104xf32, #tpu.memory_space<vmem>>) target(%dma_start3A_1287 : memref<64x104xf32, #tpu.memory_space<hbm>>) target_semaphore(%dma_start3A_1285 : memref<!tpu.dma_semaphore, #tpu.memory_space<semaphore_mem>>)
    }
    %scan3A_108 = arith.constant 200 : i32
    %add3A_109 = arith.constant 25472 : i32
    %add3A_110 = arith.addi %mul3A_2, %add3A_109 : i32
    %dma_wait3A = arith.constant 0 : i32
    %dma_wait3A_111 = arith.constant 0 : i32
    %dma_wait3A_112 = arith.constant 0 : i32
    %dma_wait3A_113 = arith.constant 0 : i32
    %dma_wait3A_114 = tpu.memref_slice %arg14[%dma_wait3A, %dma_wait3A_112, %dma_wait3A_113] : memref<2x64x64xf32, #tpu.memory_space<vmem>> -> memref<1x64x64xf32, #tpu.memory_space<vmem>>
    %dma_wait3A_115 = tpu.memref_squeeze %dma_wait3A_114 : memref<1x64x64xf32, #tpu.memory_space<vmem>> -> memref<64x64xf32, #tpu.memory_space<vmem>>
    %dma_wait3A_116 = arith.constant 0 : i32
    %dma_wait3A_117 = tpu.memref_slice %arg8[%add3A_110, %dma_wait3A_116] : memref<819200x128xf32, #tpu.memory_space<hbm>> -> memref<64x64xf32, #tpu.memory_space<hbm>>
    %dma_wait3A_118 = tpu.memref_slice %arg22[%dma_wait3A_111] : memref<2x!tpu.dma_semaphore, #tpu.memory_space<semaphore_mem>> -> memref<1x!tpu.dma_semaphore, #tpu.memory_space<semaphore_mem>>
    %dma_wait3A_119 = tpu.memref_squeeze %dma_wait3A_118 : memref<1x!tpu.dma_semaphore, #tpu.memory_space<semaphore_mem>> -> memref<!tpu.dma_semaphore, #tpu.memory_space<semaphore_mem>>
    %dma_wait3A_120 = arith.constant 0 : i32
    %dma_wait3A_121 = tpu.memref_slice %arg8[%add3A_110, %dma_wait3A_120] : memref<819200x128xf32, #tpu.memory_space<hbm>> -> memref<64x64xf32, #tpu.memory_space<hbm>>
    %dma_wait3A_122 = arith.constant 0 : i32
    %dma_wait3A_123 = arith.constant 0 : i32
    %dma_wait3A_124 = tpu.memref_slice %arg14[%dma_wait3A, %dma_wait3A_122, %dma_wait3A_123] : memref<2x64x64xf32, #tpu.memory_space<vmem>> -> memref<1x64x64xf32, #tpu.memory_space<vmem>>
    %dma_wait3A_125 = tpu.memref_squeeze %dma_wait3A_124 : memref<1x64x64xf32, #tpu.memory_space<vmem>> -> memref<64x64xf32, #tpu.memory_space<vmem>>
    tpu.wait_dma2 semaphore(%dma_wait3A_119 : memref<!tpu.dma_semaphore, #tpu.memory_space<semaphore_mem>>) src(%dma_wait3A_125 : memref<64x64xf32, #tpu.memory_space<vmem>>) dst(%dma_wait3A_121 : memref<64x64xf32, #tpu.memory_space<hbm>>)
    %add3A_126 = arith.constant 25472 : i32
    %add3A_127 = arith.addi %mul3A_2, %add3A_126 : i32
    %dma_wait3A_128 = arith.constant 0 : i32
    %dma_wait3A_129 = arith.constant 0 : i32
    %dma_wait3A_130 = arith.constant 0 : i32
    %dma_wait3A_131 = arith.constant 0 : i32
    %dma_wait3A_132 = tpu.memref_slice %arg15[%dma_wait3A_128, %dma_wait3A_130, %dma_wait3A_131] : memref<2x64x64xf32, #tpu.memory_space<vmem>> -> memref<1x64x64xf32, #tpu.memory_space<vmem>>
    %dma_wait3A_133 = tpu.memref_squeeze %dma_wait3A_132 : memref<1x64x64xf32, #tpu.memory_space<vmem>> -> memref<64x64xf32, #tpu.memory_space<vmem>>
    %dma_wait3A_134 = arith.constant 64 : i32
    %dma_wait3A_135 = tpu.memref_slice %arg8[%add3A_127, %dma_wait3A_134] : memref<819200x128xf32, #tpu.memory_space<hbm>> -> memref<64x64xf32, #tpu.memory_space<hbm>>
    %dma_wait3A_136 = tpu.memref_slice %arg22[%dma_wait3A_129] : memref<2x!tpu.dma_semaphore, #tpu.memory_space<semaphore_mem>> -> memref<1x!tpu.dma_semaphore, #tpu.memory_space<semaphore_mem>>
    %dma_wait3A_137 = tpu.memref_squeeze %dma_wait3A_136 : memref<1x!tpu.dma_semaphore, #tpu.memory_space<semaphore_mem>> -> memref<!tpu.dma_semaphore, #tpu.memory_space<semaphore_mem>>
    %dma_wait3A_138 = arith.constant 64 : i32
    %dma_wait3A_139 = tpu.memref_slice %arg8[%add3A_127, %dma_wait3A_138] : memref<819200x128xf32, #tpu.memory_space<hbm>> -> memref<64x64xf32, #tpu.memory_space<hbm>>
    %dma_wait3A_140 = arith.constant 0 : i32
    %dma_wait3A_141 = arith.constant 0 : i32
    %dma_wait3A_142 = tpu.memref_slice %arg15[%dma_wait3A_128, %dma_wait3A_140, %dma_wait3A_141] : memref<2x64x64xf32, #tpu.memory_space<vmem>> -> memref<1x64x64xf32, #tpu.memory_space<vmem>>
    %dma_wait3A_143 = tpu.memref_squeeze %dma_wait3A_142 : memref<1x64x64xf32, #tpu.memory_space<vmem>> -> memref<64x64xf32, #tpu.memory_space<vmem>>
    tpu.wait_dma2 semaphore(%dma_wait3A_137 : memref<!tpu.dma_semaphore, #tpu.memory_space<semaphore_mem>>) src(%dma_wait3A_143 : memref<64x64xf32, #tpu.memory_space<vmem>>) dst(%dma_wait3A_139 : memref<64x64xf32, #tpu.memory_space<hbm>>)
    %add3A_144 = arith.constant 25472 : i32
    %add3A_145 = arith.addi %mul3A_2, %add3A_144 : i32
    %dma_wait3A_146 = arith.constant 0 : i32
    %dma_wait3A_147 = arith.constant 0 : i32
    %dma_wait3A_148 = arith.constant 0 : i32
    %dma_wait3A_149 = arith.constant 0 : i32
    %dma_wait3A_150 = tpu.memref_slice %arg16[%dma_wait3A_146, %dma_wait3A_148, %dma_wait3A_149] : memref<2x64x64xf32, #tpu.memory_space<vmem>> -> memref<1x64x64xf32, #tpu.memory_space<vmem>>
    %dma_wait3A_151 = tpu.memref_squeeze %dma_wait3A_150 : memref<1x64x64xf32, #tpu.memory_space<vmem>> -> memref<64x64xf32, #tpu.memory_space<vmem>>
    %dma_wait3A_152 = arith.constant 0 : i32
    %dma_wait3A_153 = tpu.memref_slice %arg9[%add3A_145, %dma_wait3A_152] : memref<819200x128xf32, #tpu.memory_space<hbm>> -> memref<64x64xf32, #tpu.memory_space<hbm>>
    %dma_wait3A_154 = tpu.memref_slice %arg22[%dma_wait3A_147] : memref<2x!tpu.dma_semaphore, #tpu.memory_space<semaphore_mem>> -> memref<1x!tpu.dma_semaphore, #tpu.memory_space<semaphore_mem>>
    %dma_wait3A_155 = tpu.memref_squeeze %dma_wait3A_154 : memref<1x!tpu.dma_semaphore, #tpu.memory_space<semaphore_mem>> -> memref<!tpu.dma_semaphore, #tpu.memory_space<semaphore_mem>>
    %dma_wait3A_156 = arith.constant 0 : i32
    %dma_wait3A_157 = tpu.memref_slice %arg9[%add3A_145, %dma_wait3A_156] : memref<819200x128xf32, #tpu.memory_space<hbm>> -> memref<64x64xf32, #tpu.memory_space<hbm>>
    %dma_wait3A_158 = arith.constant 0 : i32
    %dma_wait3A_159 = arith.constant 0 : i32
    %dma_wait3A_160 = tpu.memref_slice %arg16[%dma_wait3A_146, %dma_wait3A_158, %dma_wait3A_159] : memref<2x64x64xf32, #tpu.memory_space<vmem>> -> memref<1x64x64xf32, #tpu.memory_space<vmem>>
    %dma_wait3A_161 = tpu.memref_squeeze %dma_wait3A_160 : memref<1x64x64xf32, #tpu.memory_space<vmem>> -> memref<64x64xf32, #tpu.memory_space<vmem>>
    tpu.wait_dma2 semaphore(%dma_wait3A_155 : memref<!tpu.dma_semaphore, #tpu.memory_space<semaphore_mem>>) src(%dma_wait3A_161 : memref<64x64xf32, #tpu.memory_space<vmem>>) dst(%dma_wait3A_157 : memref<64x64xf32, #tpu.memory_space<hbm>>)
    %add3A_162 = arith.constant 25472 : i32
    %add3A_163 = arith.addi %mul3A_2, %add3A_162 : i32
    %dma_wait3A_164 = arith.constant 0 : i32
    %dma_wait3A_165 = arith.constant 0 : i32
    %dma_wait3A_166 = arith.constant 0 : i32
    %dma_wait3A_167 = arith.constant 0 : i32
    %dma_wait3A_168 = tpu.memref_slice %arg17[%dma_wait3A_164, %dma_wait3A_166, %dma_wait3A_167] : memref<2x64x120xf32, #tpu.memory_space<vmem>> -> memref<1x64x120xf32, #tpu.memory_space<vmem>>
    %dma_wait3A_169 = tpu.memref_squeeze %dma_wait3A_168 : memref<1x64x120xf32, #tpu.memory_space<vmem>> -> memref<64x120xf32, #tpu.memory_space<vmem>>
    %dma_wait3A_170 = arith.constant 0 : i32
    %dma_wait3A_171 = tpu.memref_slice %arg10[%add3A_163, %dma_wait3A_170] : memref<819200x128xf32, #tpu.memory_space<hbm>> -> memref<64x120xf32, #tpu.memory_space<hbm>>
    %dma_wait3A_172 = tpu.memref_slice %arg22[%dma_wait3A_165] : memref<2x!tpu.dma_semaphore, #tpu.memory_space<semaphore_mem>> -> memref<1x!tpu.dma_semaphore, #tpu.memory_space<semaphore_mem>>
    %dma_wait3A_173 = tpu.memref_squeeze %dma_wait3A_172 : memref<1x!tpu.dma_semaphore, #tpu.memory_space<semaphore_mem>> -> memref<!tpu.dma_semaphore, #tpu.memory_space<semaphore_mem>>
    %dma_wait3A_174 = arith.constant 0 : i32
    %dma_wait3A_175 = tpu.memref_slice %arg10[%add3A_163, %dma_wait3A_174] : memref<819200x128xf32, #tpu.memory_space<hbm>> -> memref<64x120xf32, #tpu.memory_space<hbm>>
    %dma_wait3A_176 = arith.constant 0 : i32
    %dma_wait3A_177 = arith.constant 0 : i32
    %dma_wait3A_178 = tpu.memref_slice %arg17[%dma_wait3A_164, %dma_wait3A_176, %dma_wait3A_177] : memref<2x64x120xf32, #tpu.memory_space<vmem>> -> memref<1x64x120xf32, #tpu.memory_space<vmem>>
    %dma_wait3A_179 = tpu.memref_squeeze %dma_wait3A_178 : memref<1x64x120xf32, #tpu.memory_space<vmem>> -> memref<64x120xf32, #tpu.memory_space<vmem>>
    tpu.wait_dma2 semaphore(%dma_wait3A_173 : memref<!tpu.dma_semaphore, #tpu.memory_space<semaphore_mem>>) src(%dma_wait3A_179 : memref<64x120xf32, #tpu.memory_space<vmem>>) dst(%dma_wait3A_175 : memref<64x120xf32, #tpu.memory_space<hbm>>)
    %add3A_180 = arith.constant 25472 : i32
    %add3A_181 = arith.addi %mul3A_2, %add3A_180 : i32
    %dma_wait3A_182 = arith.constant 0 : i32
    %dma_wait3A_183 = arith.constant 0 : i32
    %dma_wait3A_184 = arith.constant 0 : i32
    %dma_wait3A_185 = arith.constant 0 : i32
    %dma_wait3A_186 = tpu.memref_slice %arg18[%dma_wait3A_182, %dma_wait3A_184, %dma_wait3A_185] : memref<2x64x120xf32, #tpu.memory_space<vmem>> -> memref<1x64x120xf32, #tpu.memory_space<vmem>>
    %dma_wait3A_187 = tpu.memref_squeeze %dma_wait3A_186 : memref<1x64x120xf32, #tpu.memory_space<vmem>> -> memref<64x120xf32, #tpu.memory_space<vmem>>
    %dma_wait3A_188 = arith.constant 0 : i32
    %dma_wait3A_189 = tpu.memref_slice %arg11[%add3A_181, %dma_wait3A_188] : memref<819200x128xf32, #tpu.memory_space<hbm>> -> memref<64x120xf32, #tpu.memory_space<hbm>>
    %dma_wait3A_190 = tpu.memref_slice %arg22[%dma_wait3A_183] : memref<2x!tpu.dma_semaphore, #tpu.memory_space<semaphore_mem>> -> memref<1x!tpu.dma_semaphore, #tpu.memory_space<semaphore_mem>>
    %dma_wait3A_191 = tpu.memref_squeeze %dma_wait3A_190 : memref<1x!tpu.dma_semaphore, #tpu.memory_space<semaphore_mem>> -> memref<!tpu.dma_semaphore, #tpu.memory_space<semaphore_mem>>
    %dma_wait3A_192 = arith.constant 0 : i32
    %dma_wait3A_193 = tpu.memref_slice %arg11[%add3A_181, %dma_wait3A_192] : memref<819200x128xf32, #tpu.memory_space<hbm>> -> memref<64x120xf32, #tpu.memory_space<hbm>>
    %dma_wait3A_194 = arith.constant 0 : i32
    %dma_wait3A_195 = arith.constant 0 : i32
    %dma_wait3A_196 = tpu.memref_slice %arg18[%dma_wait3A_182, %dma_wait3A_194, %dma_wait3A_195] : memref<2x64x120xf32, #tpu.memory_space<vmem>> -> memref<1x64x120xf32, #tpu.memory_space<vmem>>
    %dma_wait3A_197 = tpu.memref_squeeze %dma_wait3A_196 : memref<1x64x120xf32, #tpu.memory_space<vmem>> -> memref<64x120xf32, #tpu.memory_space<vmem>>
    tpu.wait_dma2 semaphore(%dma_wait3A_191 : memref<!tpu.dma_semaphore, #tpu.memory_space<semaphore_mem>>) src(%dma_wait3A_197 : memref<64x120xf32, #tpu.memory_space<vmem>>) dst(%dma_wait3A_193 : memref<64x120xf32, #tpu.memory_space<hbm>>)
    %add3A_198 = arith.constant 25472 : i32
    %add3A_199 = arith.addi %mul3A_2, %add3A_198 : i32
    %dma_wait3A_200 = arith.constant 0 : i32
    %dma_wait3A_201 = arith.constant 0 : i32
    %dma_wait3A_202 = arith.constant 0 : i32
    %dma_wait3A_203 = arith.constant 0 : i32
    %dma_wait3A_204 = tpu.memref_slice %arg19[%dma_wait3A_200, %dma_wait3A_202, %dma_wait3A_203] : memref<2x64x104xf32, #tpu.memory_space<vmem>> -> memref<1x64x104xf32, #tpu.memory_space<vmem>>
    %dma_wait3A_205 = tpu.memref_squeeze %dma_wait3A_204 : memref<1x64x104xf32, #tpu.memory_space<vmem>> -> memref<64x104xf32, #tpu.memory_space<vmem>>
    %dma_wait3A_206 = arith.constant 0 : i32
    %dma_wait3A_207 = tpu.memref_slice %arg12[%add3A_199, %dma_wait3A_206] : memref<819200x128xf32, #tpu.memory_space<hbm>> -> memref<64x104xf32, #tpu.memory_space<hbm>>
    %dma_wait3A_208 = tpu.memref_slice %arg22[%dma_wait3A_201] : memref<2x!tpu.dma_semaphore, #tpu.memory_space<semaphore_mem>> -> memref<1x!tpu.dma_semaphore, #tpu.memory_space<semaphore_mem>>
    %dma_wait3A_209 = tpu.memref_squeeze %dma_wait3A_208 : memref<1x!tpu.dma_semaphore, #tpu.memory_space<semaphore_mem>> -> memref<!tpu.dma_semaphore, #tpu.memory_space<semaphore_mem>>
    %dma_wait3A_210 = arith.constant 0 : i32
    %dma_wait3A_211 = tpu.memref_slice %arg12[%add3A_199, %dma_wait3A_210] : memref<819200x128xf32, #tpu.memory_space<hbm>> -> memref<64x104xf32, #tpu.memory_space<hbm>>
    %dma_wait3A_212 = arith.constant 0 : i32
    %dma_wait3A_213 = arith.constant 0 : i32
    %dma_wait3A_214 = tpu.memref_slice %arg19[%dma_wait3A_200, %dma_wait3A_212, %dma_wait3A_213] : memref<2x64x104xf32, #tpu.memory_space<vmem>> -> memref<1x64x104xf32, #tpu.memory_space<vmem>>
    %dma_wait3A_215 = tpu.memref_squeeze %dma_wait3A_214 : memref<1x64x104xf32, #tpu.memory_space<vmem>> -> memref<64x104xf32, #tpu.memory_space<vmem>>
    tpu.wait_dma2 semaphore(%dma_wait3A_209 : memref<!tpu.dma_semaphore, #tpu.memory_space<semaphore_mem>>) src(%dma_wait3A_215 : memref<64x104xf32, #tpu.memory_space<vmem>>) dst(%dma_wait3A_211 : memref<64x104xf32, #tpu.memory_space<hbm>>)
    %add3A_216 = arith.constant 25536 : i32
    %add3A_217 = arith.addi %mul3A_2, %add3A_216 : i32
    %dma_wait3A_218 = arith.constant 1 : i32
    %dma_wait3A_219 = arith.constant 1 : i32
    %dma_wait3A_220 = arith.constant 0 : i32
    %dma_wait3A_221 = arith.constant 0 : i32
    %dma_wait3A_222 = tpu.memref_slice %arg14[%dma_wait3A_218, %dma_wait3A_220, %dma_wait3A_221] : memref<2x64x64xf32, #tpu.memory_space<vmem>> -> memref<1x64x64xf32, #tpu.memory_space<vmem>>
    %dma_wait3A_223 = tpu.memref_squeeze %dma_wait3A_222 : memref<1x64x64xf32, #tpu.memory_space<vmem>> -> memref<64x64xf32, #tpu.memory_space<vmem>>
    %dma_wait3A_224 = arith.constant 0 : i32
    %dma_wait3A_225 = tpu.memref_slice %arg8[%add3A_217, %dma_wait3A_224] : memref<819200x128xf32, #tpu.memory_space<hbm>> -> memref<64x64xf32, #tpu.memory_space<hbm>>
    %dma_wait3A_226 = tpu.memref_slice %arg22[%dma_wait3A_219] : memref<2x!tpu.dma_semaphore, #tpu.memory_space<semaphore_mem>> -> memref<1x!tpu.dma_semaphore, #tpu.memory_space<semaphore_mem>>
    %dma_wait3A_227 = tpu.memref_squeeze %dma_wait3A_226 : memref<1x!tpu.dma_semaphore, #tpu.memory_space<semaphore_mem>> -> memref<!tpu.dma_semaphore, #tpu.memory_space<semaphore_mem>>
    %dma_wait3A_228 = arith.constant 0 : i32
    %dma_wait3A_229 = tpu.memref_slice %arg8[%add3A_217, %dma_wait3A_228] : memref<819200x128xf32, #tpu.memory_space<hbm>> -> memref<64x64xf32, #tpu.memory_space<hbm>>
    %dma_wait3A_230 = arith.constant 0 : i32
    %dma_wait3A_231 = arith.constant 0 : i32
    %dma_wait3A_232 = tpu.memref_slice %arg14[%dma_wait3A_218, %dma_wait3A_230, %dma_wait3A_231] : memref<2x64x64xf32, #tpu.memory_space<vmem>> -> memref<1x64x64xf32, #tpu.memory_space<vmem>>
    %dma_wait3A_233 = tpu.memref_squeeze %dma_wait3A_232 : memref<1x64x64xf32, #tpu.memory_space<vmem>> -> memref<64x64xf32, #tpu.memory_space<vmem>>
    tpu.wait_dma2 semaphore(%dma_wait3A_227 : memref<!tpu.dma_semaphore, #tpu.memory_space<semaphore_mem>>) src(%dma_wait3A_233 : memref<64x64xf32, #tpu.memory_space<vmem>>) dst(%dma_wait3A_229 : memref<64x64xf32, #tpu.memory_space<hbm>>)
    %add3A_234 = arith.constant 25536 : i32
    %add3A_235 = arith.addi %mul3A_2, %add3A_234 : i32
    %dma_wait3A_236 = arith.constant 1 : i32
    %dma_wait3A_237 = arith.constant 1 : i32
    %dma_wait3A_238 = arith.constant 0 : i32
    %dma_wait3A_239 = arith.constant 0 : i32
    %dma_wait3A_240 = tpu.memref_slice %arg15[%dma_wait3A_236, %dma_wait3A_238, %dma_wait3A_239] : memref<2x64x64xf32, #tpu.memory_space<vmem>> -> memref<1x64x64xf32, #tpu.memory_space<vmem>>
    %dma_wait3A_241 = tpu.memref_squeeze %dma_wait3A_240 : memref<1x64x64xf32, #tpu.memory_space<vmem>> -> memref<64x64xf32, #tpu.memory_space<vmem>>
    %dma_wait3A_242 = arith.constant 64 : i32
    %dma_wait3A_243 = tpu.memref_slice %arg8[%add3A_235, %dma_wait3A_242] : memref<819200x128xf32, #tpu.memory_space<hbm>> -> memref<64x64xf32, #tpu.memory_space<hbm>>
    %dma_wait3A_244 = tpu.memref_slice %arg22[%dma_wait3A_237] : memref<2x!tpu.dma_semaphore, #tpu.memory_space<semaphore_mem>> -> memref<1x!tpu.dma_semaphore, #tpu.memory_space<semaphore_mem>>
    %dma_wait3A_245 = tpu.memref_squeeze %dma_wait3A_244 : memref<1x!tpu.dma_semaphore, #tpu.memory_space<semaphore_mem>> -> memref<!tpu.dma_semaphore, #tpu.memory_space<semaphore_mem>>
    %dma_wait3A_246 = arith.constant 64 : i32
    %dma_wait3A_247 = tpu.memref_slice %arg8[%add3A_235, %dma_wait3A_246] : memref<819200x128xf32, #tpu.memory_space<hbm>> -> memref<64x64xf32, #tpu.memory_space<hbm>>
    %dma_wait3A_248 = arith.constant 0 : i32
    %dma_wait3A_249 = arith.constant 0 : i32
    %dma_wait3A_250 = tpu.memref_slice %arg15[%dma_wait3A_236, %dma_wait3A_248, %dma_wait3A_249] : memref<2x64x64xf32, #tpu.memory_space<vmem>> -> memref<1x64x64xf32, #tpu.memory_space<vmem>>
    %dma_wait3A_251 = tpu.memref_squeeze %dma_wait3A_250 : memref<1x64x64xf32, #tpu.memory_space<vmem>> -> memref<64x64xf32, #tpu.memory_space<vmem>>
    tpu.wait_dma2 semaphore(%dma_wait3A_245 : memref<!tpu.dma_semaphore, #tpu.memory_space<semaphore_mem>>) src(%dma_wait3A_251 : memref<64x64xf32, #tpu.memory_space<vmem>>) dst(%dma_wait3A_247 : memref<64x64xf32, #tpu.memory_space<hbm>>)
    %add3A_252 = arith.constant 25536 : i32
    %add3A_253 = arith.addi %mul3A_2, %add3A_252 : i32
    %dma_wait3A_254 = arith.constant 1 : i32
    %dma_wait3A_255 = arith.constant 1 : i32
    %dma_wait3A_256 = arith.constant 0 : i32
    %dma_wait3A_257 = arith.constant 0 : i32
    %dma_wait3A_258 = tpu.memref_slice %arg16[%dma_wait3A_254, %dma_wait3A_256, %dma_wait3A_257] : memref<2x64x64xf32, #tpu.memory_space<vmem>> -> memref<1x64x64xf32, #tpu.memory_space<vmem>>
    %dma_wait3A_259 = tpu.memref_squeeze %dma_wait3A_258 : memref<1x64x64xf32, #tpu.memory_space<vmem>> -> memref<64x64xf32, #tpu.memory_space<vmem>>
    %dma_wait3A_260 = arith.constant 0 : i32
    %dma_wait3A_261 = tpu.memref_slice %arg9[%add3A_253, %dma_wait3A_260] : memref<819200x128xf32, #tpu.memory_space<hbm>> -> memref<64x64xf32, #tpu.memory_space<hbm>>
    %dma_wait3A_262 = tpu.memref_slice %arg22[%dma_wait3A_255] : memref<2x!tpu.dma_semaphore, #tpu.memory_space<semaphore_mem>> -> memref<1x!tpu.dma_semaphore, #tpu.memory_space<semaphore_mem>>
    %dma_wait3A_263 = tpu.memref_squeeze %dma_wait3A_262 : memref<1x!tpu.dma_semaphore, #tpu.memory_space<semaphore_mem>> -> memref<!tpu.dma_semaphore, #tpu.memory_space<semaphore_mem>>
    %dma_wait3A_264 = arith.constant 0 : i32
    %dma_wait3A_265 = tpu.memref_slice %arg9[%add3A_253, %dma_wait3A_264] : memref<819200x128xf32, #tpu.memory_space<hbm>> -> memref<64x64xf32, #tpu.memory_space<hbm>>
    %dma_wait3A_266 = arith.constant 0 : i32
    %dma_wait3A_267 = arith.constant 0 : i32
    %dma_wait3A_268 = tpu.memref_slice %arg16[%dma_wait3A_254, %dma_wait3A_266, %dma_wait3A_267] : memref<2x64x64xf32, #tpu.memory_space<vmem>> -> memref<1x64x64xf32, #tpu.memory_space<vmem>>
    %dma_wait3A_269 = tpu.memref_squeeze %dma_wait3A_268 : memref<1x64x64xf32, #tpu.memory_space<vmem>> -> memref<64x64xf32, #tpu.memory_space<vmem>>
    tpu.wait_dma2 semaphore(%dma_wait3A_263 : memref<!tpu.dma_semaphore, #tpu.memory_space<semaphore_mem>>) src(%dma_wait3A_269 : memref<64x64xf32, #tpu.memory_space<vmem>>) dst(%dma_wait3A_265 : memref<64x64xf32, #tpu.memory_space<hbm>>)
    %add3A_270 = arith.constant 25536 : i32
    %add3A_271 = arith.addi %mul3A_2, %add3A_270 : i32
    %dma_wait3A_272 = arith.constant 1 : i32
    %dma_wait3A_273 = arith.constant 1 : i32
    %dma_wait3A_274 = arith.constant 0 : i32
    %dma_wait3A_275 = arith.constant 0 : i32
    %dma_wait3A_276 = tpu.memref_slice %arg17[%dma_wait3A_272, %dma_wait3A_274, %dma_wait3A_275] : memref<2x64x120xf32, #tpu.memory_space<vmem>> -> memref<1x64x120xf32, #tpu.memory_space<vmem>>
    %dma_wait3A_277 = tpu.memref_squeeze %dma_wait3A_276 : memref<1x64x120xf32, #tpu.memory_space<vmem>> -> memref<64x120xf32, #tpu.memory_space<vmem>>
    %dma_wait3A_278 = arith.constant 0 : i32
    %dma_wait3A_279 = tpu.memref_slice %arg10[%add3A_271, %dma_wait3A_278] : memref<819200x128xf32, #tpu.memory_space<hbm>> -> memref<64x120xf32, #tpu.memory_space<hbm>>
    %dma_wait3A_280 = tpu.memref_slice %arg22[%dma_wait3A_273] : memref<2x!tpu.dma_semaphore, #tpu.memory_space<semaphore_mem>> -> memref<1x!tpu.dma_semaphore, #tpu.memory_space<semaphore_mem>>
    %dma_wait3A_281 = tpu.memref_squeeze %dma_wait3A_280 : memref<1x!tpu.dma_semaphore, #tpu.memory_space<semaphore_mem>> -> memref<!tpu.dma_semaphore, #tpu.memory_space<semaphore_mem>>
    %dma_wait3A_282 = arith.constant 0 : i32
    %dma_wait3A_283 = tpu.memref_slice %arg10[%add3A_271, %dma_wait3A_282] : memref<819200x128xf32, #tpu.memory_space<hbm>> -> memref<64x120xf32, #tpu.memory_space<hbm>>
    %dma_wait3A_284 = arith.constant 0 : i32
    %dma_wait3A_285 = arith.constant 0 : i32
    %dma_wait3A_286 = tpu.memref_slice %arg17[%dma_wait3A_272, %dma_wait3A_284, %dma_wait3A_285] : memref<2x64x120xf32, #tpu.memory_space<vmem>> -> memref<1x64x120xf32, #tpu.memory_space<vmem>>
    %dma_wait3A_287 = tpu.memref_squeeze %dma_wait3A_286 : memref<1x64x120xf32, #tpu.memory_space<vmem>> -> memref<64x120xf32, #tpu.memory_space<vmem>>
    tpu.wait_dma2 semaphore(%dma_wait3A_281 : memref<!tpu.dma_semaphore, #tpu.memory_space<semaphore_mem>>) src(%dma_wait3A_287 : memref<64x120xf32, #tpu.memory_space<vmem>>) dst(%dma_wait3A_283 : memref<64x120xf32, #tpu.memory_space<hbm>>)
    %add3A_288 = arith.constant 25536 : i32
    %add3A_289 = arith.addi %mul3A_2, %add3A_288 : i32
    %dma_wait3A_290 = arith.constant 1 : i32
    %dma_wait3A_291 = arith.constant 1 : i32
    %dma_wait3A_292 = arith.constant 0 : i32
    %dma_wait3A_293 = arith.constant 0 : i32
    %dma_wait3A_294 = tpu.memref_slice %arg18[%dma_wait3A_290, %dma_wait3A_292, %dma_wait3A_293] : memref<2x64x120xf32, #tpu.memory_space<vmem>> -> memref<1x64x120xf32, #tpu.memory_space<vmem>>
    %dma_wait3A_295 = tpu.memref_squeeze %dma_wait3A_294 : memref<1x64x120xf32, #tpu.memory_space<vmem>> -> memref<64x120xf32, #tpu.memory_space<vmem>>
    %dma_wait3A_296 = arith.constant 0 : i32
    %dma_wait3A_297 = tpu.memref_slice %arg11[%add3A_289, %dma_wait3A_296] : memref<819200x128xf32, #tpu.memory_space<hbm>> -> memref<64x120xf32, #tpu.memory_space<hbm>>
    %dma_wait3A_298 = tpu.memref_slice %arg22[%dma_wait3A_291] : memref<2x!tpu.dma_semaphore, #tpu.memory_space<semaphore_mem>> -> memref<1x!tpu.dma_semaphore, #tpu.memory_space<semaphore_mem>>
    %dma_wait3A_299 = tpu.memref_squeeze %dma_wait3A_298 : memref<1x!tpu.dma_semaphore, #tpu.memory_space<semaphore_mem>> -> memref<!tpu.dma_semaphore, #tpu.memory_space<semaphore_mem>>
    %dma_wait3A_300 = arith.constant 0 : i32
    %dma_wait3A_301 = tpu.memref_slice %arg11[%add3A_289, %dma_wait3A_300] : memref<819200x128xf32, #tpu.memory_space<hbm>> -> memref<64x120xf32, #tpu.memory_space<hbm>>
    %dma_wait3A_302 = arith.constant 0 : i32
    %dma_wait3A_303 = arith.constant 0 : i32
    %dma_wait3A_304 = tpu.memref_slice %arg18[%dma_wait3A_290, %dma_wait3A_302, %dma_wait3A_303] : memref<2x64x120xf32, #tpu.memory_space<vmem>> -> memref<1x64x120xf32, #tpu.memory_space<vmem>>
    %dma_wait3A_305 = tpu.memref_squeeze %dma_wait3A_304 : memref<1x64x120xf32, #tpu.memory_space<vmem>> -> memref<64x120xf32, #tpu.memory_space<vmem>>
    tpu.wait_dma2 semaphore(%dma_wait3A_299 : memref<!tpu.dma_semaphore, #tpu.memory_space<semaphore_mem>>) src(%dma_wait3A_305 : memref<64x120xf32, #tpu.memory_space<vmem>>) dst(%dma_wait3A_301 : memref<64x120xf32, #tpu.memory_space<hbm>>)
    %add3A_306 = arith.constant 25536 : i32
    %add3A_307 = arith.addi %mul3A_2, %add3A_306 : i32
    %dma_wait3A_308 = arith.constant 1 : i32
    %dma_wait3A_309 = arith.constant 1 : i32
    %dma_wait3A_310 = arith.constant 0 : i32
    %dma_wait3A_311 = arith.constant 0 : i32
    %dma_wait3A_312 = tpu.memref_slice %arg19[%dma_wait3A_308, %dma_wait3A_310, %dma_wait3A_311] : memref<2x64x104xf32, #tpu.memory_space<vmem>> -> memref<1x64x104xf32, #tpu.memory_space<vmem>>
    %dma_wait3A_313 = tpu.memref_squeeze %dma_wait3A_312 : memref<1x64x104xf32, #tpu.memory_space<vmem>> -> memref<64x104xf32, #tpu.memory_space<vmem>>
    %dma_wait3A_314 = arith.constant 0 : i32
    %dma_wait3A_315 = tpu.memref_slice %arg12[%add3A_307, %dma_wait3A_314] : memref<819200x128xf32, #tpu.memory_space<hbm>> -> memref<64x104xf32, #tpu.memory_space<hbm>>
    %dma_wait3A_316 = tpu.memref_slice %arg22[%dma_wait3A_309] : memref<2x!tpu.dma_semaphore, #tpu.memory_space<semaphore_mem>> -> memref<1x!tpu.dma_semaphore, #tpu.memory_space<semaphore_mem>>
    %dma_wait3A_317 = tpu.memref_squeeze %dma_wait3A_316 : memref<1x!tpu.dma_semaphore, #tpu.memory_space<semaphore_mem>> -> memref<!tpu.dma_semaphore, #tpu.memory_space<semaphore_mem>>
    %dma_wait3A_318 = arith.constant 0 : i32
    %dma_wait3A_319 = tpu.memref_slice %arg12[%add3A_307, %dma_wait3A_318] : memref<819200x128xf32, #tpu.memory_space<hbm>> -> memref<64x104xf32, #tpu.memory_space<hbm>>
    %dma_wait3A_320 = arith.constant 0 : i32
    %dma_wait3A_321 = arith.constant 0 : i32
    %dma_wait3A_322 = tpu.memref_slice %arg19[%dma_wait3A_308, %dma_wait3A_320, %dma_wait3A_321] : memref<2x64x104xf32, #tpu.memory_space<vmem>> -> memref<1x64x104xf32, #tpu.memory_space<vmem>>
    %dma_wait3A_323 = tpu.memref_squeeze %dma_wait3A_322 : memref<1x64x104xf32, #tpu.memory_space<vmem>> -> memref<64x104xf32, #tpu.memory_space<vmem>>
    tpu.wait_dma2 semaphore(%dma_wait3A_317 : memref<!tpu.dma_semaphore, #tpu.memory_space<semaphore_mem>>) src(%dma_wait3A_323 : memref<64x104xf32, #tpu.memory_space<vmem>>) dst(%dma_wait3A_319 : memref<64x104xf32, #tpu.memory_space<hbm>>)
    return
  }
}

module attributes {stable_mosaic.version = 14 : i64} {
  func.func @_tc_body(%arg0: i32, %arg1: memref<1x1x1024xi32, #tpu.memory_space<vmem>>, %arg2: memref<8x1024xf32, #tpu.memory_space<vmem>>, %arg3: memref<1024x128xf32, #tpu.memory_space<vmem>>, %arg4: memref<1024x128xf32, #tpu.memory_space<vmem>>, %arg5: memref<1024x128xf32, #tpu.memory_space<vmem>>, %arg6: memref<1024x128xf32, #tpu.memory_space<vmem>>, %arg7: memref<1024x128xf32, #tpu.memory_space<vmem>>, %arg8: memref<8x64xbf16, #tpu.memory_space<vmem>>, %arg9: memref<128x192xbf16, #tpu.memory_space<vmem>>, %arg10: memref<64x192xbf16, #tpu.memory_space<vmem>>, %arg11: memref<120x192xbf16, #tpu.memory_space<vmem>>, %arg12: memref<120x192xbf16, #tpu.memory_space<vmem>>, %arg13: memref<104x192xbf16, #tpu.memory_space<vmem>>, %arg14: memref<64x192xbf16, #tpu.memory_space<vmem>>, %arg15: memref<8x192xf32, #tpu.memory_space<vmem>>, %arg16: memref<1024x192xf32, #tpu.memory_space<vmem>>) attributes {dimension_semantics = [#tpu.dimension_semantics<arbitrary>], iteration_bounds = array<i64: 800>, scalar_prefetch = 0 : i64, scratch_operands = 0 : i64, tpu.core_type = #tpu.core_type<tc>, window_params = [{transform_indices = @transform_0, window_bounds = array<i64: 1, 1, 1024>}, {transform_indices = @transform_1, window_bounds = array<i64: 8, 1024>}, {transform_indices = @transform_2, window_bounds = array<i64: 1024, 128>}, {transform_indices = @transform_3, window_bounds = array<i64: 1024, 128>}, {transform_indices = @transform_4, window_bounds = array<i64: 1024, 128>}, {transform_indices = @transform_5, window_bounds = array<i64: 1024, 128>}, {transform_indices = @transform_6, window_bounds = array<i64: 1024, 128>}, {pipeline_mode = #tpu.pipeline_mode<synchronous>, transform_indices = @transform_7, window_bounds = array<i64: 8, 64>}, {pipeline_mode = #tpu.pipeline_mode<synchronous>, transform_indices = @transform_8, window_bounds = array<i64: 128, 192>}, {pipeline_mode = #tpu.pipeline_mode<synchronous>, transform_indices = @transform_9, window_bounds = array<i64: 64, 192>}, {pipeline_mode = #tpu.pipeline_mode<synchronous>, transform_indices = @transform_10, window_bounds = array<i64: 120, 192>}, {pipeline_mode = #tpu.pipeline_mode<synchronous>, transform_indices = @transform_11, window_bounds = array<i64: 120, 192>}, {pipeline_mode = #tpu.pipeline_mode<synchronous>, transform_indices = @transform_12, window_bounds = array<i64: 104, 192>}, {pipeline_mode = #tpu.pipeline_mode<synchronous>, transform_indices = @transform_13, window_bounds = array<i64: 64, 192>}, {pipeline_mode = #tpu.pipeline_mode<synchronous>, transform_indices = @transform_14, window_bounds = array<i64: 8, 192>}, {transform_indices = @transform_15, window_bounds = array<i64: 1024, 192>}]} {
    %get3A = arith.constant 0 : index
    %get3A_0 = arith.constant 0 : index
    %get3A_1 = vector.load %arg3[%get3A, %get3A_0] : memref<1024x128xf32, #tpu.memory_space<vmem>>, vector<1024x128xf32>
    %convert_element_type3A = arith.truncf %get3A_1 : vector<1024x128xf32> to vector<1024x128xbf16>
    %get3A_2 = arith.constant 0 : index
    %get3A_3 = arith.constant 0 : index
    %get3A_4 = vector.load %arg9[%get3A_2, %get3A_3] : memref<128x192xbf16, #tpu.memory_space<vmem>>, vector<128x192xbf16>
    %dot_general3A = arith.constant dense<0.000000e+00> : vector<1024x192xf32>
    %dot_general3A_5 = tpu.matmul %convert_element_type3A, %get3A_4, %dot_general3A {dimension_numbers = #tpu.dot_dimension_numbers<[1], [0], [0], [1], [0, 0, 1, 1], [], []>, transpose_lhs_hint = false} : vector<1024x128xbf16>, vector<128x192xbf16>, vector<1024x192xf32> -> vector<1024x192xf32>
    %get3A_6 = arith.constant 0 : index
    %get3A_7 = arith.constant 0 : index
    %get3A_8 = vector.load %arg4[%get3A_6, %get3A_7] : memref<1024x128xf32, #tpu.memory_space<vmem>>, vector<1024x64xf32>
    %convert_element_type3A_9 = arith.truncf %get3A_8 : vector<1024x64xf32> to vector<1024x64xbf16>
    %get3A_10 = arith.constant 0 : index
    %get3A_11 = arith.constant 0 : index
    %get3A_12 = vector.load %arg10[%get3A_10, %get3A_11] : memref<64x192xbf16, #tpu.memory_space<vmem>>, vector<64x192xbf16>
    %dot_general3A_13 = arith.constant dense<0.000000e+00> : vector<1024x192xf32>
    %dot_general3A_14 = tpu.matmul %convert_element_type3A_9, %get3A_12, %dot_general3A_13 {dimension_numbers = #tpu.dot_dimension_numbers<[1], [0], [0], [1], [0, 0, 1, 1], [], []>, transpose_lhs_hint = false} : vector<1024x64xbf16>, vector<64x192xbf16>, vector<1024x192xf32> -> vector<1024x192xf32>
    %add3A = arith.addf %dot_general3A_5, %dot_general3A_14 : vector<1024x192xf32>
    %get3A_15 = arith.constant 0 : index
    %get3A_16 = arith.constant 0 : index
    %get3A_17 = vector.load %arg5[%get3A_15, %get3A_16] : memref<1024x128xf32, #tpu.memory_space<vmem>>, vector<1024x120xf32>
    %convert_element_type3A_18 = arith.truncf %get3A_17 : vector<1024x120xf32> to vector<1024x120xbf16>
    %get3A_19 = arith.constant 0 : index
    %get3A_20 = arith.constant 0 : index
    %get3A_21 = vector.load %arg11[%get3A_19, %get3A_20] : memref<120x192xbf16, #tpu.memory_space<vmem>>, vector<120x192xbf16>
    %dot_general3A_22 = arith.constant dense<0.000000e+00> : vector<1024x192xf32>
    %dot_general3A_23 = tpu.matmul %convert_element_type3A_18, %get3A_21, %dot_general3A_22 {dimension_numbers = #tpu.dot_dimension_numbers<[1], [0], [0], [1], [0, 0, 1, 1], [], []>, transpose_lhs_hint = false} : vector<1024x120xbf16>, vector<120x192xbf16>, vector<1024x192xf32> -> vector<1024x192xf32>
    %add3A_24 = arith.addf %add3A, %dot_general3A_23 : vector<1024x192xf32>
    %get3A_25 = arith.constant 0 : index
    %get3A_26 = arith.constant 0 : index
    %get3A_27 = vector.load %arg6[%get3A_25, %get3A_26] : memref<1024x128xf32, #tpu.memory_space<vmem>>, vector<1024x120xf32>
    %convert_element_type3A_28 = arith.truncf %get3A_27 : vector<1024x120xf32> to vector<1024x120xbf16>
    %get3A_29 = arith.constant 0 : index
    %get3A_30 = arith.constant 0 : index
    %get3A_31 = vector.load %arg12[%get3A_29, %get3A_30] : memref<120x192xbf16, #tpu.memory_space<vmem>>, vector<120x192xbf16>
    %dot_general3A_32 = arith.constant dense<0.000000e+00> : vector<1024x192xf32>
    %dot_general3A_33 = tpu.matmul %convert_element_type3A_28, %get3A_31, %dot_general3A_32 {dimension_numbers = #tpu.dot_dimension_numbers<[1], [0], [0], [1], [0, 0, 1, 1], [], []>, transpose_lhs_hint = false} : vector<1024x120xbf16>, vector<120x192xbf16>, vector<1024x192xf32> -> vector<1024x192xf32>
    %add3A_34 = arith.addf %add3A_24, %dot_general3A_33 : vector<1024x192xf32>
    %get3A_35 = arith.constant 0 : index
    %get3A_36 = arith.constant 0 : index
    %get3A_37 = vector.load %arg7[%get3A_35, %get3A_36] : memref<1024x128xf32, #tpu.memory_space<vmem>>, vector<1024x104xf32>
    %convert_element_type3A_38 = arith.truncf %get3A_37 : vector<1024x104xf32> to vector<1024x104xbf16>
    %get3A_39 = arith.constant 0 : index
    %get3A_40 = arith.constant 0 : index
    %get3A_41 = vector.load %arg13[%get3A_39, %get3A_40] : memref<104x192xbf16, #tpu.memory_space<vmem>>, vector<104x192xbf16>
    %dot_general3A_42 = arith.constant dense<0.000000e+00> : vector<1024x192xf32>
    %dot_general3A_43 = tpu.matmul %convert_element_type3A_38, %get3A_41, %dot_general3A_42 {dimension_numbers = #tpu.dot_dimension_numbers<[1], [0], [0], [1], [0, 0, 1, 1], [], []>, transpose_lhs_hint = false} : vector<1024x104xbf16>, vector<104x192xbf16>, vector<1024x192xf32> -> vector<1024x192xf32>
    %add3A_44 = arith.addf %add3A_34, %dot_general3A_43 : vector<1024x192xf32>
    %get3A_45 = arith.constant 0 : index
    %get3A_46 = arith.constant 0 : index
    %get3A_47 = arith.constant 0 : index
    %get3A_48 = vector.load %arg1[%get3A_45, %get3A_46, %get3A_47] : memref<1x1x1024xi32, #tpu.memory_space<vmem>>, vector<1x1x1024xi32>
    %get3A_49 = vector.shape_cast %get3A_48 : vector<1x1x1024xi32> to vector<1024xi32>
    %broadcast_in_dim3A = vector.shape_cast %get3A_49 : vector<1024xi32> to vector<1024x1xi32>
    %iota3A = tpu.iota {dimensions = array<i32: 1>} : vector<1024x8xi32>
    %eq3A = vector.broadcast %broadcast_in_dim3A : vector<1024x1xi32> to vector<1024x8xi32>
    %eq3A_50 = arith.cmpi eq, %eq3A, %iota3A : vector<1024x8xi32>
    %convert_element_type3A_51 = arith.extui %eq3A_50 : vector<1024x8xi1> to vector<1024x8xi32>
    %convert_element_type3A_52 = arith.sitofp %convert_element_type3A_51 : vector<1024x8xi32> to vector<1024x8xf32>
    %convert_element_type3A_53 = arith.truncf %convert_element_type3A_52 : vector<1024x8xf32> to vector<1024x8xbf16>
    %get3A_54 = arith.constant 0 : index
    %get3A_55 = arith.constant 0 : index
    %get3A_56 = vector.load %arg8[%get3A_54, %get3A_55] : memref<8x64xbf16, #tpu.memory_space<vmem>>, vector<8x64xbf16>
    %dot_general3A_57 = arith.constant dense<0.000000e+00> : vector<1024x64xf32>
    %dot_general3A_58 = tpu.matmul %convert_element_type3A_53, %get3A_56, %dot_general3A_57 {dimension_numbers = #tpu.dot_dimension_numbers<[1], [0], [0], [1], [0, 0, 1, 1], [], []>, transpose_lhs_hint = false} : vector<1024x8xbf16>, vector<8x64xbf16>, vector<1024x64xf32> -> vector<1024x64xf32>
    %convert_element_type3A_59 = arith.truncf %dot_general3A_58 : vector<1024x64xf32> to vector<1024x64xbf16>
    %get3A_60 = arith.constant 0 : index
    %get3A_61 = arith.constant 0 : index
    %get3A_62 = vector.load %arg14[%get3A_60, %get3A_61] : memref<64x192xbf16, #tpu.memory_space<vmem>>, vector<64x192xbf16>
    %dot_general3A_63 = arith.constant dense<0.000000e+00> : vector<1024x192xf32>
    %dot_general3A_64 = tpu.matmul %convert_element_type3A_59, %get3A_62, %dot_general3A_63 {dimension_numbers = #tpu.dot_dimension_numbers<[1], [0], [0], [1], [0, 0, 1, 1], [], []>, transpose_lhs_hint = false} : vector<1024x64xbf16>, vector<64x192xbf16>, vector<1024x192xf32> -> vector<1024x192xf32>
    %add3A_65 = arith.addf %add3A_44, %dot_general3A_64 : vector<1024x192xf32>
    %get3A_66 = arith.constant 0 : index
    %get3A_67 = arith.constant 0 : index
    %get3A_68 = vector.load %arg2[%get3A_66, %get3A_67] : memref<8x1024xf32, #tpu.memory_space<vmem>>, vector<8x1024xf32>
    %get3A_69 = arith.constant 0 : index
    %get3A_70 = arith.constant 0 : index
    %get3A_71 = vector.load %arg15[%get3A_69, %get3A_70] : memref<8x192xf32, #tpu.memory_space<vmem>>, vector<8x192xf32>
    %dot_general3A_72 = arith.constant dense<0.000000e+00> : vector<1024x192xf32>
    %dot_general3A_73 = tpu.matmul %get3A_68, %get3A_71, %dot_general3A_72 {dimension_numbers = #tpu.dot_dimension_numbers<[0], [0], [1], [1], [0, 1, 1, 1], [], []>, transpose_lhs_hint = false} : vector<8x1024xf32>, vector<8x192xf32>, vector<1024x192xf32> -> vector<1024x192xf32>
    %add3A_74 = arith.addf %add3A_65, %dot_general3A_73 : vector<1024x192xf32>
    %swap3A = arith.constant 0 : index
    %swap3A_75 = arith.constant 0 : index
    %swap3A_76 = vector.load %arg16[%swap3A, %swap3A_75] : memref<1024x192xf32, #tpu.memory_space<vmem>>, vector<1024x192xf32>
    tpu.vector_store %arg16[%swap3A, %swap3A_75], %add3A_74 {strides = array<i32>} : memref<1024x192xf32, #tpu.memory_space<vmem>>, vector<1024x192xf32>,
    return
  }
  func.func @transform_0(%arg0: i32) -> (i32, i32, i32) {
    %c0_i32 = arith.constant 0 : i32
    %c0_i32_0 = arith.constant 0 : i32
    %c0_i32_1 = arith.constant 0 : i32
    return %arg0, %c0_i32, %c0_i32_0 : i32, i32, i32
  }
  func.func @transform_1(%arg0: i32) -> (i32, i32) {
    %c0_i32 = arith.constant 0 : i32
    %c0_i32_0 = arith.constant 0 : i32
    return %c0_i32, %arg0 : i32, i32
  }
  func.func @transform_2(%arg0: i32) -> (i32, i32) {
    %c0_i32 = arith.constant 0 : i32
    %c0_i32_0 = arith.constant 0 : i32
    return %arg0, %c0_i32 : i32, i32
  }
  func.func @transform_3(%arg0: i32) -> (i32, i32) {
    %c0_i32 = arith.constant 0 : i32
    %c0_i32_0 = arith.constant 0 : i32
    return %arg0, %c0_i32 : i32, i32
  }
  func.func @transform_4(%arg0: i32) -> (i32, i32) {
    %c0_i32 = arith.constant 0 : i32
    %c0_i32_0 = arith.constant 0 : i32
    return %arg0, %c0_i32 : i32, i32
  }
  func.func @transform_5(%arg0: i32) -> (i32, i32) {
    %c0_i32 = arith.constant 0 : i32
    %c0_i32_0 = arith.constant 0 : i32
    return %arg0, %c0_i32 : i32, i32
  }
  func.func @transform_6(%arg0: i32) -> (i32, i32) {
    %c0_i32 = arith.constant 0 : i32
    %c0_i32_0 = arith.constant 0 : i32
    return %arg0, %c0_i32 : i32, i32
  }
  func.func @transform_7(%arg0: i32) -> (i32, i32) {
    %c0_i32 = arith.constant 0 : i32
    %c0_i32_0 = arith.constant 0 : i32
    %c0_i32_1 = arith.constant 0 : i32
    return %c0_i32, %c0_i32_0 : i32, i32
  }
  func.func @transform_8(%arg0: i32) -> (i32, i32) {
    %c0_i32 = arith.constant 0 : i32
    %c0_i32_0 = arith.constant 0 : i32
    %c0_i32_1 = arith.constant 0 : i32
    return %c0_i32, %c0_i32_0 : i32, i32
  }
  func.func @transform_9(%arg0: i32) -> (i32, i32) {
    %c0_i32 = arith.constant 0 : i32
    %c0_i32_0 = arith.constant 0 : i32
    %c0_i32_1 = arith.constant 0 : i32
    return %c0_i32, %c0_i32_0 : i32, i32
  }
  func.func @transform_10(%arg0: i32) -> (i32, i32) {
    %c0_i32 = arith.constant 0 : i32
    %c0_i32_0 = arith.constant 0 : i32
    %c0_i32_1 = arith.constant 0 : i32
    return %c0_i32, %c0_i32_0 : i32, i32
  }
  func.func @transform_11(%arg0: i32) -> (i32, i32) {
    %c0_i32 = arith.constant 0 : i32
    %c0_i32_0 = arith.constant 0 : i32
    %c0_i32_1 = arith.constant 0 : i32
    return %c0_i32, %c0_i32_0 : i32, i32
  }
  func.func @transform_12(%arg0: i32) -> (i32, i32) {
    %c0_i32 = arith.constant 0 : i32
    %c0_i32_0 = arith.constant 0 : i32
    %c0_i32_1 = arith.constant 0 : i32
    return %c0_i32, %c0_i32_0 : i32, i32
  }
  func.func @transform_13(%arg0: i32) -> (i32, i32) {
    %c0_i32 = arith.constant 0 : i32
    %c0_i32_0 = arith.constant 0 : i32
    %c0_i32_1 = arith.constant 0 : i32
    return %c0_i32, %c0_i32_0 : i32, i32
  }
  func.func @transform_14(%arg0: i32) -> (i32, i32) {
    %c0_i32 = arith.constant 0 : i32
    %c0_i32_0 = arith.constant 0 : i32
    %c0_i32_1 = arith.constant 0 : i32
    return %c0_i32, %c0_i32_0 : i32, i32
  }
  func.func @transform_15(%arg0: i32) -> (i32, i32) {
    %c0_i32 = arith.constant 0 : i32
    %c0_i32_0 = arith.constant 0 : i32
    return %arg0, %c0_i32 : i32, i32
  }
}

</mosaic_0001>

<sc_bundles>
// kernel: kernel.4.cloned.1.call-start
scs
__scs_entry_jumppad:
0x0: {  	(pc) =	sbr.rel $0x88, $3  }
0x1: {  	(tag) =	ssettag $0x0;
	lr =	simm.s32 $0x1  }
0x2: {  	[smem:$0x3F8B] =	sst lr;
	_ =	strace $0xD0000000  }
0x3: {  	_ = 	snop  }
0x4: {  	_ = 	snop  }
0x5: {  	_ = 	snop  }
0x6: {  	_ = 	snop  }
0x7: {  	_ = 	snop  }
__scs_overlays_trampoline_lowered:
0x8: {  	[smem:$0x3F9A] =	sst s0  }
0x9: {  	[smem:$0x3F9B] =	sst s1  }
0xa: {  	[smem:$0x3F9C] =	sst s2  }
0xb: {  	[smem:$0x3F9D] =	sst s3  }
0xc: {  	[smem:$0x3F9E] =	sst s4  }
0xd: {  	[smem:$0x3F9F] =	sst s5  }
0xe: {  	[smem:$0x3FA0] =	sst s6  }
0xf: {  	[smem:$0x3FA1] =	sst s7  }
0x10: {  	[smem:$0x3FA2] =	sst s8  }
0x11: {  	[smem:$0x3FA3] =	sst s9;
	s0 =	simm.s32 @!p0 $0x0  }
0x12: {  	s1 =	sld [smem:$0x3F89];
	s0 =	simm.s32 @p0 $0x1  }
0x13: {  	[smem:$0x3FA4] =	sst s0;
	s0 =	simm.s32 @!p1 $0x0  }
0x14: {  	s2 =	sld [smem:$0x3F88];
	s0 =	simm.s32 @p1 $0x1  }
0x15: {  	[smem:$0x3FA5] =	sst s0;
	s0 =	simm.s32 @!p2 $0x0  }
0x16: {  	s3 =	sld [smem:$0x3FDB];
	s0 =	simm.s32 @p2 $0x1  }
0x17: {  	s4 =	simm.s32 $0x1BF5;
	[smem:$0x3FA7] =	sst s0  }
0x18: {  	s0 =	sld [smem:$0x3F8A];
	_ =	swait.ge [sflag:s4], $0x0  }
0x19: {  	s7 =	sld [smem:$0x3F8B]  }
0x1a: {  	s8 =	sadd.s32 $0xFFFFE003, lr  }
0x1b: {  	s9 =	sadd.s32 $0xFFFFFEF7, lr;
	s5 =	simm.s32 $0xFFFFFFFF;
	p2 =	slt.u32 s8, $0xFFFFF086  }
0x1c: {  	p1 =	slt.u32 s9, $0xF7A;
	s5 =	simm.s32 @!p2 $0x0  }
0x1d: {  	s5 =	simm.s32 @p1 $0x1;
	p0 =	seq.s32 s7, s2  }
0x1e: {  	s7 =	smul.u32 @!p0 $0xF7A, s2;
	p2 =	seq.s32 @!p0 s5, $0x0  }
0x1f: {  	s9 =	smul.u32 $0xF7A, s1;
	s8 =	simm.s32 @!p0 $0x1BF5;
	p2 =	por !p2, p0  }
0x20: {  	[sflag:s8] =	ssyncset.s32 @!p0 $0xFFFFF086;
	s6 =	sadd.s32 @!p0 s3, s7;
	s7 =	simm.s32 @!p0 $0x108  }
0x21: {  	s3 =	sadd.s32 s3, s9;
	s6 =	sadd.s32 @!p0 $0x88, s6;
	s7 =	simm.s32 @p2 $0x1082  }
0x22: {  	[simem:s7], [sflag:s8] =	dma.local @!p0 [hbm:s6], $0xF7A  }
0x23: {  	s9 =	sor.u32 $0xD0000000, s2;
	s6 =	simm.s32 $0x108;
	_ =	swait.ge @!p0 [sflag:s8], $0x0  }
0x24: {  	s3 =	sadd.s32 $0x88, s3;
	s6 =	simm.s32 @!p1 $0x1082;
	[sflag:s4] =	ssyncset.s32 $0xFFFFF086  }
0x25: {  	[simem:s6], [sflag:s4] =	dma.local [hbm:s3], $0xF7A  }
0x26: {  	[smem:$0x3F8B] =	sst s1;
	(tag) =	ssettag s2;
	_ =	strace s9  }
0x27: {  	s1 =	sld [smem:$0x3F9B]  }
0x28: {  	s2 =	sld [smem:$0x3F9C]  }
0x29: {  	s4 =	sld [smem:$0x3F9E]  }
0x2a: {  	p0 =	seq.s32 s5, $0x0;
	s5 =	sld [smem:$0x3F9F]  }
0x2b: {  	s6 =	sld [smem:$0x3FA0]  }
0x2c: {  	s7 =	sld [smem:$0x3FA1]  }
0x2d: {  	s3 =	simm.s32 $0x108;
	s8 =	sld [smem:$0x3FA2]  }
0x2e: {  	s3 =	simm.s32 @!p0 $0x1082;
	s9 =	sld [smem:$0x3FA3]  }
0x2f: {  	lr =	sadd.s32 s0, s3;
	s0 =	sld [smem:$0x3F9A]  }
0x30: {  	s3 =	sld [smem:$0x3F9D]  }
0x31: {  	[smem:$0x3FA6] =	sst s10  }
0x32: {  	s10 =	sld [smem:$0x3FA4];
	_ =	sdelay $0x3  }
0x33: {  	p0 =	seq.s32 s10, $0x1;
	s10 =	sld [smem:$0x3FA6];
	_ =	sdelay $0x3  }
0x34: {  	[smem:$0x3FA6] =	sst s10  }
0x35: {  	s10 =	sld [smem:$0x3FA5];
	_ =	sdelay $0x3  }
0x36: {  	p1 =	seq.s32 s10, $0x1;
	s10 =	sld [smem:$0x3FA6];
	_ =	sdelay $0x3  }
0x37: {  	[smem:$0x3FA6] =	sst s10  }
0x38: {  	s10 =	sld [smem:$0x3FA7]  }
0x39: {  	_ = 	snop;
	(pc) =	sbr.ind lr, $3  }
0x3a: {  	_ = 	snop  }
0x3b: {  	_ = 	snop  }
0x3c: {  	p2 =	seq.s32 s10, $0x1;
	s10 =	sld [smem:$0x3FA6]  }
0x3d: {  	_ =	shalt  }
0x3e: {  	_ =	shalt  }
0x3f: {  	_ =	shalt  }
0x40: {  	_ =	shalt  }
0x41: {  	_ =	shalt  }
0x42: {  	_ =	shalt  }
0x43: {  	_ =	shalt  }
0x44: {  	_ =	shalt  }
0x45: {  	_ =	shalt  }
0x46: {  	_ =	shalt  }
0x47: {  	_ =	shalt  }
0x48: {  	_ =	shalt  }
0x49: {  	_ =	shalt  }
0x4a: {  	_ =	shalt  }
0x4b: {  	_ =	shalt  }
0x4c: {  	_ =	shalt  }
0x4d: {  	_ =	shalt  }
0x4e: {  	_ =	shalt  }
0x4f: {  	_ =	shalt  }
0x50: {  	_ =	shalt  }
0x51: {  	_ =	shalt  }
0x52: {  	_ =	shalt  }
0x53: {  	_ =	shalt  }
0x54: {  	_ =	shalt  }
0x55: {  	_ =	shalt  }
0x56: {  	_ =	shalt  }
0x57: {  	_ =	shalt  }
0x58: {  	_ =	shalt  }
0x59: {  	_ =	shalt  }
0x5a: {  	_ =	shalt  }
0x5b: {  	_ =	shalt  }
0x5c: {  	_ =	shalt  }
0x5d: {  	_ =	shalt  }
0x5e: {  	_ =	shalt  }
0x5f: {  	_ =	shalt  }
0x60: {  	_ =	shalt  }
0x61: {  	_ =	shalt  }
0x62: {  	_ =	shalt  }
0x63: {  	_ =	shalt  }
0x64: {  	_ =	shalt  }
0x65: {  	_ =	shalt  }
0x66: {  	_ =	shalt  }
0x67: {  	_ =	shalt  }
0x68: {  	_ =	shalt  }
0x69: {  	_ =	shalt  }
0x6a: {  	_ =	shalt  }
0x6b: {  	_ =	shalt  }
0x6c: {  	_ =	shalt  }
0x6d: {  	_ =	shalt  }
0x6e: {  	_ =	shalt  }
0x6f: {  	_ =	shalt  }
0x70: {  	_ =	shalt  }
0x71: {  	_ =	shalt  }
0x72: {  	_ =	shalt  }
0x73: {  	_ =	shalt  }
0x74: {  	_ =	shalt  }
0x75: {  	_ =	shalt  }
0x76: {  	_ =	shalt  }
0x77: {  	_ =	shalt  }
0x78: {  	_ =	shalt  }
0x79: {  	_ =	shalt  }
0x7a: {  	_ =	shalt  }
0x7b: {  	_ =	shalt  }
0x7c: {  	_ =	shalt  }
0x7d: {  	_ =	shalt  }
0x7e: {  	_ =	shalt  }
0x7f: {  	_ =	shalt  }
0x80: {  	_ =	shalt  }
0x81: {  	_ =	shalt  }
0x82: {  	_ =	shalt  }
0x83: {  	_ =	shalt  }
0x84: {  	_ =	shalt  }
0x85: {  	_ =	shalt  }
0x86: {  	_ =	shalt  }
0x87: {  	_ =	shalt  }
.Lfunc_end0:
.L_simem_size_0:
called_computation.1_lowered:
.L_overlay_start_0:
0x88: {  	s2 =	sld [smem:$0x3FD9]  }
0x89: {  	s3 =	sld [smem:$0x3FFE];
	_ =	sdelay $0x1  }
0x8a: {  	s1 =	srdreg.scid  }
0x8b: {  	s0 =	sand.u32 $0x1, s1  }
0x8c: {  	s14 =	sshll.u32 s0, $0xA;
	s2 =	sadd.s32 s3, s2  }
0x8d: {  	s2 =	sadd.s32 s2, s14  }
0x8e: {  	[smem:$0x3FB2] =	sst s2  }
0x8f: {  	_ = 	snop  }
0x90: {  	s2 =	sld [smem:$0x3FD0];
	_ =	sdelay $0x2  }
0x91: {  	s15 =	simm.s32 $0xA;
	s4 =	simm.s32 $0x10  }
0x92: {  	[smem:s4], [sflag:s15] =	dma.local [hbm:s2], $0x1  }
0x93: {  	_ =	swait.eq [sflag:s15], $0x1  }
0x94: {  	[sflag:s15] =	ssyncset.done $0x0  }
0x95: {  	[sflag:s15] =	ssyncadd.s32 $0xFFFFFFFF  }
0x96: {  	s16 =	sld [smem:$0x10];
	(tm) =	ssettm $0x1  }
0x97: {  	s17 =	sld [smem:$0x3FFB];
	_ =	sdelay $0x3  }
0x98: {  	_ =	strace s17  }
0x99: {  	s3 =	sld [smem:$0x3FFC];
	_ =	sdelay $0x3  }
0x9a: {  	_ =	strace s3  }
0x9b: {  	s3 =	sld [smem:$0x3FFD];
	_ =	sdelay $0x3  }
0x9c: {  	_ =	strace s3  }
0x9d: {  	_ =	strace $0x8FFFFFFF  }
0x9e: {  	s18 =	sld [smem:$0x3FDB];
	_ =	sdelay $0x1  }
0x9f: {  	s19 =	simm.s32 $_scs_section_size  }
0xa0: {  	s5 =	simm.s32 $_size__tile_overlayer_lowered;
	s6 =	simm.s32 $_tile_overlayer_lowered  }
0xa1: {  	s22 =	simm.s32 $0x1BFF;
	s21 =	sshll.u32 s6, $0x1;
	s3 =	sadd.s32 s19, s18  }
0xa2: {  	s7 =	simm.s32 $0x0;
	s20 =	sshll.u32 s5, $0x1;
	s5 =	sadd.s32 s21, s3  }
0xa3: {  	[timem:s7], [sflag:s22] =	dma.local [hbm:s5], s20  }
0xa4: {  	_ =	swait.ge [sflag:s22], s20  }
0xa5: {  	s4 =	ssub.s32 $0x0, s20;
	[sflag:s22] =	ssyncset.done $0x0  }
0xa6: {  	[sflag:s22] =	ssyncadd.s32 s4;
	_ =	sdelay $0x1  }
0xa7: {  	s23 =	simm.s32 $0x1B8B  }
0xa8: {  	_ =	swait.ge [sflag:s23], $0x1  }
0xa9: {  	[sflag:s23] =	ssyncset.done $0x0  }
0xaa: {  	s25 =	simm.s32 $0x1B8E;
	s24 =	sld [smem:$0x3FFE];
	[sflag:s23] =	ssyncadd.s32 $0xFFFFFFFF  }
0xab: {  	s26 =	simm.s32 $execute0_lowered;
	[smem:$0x3FD2] =	sst s25  }
0xac: {  	s5 =	sshll.u32 s26, $0x1;
	_ =	strace $0x80000046;
	[dreg:$0x1] =	wrdreg $0xFFFFFFFF  }
0xad: {  	s28 =	simm.s32 $_size_execute0_lowered;
	s3 =	sadd.s32 s3, s5;
	[dreg:$0x0] =	wrdreg $0x0  }
0xae: {  	s5 =	sshll.u32 s28, $0x1;
	[dreg:$0x2] =	wrdreg s3  }
0xaf: {  	[dreg:$0x3] =	wrdreg s5  }
0xb0: {  	[dreg:$0x4] =	wrdreg $0xC0  }
0xb1: {  	_ =	task [dreg:s7], $0x5FFFF  }
0xb2: {  	[dreg:$0x1] =	wrdreg $0xFFFFFFFF  }
0xb3: {  	[dreg:$0x0] =	wrdreg $0x60  }
0xb4: {  	[dreg:$0x2] =	wrdreg s24  }
0xb5: {  	[dreg:$0x3] =	wrdreg s16  }
0xb6: {  	[dreg:$0x4] =	wrdreg $0x9  }
0xb7: {  	_ =	task.clear_ibuf [dreg:s7], $0x5FFFF;
	_ =	strace $0x90000046  }
0xb8: {  	s29 =	simm.s32 $0x9;
	_ =	strace $0x80000048  }
0xb9: {  	_ =	swait.ge [sflag:s29], $0x1  }
0xba: {  	[sflag:s29] =	ssyncadd.s32 $0xFFFFFFFF  }
0xbb: {  	_ =	strace $0x90000048  }
0xbc: {  	_ =	sfence  }
0xbd: {  	s30 =	sld [smem:$0x0];
	_ =	sdelay $0x2  }
0xbe: {  	s31 =	sshll.u32 s1, $0xD;
	s1 =	sshrl.u32 s1, $0x2  }
0xbf: {  	s3 =	sand.u32 $0x4000, s31;
	s1 =	sadd.s32 s1, s30  }
0xc0: {  	s0 =	sor.u32 s3, s0;
	s1 =	sshll.u32 s1, $0x11  }
0xc1: {  	s0 =	sor.u32 s1, s0  }
0xc2: {  	s0 =	sadd.s32 $0x8F2B, s0  }
0xc3: {  	[sflag:s0] =	ssyncadd.remote.s32 $0x1  }
0xc4: {  	_ =	sfence.sel $0xFFFF  }
0xc5: {  	[dreg:$0x0] =	wrdreg $0xFFFFFFFF;
	(pc) =	sbr.abs _section_cstart, $3  }
0xc6: {  	[dreg:$0x1] =	wrdreg $0xFFFFFFFF  }
0xc7: {  	_ =	task.clear_ibuf [dreg:s7], $0x2FFFF;
	_ =	strace $0x9FFFFFFF  }
0xc8: {  	(tm) =	ssettm $0x7FFFFFFF  }
0xc9: {  	_ =	shalt  }
tec
execute0_lowered:
.L_overlay_start_1:
0x0: {  	(tag) =	ssettag $0x1  }
0x1: {  	s0 =	rddreg [dreg:$0x0]  }
0x2: {  	s2 =	rddreg [dreg:$0x1];
	s1 =	simm.s32 $0x0;
	s28 =	simm.s32 $0x1300  }
0x3: {  	s29 =	simm.s32 $0x3300;
	s30 =	simm.s32 $0x5300;
	s18 =	sadd.s32 $0x97DA00, s0  }
0x4: {  	s3 =	srdreg.scid;
	s4 =	sadd.s32 $0x8B3400, s0;
	s5 =	sadd.s32 $0x7EFE00, s0  }
0x5: {  	s17 =	stileid.u32;
	s6 =	sadd.s32 $0x976A00, s0;
	s8 =	sadd.s32 $0x97A600, s0  }
0x6: {  	s31 =	simm.s32 $0x8100;
	s10 =	sadd.s32 $0xA13A00, s0;
	s12 =	smul.u32 $0x640000, s17  }
0x7: {  	[smem:$0x7FF] =	sst s1;
	s13 =	sadd.s32 $0x1693A00, s0;
	s19 =	smul.u32 $0xC800, s17  }
0x8: {  	s3 =	sand.u32 $0x1, s3;
	s16 =	sadd.s32 $0x2313A00, s0;
	s25 =	smul.u32 $0xC8000, s17  }
0x9: {  	s7 =	sshll.u32 s17, $0x1;
	_ =	strace $0x80000047;
	s15 =	smul.u32 $0x320000, s3  }
0xa: {  	s9 =	sor.u32 s3, s7;
	s7 =	sadd.s32 $0x3A00, s0;
	s21 =	smul.u32 $0x6400, s3  }
0xb: {  	s11 =	ssub.s32 $0x2, s3;
	s0 =	sadd.s32 $0x2F93A00, s0;
	s9 =	smul.u32 $0x6400, s9  }
0xc: {  	[dreg:$0x3] =	wrdreg s18;
	s3 =	smul.u32 $0x64000, s3;
	s14 =	sshrl.u32 s11, $0x1  }
0xd: {  	s11 =	ssub.s32 s11, s14;
	s12 =	sadd.s32 s15, s12;
	s9 =	sshrl.u32 s9, $0x3  }
0xe: {  	s20 =	sshrl.u32 s12, $0x3;
	s11 =	smax.u32 s11, $0x1;
	s15 =	sadd.s32 s18, s9  }
0xf: {  	[dreg:$0x5] =	wrdreg s11;
	s22 =	sadd.s32 s20, s2;
	s23 =	sadd.s32 s20, s0  }
0x10: {  	s24 =	sadd.s32 s20, s16;
	s11 =	sadd.s32 s21, s19;
	[dreg:$0x6] =	wrdreg s22  }
0x11: {  	s26 =	sadd.s32 s20, s13;
	s9 =	sadd.s32 s20, s10;
	[dreg:$0x7] =	wrdreg s23  }
0x12: {  	s2 =	sadd.s32 s25, s2;
	s0 =	sadd.s32 s25, s0;
	[dreg:$0x8] =	wrdreg s24  }
0x13: {  	s18 =	sadd.s32 s25, s16;
	s13 =	sadd.s32 s25, s13;
	[dreg:$0x9] =	wrdreg s26  }
0x14: {  	s10 =	sadd.s32 s25, s10;
	[dreg:$0xa] =	wrdreg s9;
	s14 =	sor.u32 $0x80, s11  }
0x15: {  	s17 =	sadd.s32 $0x3E8080, s11;
	s19 =	sadd.s32 $0x320080, s11;
	s2 =	sadd.s32 s3, s2  }
0x16: {  	s0 =	sadd.s32 s3, s0;
	s21 =	sadd.s32 s3, s18;
	s22 =	sadd.s32 s3, s13  }
0x17: {  	s3 =	sadd.s32 s3, s10;
	s23 =	sadd.s32 $0x258080, s11;
	[dreg:$0x4] =	wrdreg s15  }
0x18: {  	s24 =	sadd.s32 $0x190080, s11;
	s9 =	sshrl.u32 s14, $0x3;
	[dreg:$0xe] =	wrdreg s2  }
0x19: {  	s26 =	sadd.s32 $0xC8080, s11;
	s20 =	sshrl.u32 s19, $0x3;
	[dreg:$0xb] =	wrdreg s9  }
0x1a: {  	s13 =	sor.u32 $0x40, s11;
	s10 =	sshrl.u32 s23, $0x3;
	[dreg:$0xd] =	wrdreg s20  }
0x1b: {  	s16 =	sadd.s32 $0x320040, s11;
	s25 =	sshrl.u32 s24, $0x3;
	[dreg:$0xf] =	wrdreg s10  }
0x1c: {  	s18 =	sadd.s32 $0x258040, s11;
	s0 =	sadd.s32 $0x400, s0;
	[dreg:$0x10] =	wrdreg s25  }
0x1d: {  	s2 =	sadd.s32 $0x400, s21;
	s12 =	sadd.s32 $0x400, s3;
	[dreg:$0x12] =	wrdreg s0  }
0x1e: {  	s14 =	sadd.s32 $0x3E8040, s11;
	s19 =	sadd.s32 $0x190040, s11;
	[dreg:$0x13] =	wrdreg s2  }
0x1f: {  	s23 =	sadd.s32 $0x32000, s15;
	s24 =	sadd.s32 $0x4B000, s15;
	[dreg:$0x15] =	wrdreg s12  }
0x20: {  	s3 =	simm.s32 $0x80;
	s9 =	sshrl.u32 s17, $0x3;
	[dreg:$0x1d] =	wrdreg s23  }
0x21: {  	s10 =	sshrl.u32 s26, $0x3;
	s0 =	sshrl.u32 s13, $0x3;
	[dreg:$0x1e] =	wrdreg s24  }
0x22: {  	s17 =	sshrl.u32 s16, $0x3;
	s20 =	sadd.s32 $0xC8040, s11;
	[dreg:$0xc] =	wrdreg s9  }
0x23: {  	s25 =	sadd.s32 $0x64000, s15;
	s26 =	sadd.s32 $0x7D000, s15;
	[dreg:$0x11] =	wrdreg s10  }
0x24: {  	s16 =	simm.s32 $0x1;
	s23 =	simm.s32 $0x3;
	[dreg:$0x16] =	wrdreg s0  }
0x25: {  	s24 =	simm.s32 $0x78;
	s2 =	simm.s32 $0xF500;
	[dreg:$0x18] =	wrdreg s17  }
0x26: {  	s11 =	simm.s32 $0x6;
	s13 =	simm.s32 $0x0;
	[dreg:$0x1f] =	wrdreg s25  }
0x27: {  	s10 =	sadd.s32 $0x400, s22;
	s0 =	sshrl.u32 s14, $0x3;
	[smem:$0x7FD] =	sst s26  }
0x28: {  	s21 =	sshrl.u32 s20, $0x3;
	s22 =	sadd.s32 $0x19000, s15;
	[dreg:$0x14] =	wrdreg s10  }
0x29: {  	s9 =	simm.s32 $0x40;
	s17 =	simm.s32 $0x180;
	[dreg:$0x17] =	wrdreg s0  }
0x2a: {  	s15 =	simm.s32 $0x1C0;
	s25 =	simm.s32 $0x68;
	[dreg:$0x1b] =	wrdreg s21  }
0x2b: {  	s26 =	simm.s32 $0x2;
	s0 =	sshrl.u32 s18, $0x3;
	[dreg:$0x1c] =	wrdreg s22  }
0x2c: {  	s22 =	simm.s32 $0xDB00;
	[dreg:$0x19] =	wrdreg s0;
	s0 =	sshrl.u32 s19, $0x3  }
0x2d: {  	s10 =	simm.s32 $0x4;
	[dreg:$0x1a] =	wrdreg s0;
	s0 =	simm.s32 $0xBD00  }
.LBB2_1:
0x2e: {  	[smem:$0x7FC] =	sst s13  }
0x2f: {  	s12 =	rddreg [dreg:$0x4]  }
0x30: {  	s20 =	rddreg [dreg:$0x1c]  }
0x31: {  	s21 =	rddreg [dreg:$0x1d]  }
0x32: {  	[tilespmem:s1], [sflag:$0x1] =	stream.linear.gather [hbm4b:s12+s1], $0x40, $0x38;
	[tilespmem:$0x10F00] =	vst v63  }
0x33: {  	s13 =	rddreg [dreg:$0x1e]  }
0x34: {  	[tilespmem:s9], [sflag:$0x1] =	stream.linear.gather [hbm4b:s20+s1], $0x40, $0x38;
	[tilespmem:$0x10F00] =	vst v63  }
0x35: {  	s18 =	rddreg [dreg:$0x1f]  }
0x36: {  	[tilespmem:s3], [sflag:$0x1] =	stream.linear.gather [hbm4b:s21+s1], $0x40, $0x38;
	[tilespmem:$0x10F00] =	vst v63  }
0x37: {  	s14 =	simm.s32 $0xC0;
	s12 =	rddreg [dreg:$0x3]  }
0x38: {  	[tilespmem:s14], [sflag:$0x1] =	stream.linear.gather [hbm4b:s13+s1], $0x40, $0x38;
	[tilespmem:$0x10F00] =	vst v63  }
0x39: {  	s19 =	simm.s32 $0x100;
	s20 =	sld [smem:$0x7FD]  }
0x3a: {  	[tilespmem:s19], [sflag:$0x1] =	stream.linear.gather [hbm4b:s18+s1], $0x40, $0x38;
	[tilespmem:$0x10F00] =	vst v63  }
0x3b: {  	s21 =	simm.s32 $0x140;
	s13 =	simm.s32 $0x0;
	s18 =	simm.s32 $0x200  }
0x3c: {  	[tilespmem:s21], [sflag:$0x1] =	stream.linear.gather [hbm4b:s20+s1], $0x40, $0x38;
	[tilespmem:$0x10F00] =	vst v63  }
0x3d: {  	s19 =	simm.s32 $0x240;
	s20 =	simm.s32 $0x280;
	s21 =	simm.s32 $0x2C0  }
.LBB2_2:
0x3e: {  	s14 =	rddreg [dreg:$0x16]  }
0x3f: {  	s14 =	sadd.s32 s12, s14  }
0x40: {  	[tilespmem:s17], [sflag:$0x2] =	stream.linear.gather [hbm4b:s14+s1], $0x40, $0x38;
	[tilespmem:$0x10F00] =	vst v63  }
0x41: {  	s17 =	rddreg [dreg:$0x1b]  }
0x42: {  	s14 =	sadd.s32 s12, s17  }
0x43: {  	[tilespmem:s15], [sflag:$0x2] =	stream.linear.gather [hbm4b:s14+s1], $0x40, $0x38;
	[tilespmem:$0x10F00] =	vst v63  }
0x44: {  	s15 =	rddreg [dreg:$0x1a]  }
0x45: {  	s17 =	rddreg [dreg:$0x19];
	s14 =	sadd.s32 s12, s15  }
0x46: {  	[tilespmem:s18], [sflag:$0x2] =	stream.linear.gather [hbm4b:s14+s1], $0x40, $0x38;
	[tilespmem:$0x10F00] =	vst v63  }
0x47: {  	s14 =	sadd.s32 s12, s17;
	s18 =	rddreg [dreg:$0x18]  }
0x48: {  	[tilespmem:s19], [sflag:$0x2] =	stream.linear.gather [hbm4b:s14+s1], $0x40, $0x38;
	[tilespmem:$0x10F00] =	vst v63  }
0x49: {  	s14 =	sadd.s32 s12, s18;
	s19 =	rddreg [dreg:$0x17]  }
0x4a: {  	[tilespmem:s20], [sflag:$0x2] =	stream.linear.gather [hbm4b:s14+s1], $0x40, $0x38;
	[tilespmem:$0x10F00] =	vst v63  }
0x4b: {  	p0 =	seq.s32 s13, $0x0;
	s14 =	sadd.s32 s12, s19  }
0x4c: {  	[tilespmem:s21], [sflag:$0x2] =	stream.linear.gather [hbm4b:s14+s1], $0x40, $0x38;
	[tilespmem:$0x10F00] =	vst v63  }
0x4d: {  	s14 =	simm.s32 @!p0 $0x5  }
0x4e: {  	_ =	swait.ge @!p0 [sflag:s14], $0x1000  }
0x4f: {  	[sflag:s14] =	ssyncset.done @!p0 $0x0  }
0x50: {  	[sflag:s14] =	ssyncadd.s32 @!p0 $0xFFFFF000  }
0x51: {  	_ =	swait.ge @!p0 [sflag:s14], $0x1000  }
0x52: {  	[sflag:s14] =	ssyncset.done @!p0 $0x0  }
0x53: {  	[sflag:s14] =	ssyncadd.s32 @!p0 $0xFFFFF000  }
0x54: {  	_ =	swait.ge @!p0 [sflag:s14], $0x1000  }
0x55: {  	[sflag:s14] =	ssyncset.done @!p0 $0x0  }
0x56: {  	[sflag:s14] =	ssyncadd.s32 @!p0 $0xFFFFF000  }
0x57: {  	_ =	swait.ge @!p0 [sflag:s14], $0x1E00  }
0x58: {  	[sflag:s14] =	ssyncset.done @!p0 $0x0  }
0x59: {  	[sflag:s14] =	ssyncadd.s32 @!p0 $0xFFFFE200  }
0x5a: {  	_ =	swait.ge @!p0 [sflag:s14], $0x1E00  }
0x5b: {  	[sflag:s14] =	ssyncset.done @!p0 $0x0  }
0x5c: {  	[sflag:s14] =	ssyncadd.s32 @!p0 $0xFFFFE200  }
0x5d: {  	_ =	swait.ge @!p0 [sflag:s14], $0x1A00  }
0x5e: {  	[sflag:s14] =	ssyncset.done @!p0 $0x0  }
0x5f: {  	[sflag:s14] =	ssyncadd.s32 @!p0 $0xFFFFE600  }
0x60: {  	_ =	swait.ge [sflag:s16], $0x40  }
0x61: {  	[sflag:s16] =	ssyncset.done $0x0  }
0x62: {  	[sflag:s16] =	ssyncadd.s32 $0xFFFFFFC0  }
0x63: {  	_ =	swait.ge [sflag:s16], $0x40  }
0x64: {  	[sflag:s16] =	ssyncset.done $0x0  }
0x65: {  	[sflag:s16] =	ssyncadd.s32 $0xFFFFFFC0  }
0x66: {  	_ =	swait.ge [sflag:s16], $0x40  }
0x67: {  	[sflag:s16] =	ssyncset.done $0x0  }
0x68: {  	[sflag:s16] =	ssyncadd.s32 $0xFFFFFFC0  }
0x69: {  	_ =	swait.ge [sflag:s16], $0x40  }
0x6a: {  	[sflag:s16] =	ssyncset.done $0x0  }
0x6b: {  	[sflag:s16] =	ssyncadd.s32 $0xFFFFFFC0  }
0x6c: {  	_ =	swait.ge [sflag:s16], $0x40  }
0x6d: {  	[sflag:s16] =	ssyncset.done $0x0  }
0x6e: {  	[sflag:s16] =	ssyncadd.s32 $0xFFFFFFC0  }
0x6f: {  	_ =	swait.ge [sflag:s16], $0x40  }
0x70: {  	[sflag:s16] =	ssyncset.done $0x0  }
0x71: {  	s15 =	simm.s32 $0x300;
	[sflag:s16] =	ssyncadd.s32 $0xFFFFFFC0  }
0x72: {  	[tilespmem:s15], [sflag:$0x3] =	stream.indirect.gather [hbm4b:s4+s9], $0x40, s1, s9, $0xb8;
	[tilespmem:$0x10F00] =	vst v63  }
0x73: {  	s17 =	simm.s32 $0x2300  }
0x74: {  	[tilespmem:s17], [sflag:$0x3] =	stream.indirect.gather [hbm4b:s7+s9], $0x40, s9, s9, $0xb8;
	[tilespmem:$0x10F00] =	vst v63  }
0x75: {  	s18 =	simm.s32 $0x4300  }
0x76: {  	[tilespmem:s18], [sflag:$0x3] =	stream.indirect.gather [hbm4b:s5+s9], $0x40, s3, s9, $0xb8;
	[tilespmem:$0x10F00] =	vst v63  }
0x77: {  	s20 =	simm.s32 $0xC0;
	s19 =	simm.s32 $0x6300  }
0x78: {  	[tilespmem:s19], [sflag:$0x3] =	stream.indirect.gather [hbm4b:s6+s9], $0x78, s20, s9, $0xb8;
	[tilespmem:$0x10F00] =	vst v63  }
0x79: {  	s21 =	simm.s32 $0x100;
	s20 =	simm.s32 $0x9F00  }
0x7a: {  	[tilespmem:s20], [sflag:$0x3] =	stream.indirect.gather [hbm4b:s6+s9], $0x78, s21, s9, $0xb8;
	[tilespmem:$0x10F00] =	vst v63  }
0x7b: {  	s21 =	simm.s32 $0x140  }
0x7c: {  	[tilespmem:s22], [sflag:$0x3] =	stream.indirect.gather [hbm4b:s8+s9], $0x68, s21, s9, $0xb8;
	[tilespmem:$0x10F00] =	vst v63  }
0x7d: {  	_ =	swait.ge [sflag:s23], $0x1000  }
0x7e: {  	[sflag:s23] =	ssyncset.done $0x0  }
0x7f: {  	[sflag:s23] =	ssyncadd.s32 $0xFFFFF000  }
0x80: {  	_ =	swait.ge [sflag:s23], $0x1000  }
0x81: {  	[sflag:s23] =	ssyncset.done $0x0  }
0x82: {  	[sflag:s23] =	ssyncadd.s32 $0xFFFFF000  }
0x83: {  	_ =	swait.ge [sflag:s23], $0x1000  }
0x84: {  	[sflag:s23] =	ssyncset.done $0x0  }
0x85: {  	[sflag:s23] =	ssyncadd.s32 $0xFFFFF000  }
0x86: {  	_ =	swait.ge [sflag:s23], $0x1E00  }
0x87: {  	[sflag:s23] =	ssyncset.done $0x0  }
0x88: {  	[sflag:s23] =	ssyncadd.s32 $0xFFFFE200  }
0x89: {  	_ =	swait.ge [sflag:s23], $0x1E00  }
0x8a: {  	[sflag:s23] =	ssyncset.done $0x0  }
0x8b: {  	[sflag:s23] =	ssyncadd.s32 $0xFFFFE200  }
0x8c: {  	_ =	swait.ge [sflag:s23], $0x1A00  }
0x8d: {  	[sflag:s23] =	ssyncset.done $0x0;
	s21 =	rddreg [dreg:$0x6]  }
0x8e: {  	[sflag:s23] =	ssyncadd.s32 $0xFFFFE600;
	s14 =	sadd.s32 s13, s21  }
0x8f: {  	[hbm4b:s14+s9] =	stream.strided.scatter [tilespmem:s15], [sflag:$0x5], $0x1000, s3, s9, $0x38;
	[tilespmem:$0x10F00] =	vst v63  }
0x90: {  	s14 =	sadd.s32 $0x8, s14  }
0x91: {  	[hbm4b:s14+s9] =	stream.strided.scatter [tilespmem:s17], [sflag:$0x5], $0x1000, s3, s9, $0x38;
	[tilespmem:$0x10F00] =	vst v63  }
0x92: {  	s17 =	rddreg [dreg:$0xa]  }
0x93: {  	s14 =	sadd.s32 s13, s17  }
0x94: {  	[hbm4b:s14+s9] =	stream.strided.scatter [tilespmem:s18], [sflag:$0x5], $0x1000, s3, s9, $0x38;
	[tilespmem:$0x10F00] =	vst v63  }
0x95: {  	s18 =	rddreg [dreg:$0x9]  }
0x96: {  	s14 =	sadd.s32 s13, s18  }
0x97: {  	[hbm4b:s14+s24] =	stream.strided.scatter [tilespmem:s19], [sflag:$0x5], $0x1E00, s3, s24, $0x38;
	[tilespmem:$0x10F00] =	vst v63  }
0x98: {  	s19 =	rddreg [dreg:$0x8]  }
0x99: {  	s14 =	sadd.s32 s13, s19  }
0x9a: {  	[hbm4b:s14+s24] =	stream.strided.scatter [tilespmem:s20], [sflag:$0x5], $0x1E00, s3, s24, $0x38;
	[tilespmem:$0x10F00] =	vst v63  }
0x9b: {  	s20 =	rddreg [dreg:$0x7]  }
0x9c: {  	s14 =	sadd.s32 s13, s20  }
0x9d: {  	[hbm4b:s14+s25] =	stream.strided.scatter [tilespmem:s22], [sflag:$0x5], $0x1A00, s3, s25, $0x38;
	[tilespmem:$0x10F00] =	vst v63  }
0x9e: {  	p0 =	seq.s32 s13, $0x63800;
	s14 =	rddreg [dreg:$0xb]  }
0x9f: {  	s15 =	simm.s32 @!p0 $0x0;
	s14 =	sadd.s32 @!p0 s12, s14  }
0xa0: {  	[tilespmem:s15], [sflag:$0x1] =	stream.linear.gather @!p0 [hbm4b:s14+s15], $0x40, $0x38;
	[tilespmem:$0x10F00] =	vst v63  }
0xa1: {  	s14 =	rddreg [dreg:$0x11]  }
0xa2: {  	s17 =	simm.s32 @!p0 $0x40;
	s14 =	sadd.s32 @!p0 s12, s14  }
0xa3: {  	[tilespmem:s17], [sflag:$0x1] =	stream.linear.gather @!p0 [hbm4b:s14+s15], $0x40, $0x38;
	[tilespmem:$0x10F00] =	vst v63  }
0xa4: {  	s14 =	rddreg [dreg:$0x10]  }
0xa5: {  	s17 =	simm.s32 @!p0 $0x80;
	s14 =	sadd.s32 @!p0 s12, s14  }
0xa6: {  	[tilespmem:s17], [sflag:$0x1] =	stream.linear.gather @!p0 [hbm4b:s14+s15], $0x40, $0x38;
	[tilespmem:$0x10F00] =	vst v63  }
0xa7: {  	s14 =	rddreg [dreg:$0xf]  }
0xa8: {  	s17 =	simm.s32 @!p0 $0xC0;
	s14 =	sadd.s32 @!p0 s12, s14  }
0xa9: {  	[tilespmem:s17], [sflag:$0x1] =	stream.linear.gather @!p0 [hbm4b:s14+s15], $0x40, $0x38;
	[tilespmem:$0x10F00] =	vst v63  }
0xaa: {  	s14 =	rddreg [dreg:$0xd]  }
0xab: {  	s17 =	simm.s32 @!p0 $0x100;
	s14 =	sadd.s32 @!p0 s12, s14  }
0xac: {  	[tilespmem:s17], [sflag:$0x1] =	stream.linear.gather @!p0 [hbm4b:s14+s15], $0x40, $0x38;
	[tilespmem:$0x10F00] =	vst v63  }
0xad: {  	s14 =	rddreg [dreg:$0xc]  }
0xae: {  	p1 =	seq.s32 @!p0 s13, $0x0;
	s17 =	simm.s32 @!p0 $0x140;
	s14 =	sadd.s32 @!p0 s12, s14  }
0xaf: {  	[tilespmem:s17], [sflag:$0x1] =	stream.linear.gather @!p0 [hbm4b:s14+s15], $0x40, $0x38;
	[tilespmem:$0x10F00] =	vst v63  }
0xb0: {  	p0 =	por p0, !p1  }
0xb1: {  	_ =	swait.ge @p0 [sflag:s11], $0x1000  }
0xb2: {  	[sflag:s11] =	ssyncset.done @p0 $0x0  }
0xb3: {  	[sflag:s11] =	ssyncadd.s32 @p0 $0xFFFFF000  }
0xb4: {  	_ =	swait.ge @p0 [sflag:s11], $0x1000  }
0xb5: {  	[sflag:s11] =	ssyncset.done @p0 $0x0  }
0xb6: {  	[sflag:s11] =	ssyncadd.s32 @p0 $0xFFFFF000  }
0xb7: {  	_ =	swait.ge @p0 [sflag:s11], $0x1000  }
0xb8: {  	[sflag:s11] =	ssyncset.done @p0 $0x0  }
0xb9: {  	[sflag:s11] =	ssyncadd.s32 @p0 $0xFFFFF000  }
0xba: {  	_ =	swait.ge @p0 [sflag:s11], $0x1E00  }
0xbb: {  	[sflag:s11] =	ssyncset.done @p0 $0x0  }
0xbc: {  	[sflag:s11] =	ssyncadd.s32 @p0 $0xFFFFE200  }
0xbd: {  	_ =	swait.ge @p0 [sflag:s11], $0x1E00  }
0xbe: {  	[sflag:s11] =	ssyncset.done @p0 $0x0  }
0xbf: {  	[sflag:s11] =	ssyncadd.s32 @p0 $0xFFFFE200  }
0xc0: {  	_ =	swait.ge @p0 [sflag:s11], $0x1A00  }
0xc1: {  	[sflag:s11] =	ssyncset.done @p0 $0x0  }
0xc2: {  	[sflag:s11] =	ssyncadd.s32 @p0 $0xFFFFE600  }
0xc3: {  	_ =	swait.ge [sflag:s26], $0x40  }
0xc4: {  	[sflag:s26] =	ssyncset.done $0x0  }
0xc5: {  	[sflag:s26] =	ssyncadd.s32 $0xFFFFFFC0  }
0xc6: {  	_ =	swait.ge [sflag:s26], $0x40  }
0xc7: {  	[sflag:s26] =	ssyncset.done $0x0  }
0xc8: {  	[sflag:s26] =	ssyncadd.s32 $0xFFFFFFC0  }
0xc9: {  	_ =	swait.ge [sflag:s26], $0x40  }
0xca: {  	[sflag:s26] =	ssyncset.done $0x0  }
0xcb: {  	[sflag:s26] =	ssyncadd.s32 $0xFFFFFFC0  }
0xcc: {  	_ =	swait.ge [sflag:s26], $0x40  }
0xcd: {  	[sflag:s26] =	ssyncset.done $0x0  }
0xce: {  	[sflag:s26] =	ssyncadd.s32 $0xFFFFFFC0  }
0xcf: {  	_ =	swait.ge [sflag:s26], $0x40  }
0xd0: {  	[sflag:s26] =	ssyncset.done $0x0  }
0xd1: {  	[sflag:s26] =	ssyncadd.s32 $0xFFFFFFC0  }
0xd2: {  	_ =	swait.ge [sflag:s26], $0x40  }
0xd3: {  	[sflag:s26] =	ssyncset.done $0x0  }
0xd4: {  	s17 =	simm.s32 $0x180;
	[sflag:s26] =	ssyncadd.s32 $0xFFFFFFC0  }
0xd5: {  	[tilespmem:s28], [sflag:$0x4] =	stream.indirect.gather [hbm4b:s4+s9], $0x40, s17, s9, $0xb8;
	[tilespmem:$0x10F00] =	vst v63  }
0xd6: {  	s21 =	simm.s32 $0x1C0  }
0xd7: {  	[tilespmem:s29], [sflag:$0x4] =	stream.indirect.gather [hbm4b:s7+s9], $0x40, s21, s9, $0xb8;
	[tilespmem:$0x10F00] =	vst v63  }
0xd8: {  	s18 =	simm.s32 $0x200  }
0xd9: {  	[tilespmem:s30], [sflag:$0x4] =	stream.indirect.gather [hbm4b:s5+s9], $0x40, s18, s9, $0xb8;
	[tilespmem:$0x10F00] =	vst v63  }
0xda: {  	s19 =	simm.s32 $0x240  }
0xdb: {  	[tilespmem:s31], [sflag:$0x4] =	stream.indirect.gather [hbm4b:s6+s9], $0x78, s19, s9, $0xb8;
	[tilespmem:$0x10F00] =	vst v63  }
0xdc: {  	s20 =	simm.s32 $0x280  }
0xdd: {  	[tilespmem:s0], [sflag:$0x4] =	stream.indirect.gather [hbm4b:s6+s9], $0x78, s20, s9, $0xb8;
	[tilespmem:$0x10F00] =	vst v63  }
0xde: {  	s21 =	simm.s32 $0x2C0  }
0xdf: {  	[tilespmem:s2], [sflag:$0x4] =	stream.indirect.gather [hbm4b:s8+s9], $0x68, s21, s9, $0xb8;
	[tilespmem:$0x10F00] =	vst v63  }
0xe0: {  	_ =	swait.ge [sflag:s10], $0x1000  }
0xe1: {  	[sflag:s10] =	ssyncset.done $0x0  }
0xe2: {  	[sflag:s10] =	ssyncadd.s32 $0xFFFFF000  }
0xe3: {  	_ =	swait.ge [sflag:s10], $0x1000  }
0xe4: {  	[sflag:s10] =	ssyncset.done $0x0  }
0xe5: {  	[sflag:s10] =	ssyncadd.s32 $0xFFFFF000  }
0xe6: {  	_ =	swait.ge [sflag:s10], $0x1000  }
0xe7: {  	[sflag:s10] =	ssyncset.done $0x0  }
0xe8: {  	[sflag:s10] =	ssyncadd.s32 $0xFFFFF000  }
0xe9: {  	_ =	swait.ge [sflag:s10], $0x1E00  }
0xea: {  	[sflag:s10] =	ssyncset.done $0x0  }
0xeb: {  	[sflag:s10] =	ssyncadd.s32 $0xFFFFE200  }
0xec: {  	_ =	swait.ge [sflag:s10], $0x1E00  }
0xed: {  	[sflag:s10] =	ssyncset.done $0x0  }
0xee: {  	[sflag:s10] =	ssyncadd.s32 $0xFFFFE200  }
0xef: {  	_ =	swait.ge [sflag:s10], $0x1A00  }
0xf0: {  	s15 =	rddreg [dreg:$0xe]  }
0xf1: {  	[sflag:s10] =	ssyncset.done $0x0;
	s14 =	sadd.s32 s13, s15  }
0xf2: {  	[sflag:s10] =	ssyncadd.s32 $0xFFFFE600;
	s15 =	sadd.s32 $0x400, s14  }
0xf3: {  	[hbm4b:s15+s9] =	stream.strided.scatter [tilespmem:s28], [sflag:$0x6], $0x1000, s3, s9, $0x38;
	[tilespmem:$0x10F00] =	vst v63  }
0xf4: {  	s14 =	sadd.s32 $0x408, s14  }
0xf5: {  	[hbm4b:s14+s9] =	stream.strided.scatter [tilespmem:s29], [sflag:$0x6], $0x1000, s3, s9, $0x38;
	[tilespmem:$0x10F00] =	vst v63  }
0xf6: {  	s14 =	rddreg [dreg:$0x15]  }
0xf7: {  	s14 =	sadd.s32 s13, s14  }
0xf8: {  	[hbm4b:s14+s9] =	stream.strided.scatter [tilespmem:s30], [sflag:$0x6], $0x1000, s3, s9, $0x38;
	[tilespmem:$0x10F00] =	vst v63  }
0xf9: {  	s14 =	rddreg [dreg:$0x14]  }
0xfa: {  	s14 =	sadd.s32 s13, s14  }
0xfb: {  	[hbm4b:s14+s24] =	stream.strided.scatter [tilespmem:s31], [sflag:$0x6], $0x1E00, s3, s24, $0x38;
	[tilespmem:$0x10F00] =	vst v63  }
0xfc: {  	s14 =	rddreg [dreg:$0x13]  }
0xfd: {  	s14 =	sadd.s32 s13, s14  }
0xfe: {  	[hbm4b:s14+s24] =	stream.strided.scatter [tilespmem:s0], [sflag:$0x6], $0x1E00, s3, s24, $0x38;
	[tilespmem:$0x10F00] =	vst v63  }
0xff: {  	s14 =	rddreg [dreg:$0x12]  }
0x100: {  	s14 =	sadd.s32 s13, s14;
	s13 =	sadd.s32 $0x800, s13  }
0x101: {  	p0 =	sne.s32 s13, $0x64000  }
.Ltmp0:
0x102: {  	_ = 	snop;
	(pc) =	sbr.rel @p0 .LBB2_2-.Ltmp0, $3  }
0x103: {  	_ =	sdelay $0x1  }
0x104: {  	s12 =	sadd.s32 $0x10, s12;
	s15 =	simm.s32 $0x1C0  }
0x105: {  	[hbm4b:s14+s25] =	stream.strided.scatter [tilespmem:s2], [sflag:$0x6], $0x1A00, s3, s25, $0x38;
	[tilespmem:$0x10F00] =	vst v63  }
0x106: {  	s12 =	simm.s32 $0x5  }
0x107: {  	_ =	swait.ge [sflag:s12], $0x1000  }
0x108: {  	[sflag:s12] =	ssyncset.done $0x0  }
0x109: {  	[sflag:s12] =	ssyncadd.s32 $0xFFFFF000  }
0x10a: {  	_ =	swait.ge [sflag:s12], $0x1000  }
0x10b: {  	[sflag:s12] =	ssyncset.done $0x0  }
0x10c: {  	[sflag:s12] =	ssyncadd.s32 $0xFFFFF000  }
0x10d: {  	_ =	swait.ge [sflag:s12], $0x1000  }
0x10e: {  	[sflag:s12] =	ssyncset.done $0x0  }
0x10f: {  	[sflag:s12] =	ssyncadd.s32 $0xFFFFF000  }
0x110: {  	_ =	swait.ge [sflag:s12], $0x1E00  }
0x111: {  	[sflag:s12] =	ssyncset.done $0x0  }
0x112: {  	[sflag:s12] =	ssyncadd.s32 $0xFFFFE200  }
0x113: {  	_ =	swait.ge [sflag:s12], $0x1E00  }
0x114: {  	[sflag:s12] =	ssyncset.done $0x0  }
0x115: {  	[sflag:s12] =	ssyncadd.s32 $0xFFFFE200  }
0x116: {  	_ =	swait.ge [sflag:s12], $0x1A00  }
0x117: {  	[sflag:s12] =	ssyncset.done $0x0  }
0x118: {  	[sflag:s12] =	ssyncadd.s32 $0xFFFFE600  }
0x119: {  	_ =	swait.ge [sflag:s11], $0x1000  }
0x11a: {  	[sflag:s11] =	ssyncset.done $0x0  }
0x11b: {  	[sflag:s11] =	ssyncadd.s32 $0xFFFFF000  }
0x11c: {  	_ =	swait.ge [sflag:s11], $0x1000  }
0x11d: {  	[sflag:s11] =	ssyncset.done $0x0  }
0x11e: {  	[sflag:s11] =	ssyncadd.s32 $0xFFFFF000  }
0x11f: {  	_ =	swait.ge [sflag:s11], $0x1000  }
0x120: {  	[sflag:s11] =	ssyncset.done $0x0  }
0x121: {  	[sflag:s11] =	ssyncadd.s32 $0xFFFFF000  }
0x122: {  	_ =	swait.ge [sflag:s11], $0x1E00  }
0x123: {  	[sflag:s11] =	ssyncset.done $0x0  }
0x124: {  	[sflag:s11] =	ssyncadd.s32 $0xFFFFE200  }
0x125: {  	_ =	swait.ge [sflag:s11], $0x1E00  }
0x126: {  	[sflag:s11] =	ssyncset.done $0x0  }
0x127: {  	[sflag:s11] =	ssyncadd.s32 $0xFFFFE200  }
0x128: {  	_ =	swait.ge [sflag:s11], $0x1A00  }
0x129: {  	s13 =	sld [smem:$0x7FC];
	_ =	sdelay $0x2  }
0x12a: {  	s21 =	rddreg [dreg:$0x5];
	s13 =	sadd.s32 $0x1, s13  }
0x12b: {  	p0 =	sne.s32 s13, s21  }
.Ltmp1:
0x12c: {  	_ = 	snop;
	(pc) =	sbr.rel @p0 .LBB2_1-.Ltmp1, $3  }
0x12d: {  	_ =	sdelay $0x1  }
0x12e: {  	[sflag:s11] =	ssyncset.done $0x0  }
0x12f: {  	[sflag:s11] =	ssyncadd.s32 $0xFFFFE600  }
0x130: {  	_ =	sfence.sel $0x180000  }
0x131: {  	[bflag:$0x0] =	sbarrier.arrive $0xFFFF  }
0x132: {  	_ =	strace $0x90000047  }
0x133: {  	s0 =	stileid.u32;
	[bflag:$0x2] =	sbarrier.arrive $0xFFFF  }
0x134: {  	p0 =	sne.s32 s0, $0x0;
	s0 =	rddreg [dreg:$0x2]  }
0x135: {  	s0 =	sadd.s32 @!p0 $0x100000, s0  }
0x136: {  	[sflag:s0] =	ssyncadd.tile.s32 @!p0 $0x1;
	_ =	shalt  }
.Lfunc_end2:
_tile_overlayer_lowered:
.L_overlay_start_2:
0x137: {  	(tag) =	ssettag $0x2  }
0x138: {  	s0 =	rddreg [dreg:$0x0];
	s2 =	stileid.u32  }
0x139: {  	s1 =	rddreg [dreg:$0x1];
	p0 =	sne.s32 s2, $0x0  }
0x13a: {  	s3 =	rddreg [dreg:$0x2];
	[bflag:$0x3] =	sbarrier.arrive $0xFFFF;
	s2 =	simm.s32 @!p0 $0x1C07  }
0x13b: {  	[timem:s3], [sflag:s2] =	dma.local @!p0 [hbm:s0], s1  }
0x13c: {  	s0 =	simm.s32 @!p0 $0x7  }
0x13d: {  	_ =	swait.ge @!p0 [sflag:s0], s1  }
0x13e: {  	s1 =	ssub.s32 @!p0 $0x0, s1;
	[sflag:s0] =	ssyncset.done @!p0 $0x0  }
0x13f: {  	[sflag:s0] =	ssyncadd.s32 @!p0 s1  }
0x140: {  	[bflag:$0x3] =	sbarrier.arrive $0xFFFF  }
0x141: {  	_ =	shalt  }

// kernel: sparse-core-data-format-call.cloned.1.call-start
scs
called_computation_lowered:
.L_overlay_start_0:
0x0: {  	s2 =	sld [smem:$0x3FD9]  }
0x1: {  	s3 =	sld [smem:$0x3FFE];
	_ =	sdelay $0x1  }
0x2: {  	s1 =	srdreg.scid  }
0x3: {  	s0 =	sand.u32 $0x1, s1  }
0x4: {  	s15 =	sshll.u32 s0, $0xA;
	s2 =	sadd.s32 s3, s2  }
0x5: {  	s2 =	sadd.s32 s2, s15  }
0x6: {  	[smem:$0x3FB2] =	sst s2  }
0x7: {  	_ = 	snop  }
0x8: {  	s2 =	sld [smem:$0x3FD0];
	_ =	sdelay $0x2  }
0x9: {  	s16 =	simm.s32 $0xA;
	s4 =	simm.s32 $0x10  }
0xa: {  	[smem:s4], [sflag:s16] =	dma.local [hbm:s2], $0x1  }
0xb: {  	_ =	swait.eq [sflag:s16], $0x1  }
0xc: {  	[sflag:s16] =	ssyncset.done $0x0  }
0xd: {  	[sflag:s16] =	ssyncadd.s32 $0xFFFFFFFF  }
0xe: {  	s17 =	sld [smem:$0x10];
	(tm) =	ssettm $0x1  }
0xf: {  	s18 =	sld [smem:$0x3FFB];
	_ =	sdelay $0x3  }
0x10: {  	_ =	strace s18  }
0x11: {  	s3 =	sld [smem:$0x3FFC];
	_ =	sdelay $0x3  }
0x12: {  	_ =	strace s3  }
0x13: {  	s3 =	sld [smem:$0x3FFD];
	_ =	sdelay $0x3  }
0x14: {  	_ =	strace s3  }
0x15: {  	_ =	strace $0x8FFFFFFF  }
0x16: {  	s19 =	sld [smem:$0x3FDB];
	_ =	sdelay $0x1  }
0x17: {  	s20 =	simm.s32 $_scs_section_size  }
0x18: {  	s5 =	simm.s32 $_size__tile_overlayer_lowered;
	s6 =	simm.s32 $_tile_overlayer_lowered  }
0x19: {  	s23 =	simm.s32 $0x1BFF;
	s22 =	sshll.u32 s6, $0x1;
	s3 =	sadd.s32 s20, s19  }
0x1a: {  	s7 =	simm.s32 $0x0;
	s21 =	sshll.u32 s5, $0x1;
	s5 =	sadd.s32 s22, s3  }
0x1b: {  	[timem:s7], [sflag:s23] =	dma.local [hbm:s5], s21  }
0x1c: {  	_ =	swait.ge [sflag:s23], s21  }
0x1d: {  	s4 =	ssub.s32 $0x0, s21;
	[sflag:s23] =	ssyncset.done $0x0  }
0x1e: {  	[sflag:s23] =	ssyncadd.s32 s4;
	_ =	sdelay $0x1  }
0x1f: {  	s24 =	simm.s32 $0x1B8B  }
0x20: {  	_ =	swait.ge [sflag:s24], $0x1  }
0x21: {  	[sflag:s24] =	ssyncset.done $0x0  }
0x22: {  	s26 =	simm.s32 $0x1B8E;
	s25 =	sld [smem:$0x3FFE];
	[sflag:s24] =	ssyncadd.s32 $0xFFFFFFFF  }
0x23: {  	s27 =	simm.s32 $execute0_lowered;
	[smem:$0x3FD2] =	sst s26  }
0x24: {  	s5 =	sshll.u32 s27, $0x1;
	_ =	strace $0x80000049;
	[dreg:$0x1] =	wrdreg $0xFFFFFFFF  }
0x25: {  	s28 =	simm.s32 $_size_execute0_lowered;
	s3 =	sadd.s32 s3, s5;
	[dreg:$0x0] =	wrdreg $0x0  }
0x26: {  	s5 =	sshll.u32 s28, $0x1;
	[dreg:$0x2] =	wrdreg s3  }
0x27: {  	[dreg:$0x3] =	wrdreg s5  }
0x28: {  	[dreg:$0x4] =	wrdreg $0xC0  }
0x29: {  	_ =	task [dreg:s7], $0x5FFFF  }
0x2a: {  	[dreg:$0x1] =	wrdreg $0xFFFFFFFF  }
0x2b: {  	[dreg:$0x0] =	wrdreg $0x60  }
0x2c: {  	[dreg:$0x2] =	wrdreg s25  }
0x2d: {  	[dreg:$0x3] =	wrdreg s17  }
0x2e: {  	[dreg:$0x4] =	wrdreg $0x9  }
0x2f: {  	_ =	task.clear_ibuf [dreg:s7], $0x5FFFF;
	_ =	strace $0x90000049  }
0x30: {  	s29 =	simm.s32 $0x9;
	_ =	strace $0x8000004B  }
0x31: {  	_ =	swait.ge [sflag:s29], $0x1  }
0x32: {  	[sflag:s29] =	ssyncadd.s32 $0xFFFFFFFF  }
0x33: {  	_ =	strace $0x9000004B  }
0x34: {  	_ =	sfence  }
0x35: {  	s30 =	sld [smem:$0x0];
	_ =	sdelay $0x2  }
0x36: {  	s31 =	sshll.u32 s1, $0xD;
	s1 =	sshrl.u32 s1, $0x2  }
0x37: {  	s3 =	sand.u32 $0x4000, s31;
	s1 =	sadd.s32 s1, s30  }
0x38: {  	s0 =	sor.u32 s3, s0;
	s1 =	sshll.u32 s1, $0x11  }
0x39: {  	s0 =	sor.u32 s1, s0  }
0x3a: {  	s0 =	sadd.s32 $0x8F2B, s0  }
0x3b: {  	[sflag:s0] =	ssyncadd.remote.s32 $0x1  }
0x3c: {  	_ =	sfence.sel $0xFFFF  }
0x3d: {  	[dreg:$0x0] =	wrdreg $0xFFFFFFFF;
	(pc) =	sbr.abs _section_cstart, $3  }
0x3e: {  	[dreg:$0x1] =	wrdreg $0xFFFFFFFF  }
0x3f: {  	_ =	task.clear_ibuf [dreg:s7], $0x2FFFF;
	_ =	strace $0x9FFFFFFF  }
0x40: {  	(tm) =	ssettm $0x7FFFFFFF  }
0x41: {  	_ =	shalt  }
tec
execute0_lowered:
.L_overlay_start_1:
0x0: {  	(tag) =	ssettag $0x1  }
0x1: {  	s0 =	srdreg.scid;
	s6 =	rddreg [dreg:$0x0]  }
0x2: {  	s3 =	rddreg [dreg:$0x1];
	s1 =	sshll.u32 s0, $0x4  }
0x3: {  	s5 =	simm.s32 $0x1;
	s0 =	stileid.u32;
	s1 =	sand.u32 $0x10, s1  }
0x4: {  	s31 =	simm.s32 $0x2;
	s16 =	simm.s32 $0x0;
	s1 =	sor.u32 s0, s1  }
0x5: {  	s8 =	simm.s32 $0x8000;
	s18 =	simm.s32 $0x0;
	s2 =	sshll.u32 s1, $0x7  }
0x6: {  	s17 =	simm.s32 $0x0;
	s9 =	simm.s32 $0x0;
	s4 =	ssub.s32 $0x1000, s2  }
0x7: {  	s10 =	simm.s32 $0x0;
	s11 =	simm.s32 $0x0;
	s30 =	sand.u32 $0xF80, s4  }
0x8: {  	s12 =	simm.s32 $0x0;
	s13 =	simm.s32 $0x0;
	p0 =	sne.s32 s30, $0x0  }
.Ltmp0:
0x9: {  	s7 =	sshrl.u32 s4, $0xC;
	s5 =	simm.s32 @!p0 $0x0;
	(pc) =	sbr.rel .LBB1_1-.Ltmp0, $4  }
0xa: {  	s15 =	simm.s32 $0x0;
	s1 =	rddreg [dreg:$0x2];
	s5 =	sadd.s32 s5, s7  }
0xb: {  	_ =	strace $0x8000004A;
	s4 =	simm.s32 $0x1;
	s5 =	smul.u32 $0x190, s5  }
0xc: {  	s6 =	sadd.s32 $0x3CDBA00, s6;
	s14 =	smov.u32 s2;
	[sflag:s4] =	ssyncpa.u1 $0x0  }
0xd: {  	[sflag:s31] =	ssyncpa.u1 $0x0;
	p0 =	por $0x0, $0x0;
	s7 =	sor.u32 $0x1, s5  }
.LBB1_4:
0xe: {  	s23 =	sshra.s32 s23, $0x2;
	s30 =	sshll.u32 s9, $0xC  }
0xf: {  	p1 =	sgt.s32 s10, $0xC7;
	s24 =	smov.u32 s10;
	s25 =	sshra.s32 s10, $0x1F  }
0x10: {  	s26 =	sshll.u32 s11, $0x3;
	s28 =	smov.u32 s11;
	s29 =	sshra.s32 s11, $0x1F  }
0x11: {  	s22 =	sadd.s32 s23, s22;
	s24 =	simm.s32 @!p1 $0xC7;
	s25 =	sand.u32 s25, s10  }
0x12: {  	s23 =	sand.u32 $0xFFFF8000, s30;
	s27 =	sand.u32 $0xFFFFFC00, s26;
	p1 =	sgt.s32 s9, $0x40  }
0x13: {  	s31 =	sand.u32 s29, s11;
	s29 =	sshll.u32 s9, $0x7;
	s30 =	sshra.s32 s9, $0x1F  }
0x14: {  	[tilespmem:s21+$0x2040 ss:$0x81] =	vst.msk $0xffff, v4;
	s24 =	ssub.s32 s24, s25;
	s23 =	sadd.s32 s27, s23;
	s27 =	smov.u32 s9  }
0x15: {  	[tilespmem:s21+$0x2850 ss:$0x81] =	vst.msk $0xffff, v3;
	s29 =	sand.u32 $0x380, s29;
	s25 =	sadd.s32 $0xFFFFFF39, s24;
	s27 =	simm.s32 @!p1 $0x40  }
0x16: {  	v5 =	vld [tilespmem:s20+$0xFFFFFFD0];
	[tilespmem:s21+$0x3060 ss:$0x81] =	vst.msk $0xffff, v2;
	p1 =	sgt.s32 s11, $0xF80;
	s23 =	sshrl.u32 s23, $0xC;
	s24 =	ssub.s32 $0xC8, s24  }
0x17: {  	v58 =	vld [tilespmem:s20+$0xFFFFFFE0];
	[tilespmem:s21+$0x0 ss:$0x81] =	vst.msk $0xffff, v1;
	s28 =	simm.s32 @!p1 $0xF80;
	p1 =	sgt.s32 s25, $0x0;
	s21 =	smulhi.u32 $0x1555556, s23  }
0x18: {  	v59 =	vld [tilespmem:s20+$0xFFFFFFF0];
	s25 =	ssub.s32 s28, s31;
	s28 =	sand.u32 s30, s9;
	s24 =	simm.s32 @p1 $0x0  }
0x19: {  	v60 =	vld [tilespmem:s20+$0x0];
	s27 =	ssub.s32 s27, s28;
	s31 =	sadd.s32 $0xFFFFF080, s25;
	s25 =	ssub.s32 $0x1000, s25  }
0x1a: {  	v61 =	vld [tilespmem:s20+$0x10];
	[tilespmem:s22+$0x3870 ss:$0x81] =	vst.msk $0xffff, v0;
	s21 =	smul.u32 $0xC0, s21;
	s28 =	sand.u32 $0x7, s11;
	p1 =	sgt.s32 s31, $0x7F  }
0x1b: {  	v62 =	vld [tilespmem:s20+$0x20];
	[tilespmem:s22+$0x810 ss:$0x81] =	vst.msk $0xffff, v5;
	s30 =	sadd.s32 $0xFFFFFFC0, s27;
	s31 =	sand.u32 $0x78, s11;
	s25 =	simm.s32 @p1 $0x0  }
0x1c: {  	v63 =	vld [tilespmem:s20+$0xFFFFFFC0];
	[tilespmem:s22+$0x1020 ss:$0x81] =	vst.msk $0xffff, v58;
	p1 =	sgt.s32 s30, $0x7F;
	s30 =	sand.u32 $0xC00, s26;
	s24 =	smul.u32 s25, s24  }
0x1d: {  	[tilespmem:s22+$0x1830 ss:$0x81] =	vst.msk $0xffff, v59;
	s26 =	ssub.s32 $0xC0, s27;
	s20 =	sor.u32 s31, s30;
	s31 =	smul.u32 $0x18000, s10  }
0x1e: {  	[tilespmem:s22+$0x2040 ss:$0x81] =	vst.msk $0xffff, v60;
	s21 =	ssub.s32 s23, s21;
	s26 =	simm.s32 @p1 $0x0;
	s20 =	sor.u32 s29, s20  }
0x1f: {  	[tilespmem:s22+$0x2850 ss:$0x81] =	vst.msk $0xffff, v61;
	s26 =	smul.u32 s26, s24;
	s20 =	sshrl.u32 s20, $0x3;
	s27 =	sadd.s32 s3, s31  }
0x20: {  	[tilespmem:s22+$0x3060 ss:$0x81] =	vst.msk $0xffff, v62;
	s21 =	sshll.u32 s21, $0x9;
	s29 =	sshll.u32 s28, $0x12;
	s20 =	sadd.s32 s20, s27  }
0x21: {  	[tilespmem:s22+$0x0 ss:$0x81] =	vst.msk $0xffff, v63;
	s31 =	sor.u32 $0x400, s29;
	s30 =	sand.u32 $0x3FFFFFFF, s26;
	s20 =	sadd.s32 s21, s20  }
0x22: {  	[hbm4b:s20+s31] =	stream.strided.scatter [tilespmem:s19], [sflag:$0x2], s30, s8, s31, $0x20;
	[tilespmem:$0x10100] =	vst v63  }
.LBB1_5:
0x23: {  	p1 =	slt.u32 s15, $0x2  }
0x24: {  	p2 =	sgt.s32 @!p1 s18, $0xC7  }
0x25: {  	s19 =	smov.u32 s18;
	s20 =	sshra.s32 @!p1 s18, $0x1F;
	p2 =	por !p2, p1  }
0x26: {  	s18 =	sand.u32 @!p1 s20, s18;
	s19 =	simm.s32 @p2 $0xC7  }
0x27: {  	p3 =	sgt.s32 @!p1 s16, $0x40;
	s18 =	ssub.s32 @!p1 s19, s18  }
0x28: {  	p4 =	sgt.s32 @!p1 s17, $0xF80;
	s21 =	sshra.s32 @!p1 s17, $0x1F;
	s19 =	sadd.s32 @!p1 $0xFFFFFF39, s18  }
0x29: {  	s20 =	smov.u32 s16;
	p2 =	sgt.s32 @!p1 s19, $0x0;
	s19 =	sshra.s32 @!p1 s16, $0x1F  }
0x2a: {  	p4 =	por !p4, p1;
	s16 =	sand.u32 @!p1 s19, s16;
	s19 =	smov.u32 s17  }
0x2b: {  	p3 =	por !p3, p1;
	s17 =	sand.u32 @!p1 s21, s17;
	s19 =	simm.s32 @p4 $0xF80  }
0x2c: {  	s20 =	simm.s32 @p3 $0x40;
	s18 =	ssub.s32 @!p1 $0xC8, s18;
	s17 =	ssub.s32 @!p1 s19, s17  }
0x2d: {  	p2 =	por !p2, p1;
	s16 =	ssub.s32 @!p1 s20, s16;
	s20 =	sadd.s32 @!p1 $0xFFFFF080, s17  }
0x2e: {  	s18 =	simm.s32 @!p2 $0x0;
	p3 =	sgt.s32 @!p1 s20, $0x7F  }
0x2f: {  	s19 =	sadd.s32 @!p1 $0xFFFFFFC0, s16;
	s17 =	ssub.s32 @!p1 $0x1000, s17;
	p3 =	por !p3, p1  }
0x30: {  	p2 =	sgt.s32 @!p1 s19, $0x7F;
	s19 =	sadd.s32 $0x80, s12;
	s17 =	simm.s32 @!p3 $0x0  }
0x31: {  	p3 =	sgt.s32 s19, $0xBF;
	s17 =	smul.u32 @!p1 s17, s18;
	s18 =	simm.s32 $0x1  }
0x32: {  	s16 =	ssub.s32 @!p1 $0xC0, s16;
	p2 =	por !p2, p1;
	s18 =	simm.s32 @!p3 $0x0  }
0x33: {  	s21 =	smov.u32 s14;
	s16 =	simm.s32 @!p2 $0x0;
	s20 =	sadd.s32 s18, s13  }
0x34: {  	s16 =	smul.u32 @!p1 s16, s17;
	s17 =	sadd.s32 $0x1000, s14;
	p2 =	sgt.s32 s20, $0xC7  }
0x35: {  	p0 =	por !p0, !p0;
	s22 =	simm.s32 @!p1 $0x2;
	s21 =	smov.u32 @p2 s17  }
0x36: {  	s19 =	simm.s32 @p3 $0x0;
	s20 =	simm.s32 @p2 $0x0;
	p2 =	sgt.s32 s21, $0xFFF  }
0x37: {  	s18 =	smov.u32 s10;
	s21 =	smov.u32 @p2 s2;
	p2 =	sne.s32 s15, s7  }
.Ltmp1:
0x38: {  	s10 =	smov.u32 s13;
	s16 =	sand.u32 @!p1 $0x3FFFFFFF, s16;
	(pc) =	sbr.rel @!p2 .LBB1_6-.Ltmp1, $4  }
0x39: {  	s17 =	smov.u32 s11;
	s11 =	smov.u32 s14;
	_ =	swait.ge @!p1 [sflag:s22], s16  }
0x3a: {  	s23 =	ssub.s32 @!p1 $0x0, s16;
	s16 =	smov.u32 s9;
	s9 =	smov.u32 s12  }
0x3b: {  	s12 =	smov.u32 s19;
	s13 =	smov.u32 s20;
	[sflag:s22] =	ssyncset.done @!p1 $0x0  }
0x3c: {  	s15 =	sadd.s32 $0x1, s15;
	[sflag:s22] =	ssyncadd.s32 @!p1 s23;
	s14 =	smov.u32 s21  }
.LBB1_1:
0x3d: {  	p1 =	sge.u32 s15, s5  }
0x3e: {  	s19 =	sshll.u32 @!p1 s13, $0x8;
	s20 =	sshll.u32 @!p1 s12, $0x3  }
0x3f: {  	s21 =	sshll.u32 @!p1 s13, $0x7;
	s19 =	sand.u32 @!p1 $0xFFFFF800, s19;
	s20 =	sand.u32 @!p1 $0xFFFFFC00, s20  }
0x40: {  	s19 =	sadd.s32 @!p1 s19, s20;
	s20 =	sand.u32 @!p1 $0x300, s21  }
0x41: {  	s19 =	sor.u32 @!p1 s20, s19  }
0x42: {  	s19 =	sshrl.u32 @!p1 s19, $0x8  }
0x43: {  	s31 =	sadd.s32 $0xFFFFFFFF, s15;
	s20 =	smulhi.u32 @!p1 $0x147AE15, s19  }
0x44: {  	s22 =	sxor.u32 @!p1 $0xFFFFFFFF, s15;
	s23 =	sand.u32 @!p1 $0x78, s12;
	s24 =	smul.u32 @!p1 $0x1900, s14  }
0x45: {  	s22 =	sshll.u32 @!p1 s22, $0xE;
	s21 =	sand.u32 @!p1 $0x80, s21;
	s20 =	smul.u32 @!p1 $0xC8, s20  }
0x46: {  	s22 =	sand.u32 @!p1 $0x4000, s22;
	s21 =	sor.u32 @!p1 s23, s21;
	s23 =	sand.u32 @!p1 $0x7, s12  }
0x47: {  	s19 =	ssub.s32 @!p1 s19, s20;
	s20 =	sshrl.u32 @!p1 s21, $0x3;
	s21 =	sadd.s32 @!p1 s6, s24  }
0x48: {  	s19 =	sshll.u32 @!p1 s19, $0x5;
	s20 =	sadd.s32 @!p1 s20, s21;
	s21 =	sshll.u32 @!p1 s23, $0x12  }
0x49: {  	s19 =	sadd.s32 @!p1 s19, s20;
	s20 =	sor.u32 @!p1 $0x80, s21;
	s21 =	simm.s32 @!p1 $0xC800  }
0x4a: {  	[tilespmem:s22], [sflag:$0x1] =	stream.strided.gather @!p1 [hbm4b:s19+s20], $0x4000, s21, s20, $0x38;
	[tilespmem:$0x10100] =	vst v63  }
0x4b: {  	p1 =	sge.u32 s31, s5  }
.Ltmp2:
0x4c: {  	_ = 	snop;
	(pc) =	sbr.rel @p1 .LBB1_5-.Ltmp2, $1  }
0x4d: {  	_ =	sdelay $0x3  }
0x4e: {  	s19 =	simm.s32 $0x1  }
0x4f: {  	_ =	swait.ge [sflag:s4], $0x4000;
	s19 =	simm.s32 @!p0 $0x0  }
0x50: {  	[sflag:s4] =	ssyncset.done $0x0;
	s20 =	sshll.u32 s19, $0xE  }
0x51: {  	[sflag:s4] =	ssyncadd.s32 $0xFFFFC000;
	s20 =	sor.u32 $0x40, s20  }
0x52: {  	s19 =	smul.u32 $0x10200, s19;
	v0 =	vld [tilespmem:s20+$0x30]  }
0x53: {  	v1 =	vld [tilespmem:s20+$0xFFFFFFD0]  }
0x54: {  	s19 =	sshrl.u32 s19, $0x2;
	v5 =	vld [tilespmem:s20+$0xFFFFFFE0]  }
0x55: {  	v6 =	vld [tilespmem:s20+$0xFFFFFFF0];
	s22 =	sor.u32 $0x8000, s19  }
0x56: {  	s31 =	sand.u32 $0x1, s15;
	v4 =	vld [tilespmem:s20+$0x0];
	s21 =	sadd.s32 $0x0, s22  }
0x57: {  	v3 =	vld [tilespmem:s20+$0x10];
	s19 =	smul.u32 $0x10200, s31;
	[tilespmem:s21+$0x3870 ss:$0x81] =	vst.msk $0xffff, v0  }
0x58: {  	v2 =	vld [tilespmem:s20+$0x20];
	[tilespmem:s21+$0x810 ss:$0x81] =	vst.msk $0xffff, v1  }
0x59: {  	s19 =	sshrl.u32 s19, $0x2;
	v1 =	vld [tilespmem:s20+$0xFFFFFFC0];
	[tilespmem:s21+$0x1020 ss:$0x81] =	vst.msk $0xffff, v5;
	s20 =	sadd.s32 $0x80, s20  }
0x5a: {  	s23 =	simm.s32 $0x4;
	s24 =	simm.s32 $0x8;
	s19 =	sor.u32 $0x8000, s19;
	[tilespmem:s21+$0x1830 ss:$0x81] =	vst.msk $0xffff, v6;
	v0 =	vld [tilespmem:s20+$0x30]  }
.LBB1_3:
0x5b: {  	p1 =	sne.s32 s24, $0x1FC;
	v5 =	vld [tilespmem:s20+$0xFFFFFFD0];
	[tilespmem:s21+$0x2040 ss:$0x81] =	vst.msk $0xffff, v4  }
0x5c: {  	v6 =	vld [tilespmem:s20+$0xFFFFFFE0];
	[tilespmem:s21+$0x2850 ss:$0x81] =	vst.msk $0xffff, v3  }
0x5d: {  	s25 =	sshra.s32 s23, $0x2;
	s23 =	smov.u32 s24;
	v7 =	vld [tilespmem:s20+$0xFFFFFFF0];
	[tilespmem:s21+$0x3060 ss:$0x81] =	vst.msk $0xffff, v2  }
.Ltmp3:
0x5e: {  	v4 =	vld [tilespmem:s20+$0x0];
	[tilespmem:s21+$0x0 ss:$0x81] =	vst.msk $0xffff, v1;
	s21 =	sadd.s32 s25, s22;
	(pc) =	sbr.rel @p1 .LBB1_3-.Ltmp3, $4  }
0x5f: {  	v3 =	vld [tilespmem:s20+$0x10];
	[tilespmem:s21+$0x3870 ss:$0x81] =	vst.msk $0xffff, v0  }
0x60: {  	[tilespmem:s21+$0x810 ss:$0x81] =	vst.msk $0xffff, v5;
	v2 =	vld [tilespmem:s20+$0x20]  }
0x61: {  	v1 =	vld [tilespmem:s20+$0xFFFFFFC0];
	[tilespmem:s21+$0x1020 ss:$0x81] =	vst.msk $0xffff, v6;
	s20 =	sadd.s32 $0x80, s20  }
0x62: {  	s24 =	sadd.s32 $0x4, s24;
	v0 =	vld [tilespmem:s20+$0x30];
	[tilespmem:s21+$0x1830 ss:$0x81] =	vst.msk $0xffff, v7  }
.Ltmp4:
0x63: {  	_ = 	snop;
	(pc) =	sbr.rel .LBB1_4-.Ltmp4, $1  }
0x64: {  	_ =	sdelay $0x3  }
.LBB1_6:
0x65: {  	_ =	sfence.sel $0x180000  }
0x66: {  	s2 =	simm.s32 $0x1;
	[bflag:$0x0] =	sbarrier.arrive $0xFFFF  }
0x67: {  	s31 =	simm.s32 $0x2;
	[sflag:s2] =	ssyncpa.u1 $0x1  }
0x68: {  	[sflag:s31] =	ssyncpa.u1 $0x1  }
0x69: {  	p0 =	sne.s32 s0, $0x0;
	_ =	strace $0x9000004A  }
0x6a: {  	s0 =	sadd.s32 @!p0 $0x100000, s1;
	[bflag:$0x2] =	sbarrier.arrive $0xFFFF  }
0x6b: {  	[sflag:s0] =	ssyncadd.tile.s32 @!p0 $0x1;
	_ =	shalt  }
.Lfunc_end1:
_tile_overlayer_lowered:
.L_overlay_start_2:
0x6c: {  	(tag) =	ssettag $0x2  }
0x6d: {  	s0 =	rddreg [dreg:$0x0];
	s2 =	stileid.u32  }
0x6e: {  	s1 =	rddreg [dreg:$0x1];
	p0 =	sne.s32 s2, $0x0  }
0x6f: {  	s3 =	rddreg [dreg:$0x2];
	[bflag:$0x3] =	sbarrier.arrive $0xFFFF;
	s2 =	simm.s32 @!p0 $0x1C01  }
0x70: {  	[timem:s3], [sflag:s2] =	dma.local @!p0 [hbm:s0], s1  }
0x71: {  	s0 =	simm.s32 @!p0 $0x1  }
0x72: {  	_ =	swait.ge @!p0 [sflag:s0], s1  }
0x73: {  	s1 =	ssub.s32 @!p0 $0x0, s1;
	[sflag:s0] =	ssyncset.done @!p0 $0x0  }
0x74: {  	[sflag:s0] =	ssyncadd.s32 @!p0 s1  }
0x75: {  	[bflag:$0x3] =	sbarrier.arrive $0xFFFF  }
0x76: {  	_ =	shalt  }

</sc_bundles>
